<compile_context>
chip_gen: v7x
topology: tpu7x:2x2x1
jax: 0.10.2.dev20260603
libtpu: 0.0.44.dev20260713+nightly
codegen_flags: <defaults>
</compile_context>

<pallas_src>
import functools

import jax
import jax.numpy as jnp
from jax import lax
from jax.experimental import pallas as pl
from jax.experimental.pallas import tpu as pltpu
from jax.experimental.pallas import tpu_sc as plsc

N = 10000
D = 128
E = 320000
NC = 2
NS = 16
NW = NC * NS
K = 128
STEPS = 80
EPAD = NW * STEPS * K
ACC_ROWS = 10112
STRIPE = ACC_ROWS // NS
DPT = E // NW
BETA = 0.5
CVAL = 1.0

_sc_mesh = plsc.VectorSubcoreMesh(core_axis_name="c", subcore_axis_name="s")



def _deg_body(dst_hbm, out_hbm, idx_v, deg_v):
    c = lax.axis_index("c")
    s = lax.axis_index("s")
    w = s * NC + c
    pltpu.sync_copy(dst_hbm.at[w], idx_v)
    zeros16 = jnp.zeros((16,), jnp.float32)

    def zstep(i, _):
        deg_v[pl.ds(i * 16, 16)] = zeros16
        return 0

    lax.fori_loop(0, DPT // 16, zstep, 0)
    ones16 = jnp.ones((16,), jnp.float32)

    def astep(i, _):
        idx = idx_v[pl.ds(i * 16, 16)]
        plsc.addupdate_scatter(deg_v, [idx], ones16)
        return 0

    lax.fori_loop(0, DPT // 16, astep, 0)
    pltpu.sync_copy(deg_v, out_hbm.at[w])


_deg_call = functools.partial(
    pl.kernel,
    out_type=jax.ShapeDtypeStruct((NW, DPT), jnp.float32),
    mesh=_sc_mesh,
    scratch_types=[
        pltpu.VMEM((DPT,), jnp.int32),
        pltpu.VMEM((DPT,), jnp.float32),
    ],
    compiler_params=pltpu.CompilerParams(needs_layout_passes=False),
)(_deg_body)



def _scatter_body(g_hbm, srcp_hbm, dstp_hbm, out_hbm,
                  idxs, idxd, bufs, gsems, ssems, acc):
    c = lax.axis_index("c")
    s = lax.axis_index("s")
    w = s * NC + c
    zeros16 = jnp.zeros((16,), jnp.float32)

    def zstep(r, _):
        for j in range(D // 16):
            bufs[0][r, pl.ds(j * 16, 16)] = zeros16
        return 0

    lax.fori_loop(0, K, zstep, 0)
    off = 0
    while off < STRIPE:
        n = min(K, STRIPE - off)
        pltpu.sync_copy(bufs[0].at[pl.ds(0, n)],
                        acc.at[pl.ds(s * STRIPE + off, n)])
        off += n
    plsc.subcore_barrier()

    HS = STEPS // 2
    H2 = HS // 2

    def _sidx(l):
        return idxs.at[pl.ds(l * K, K)]

    def _didx(l):
        return idxd.at[pl.ds(l * K, K)]

    def _gather(slot, l):
        pltpu.async_copy(g_hbm.at[_sidx(l)], bufs[slot], gsems[slot])

    def _fire(slot, l):
        pltpu.make_async_copy(g_hbm.at[_sidx(l)], bufs[slot], gsems[slot]).wait()
        pltpu.async_copy(bufs[slot], acc.at[_didx(l)], ssems[slot], add=True)

    def _swait(slot, l):
        pltpu.make_async_copy(bufs[slot], acc.at[_didx(l)], ssems[slot]).wait()

    for half in (0, 1):
        base = half * HS * K
        pltpu.sync_copy(srcp_hbm.at[w, pl.ds(base, HS * K)], idxs)
        pltpu.sync_copy(dstp_hbm.at[w, pl.ds(base, HS * K)], idxd)
        _gather(0, 0)

        def step(j, _):
            l0 = 2 * j

            @pl.when(j >= 1)
            def _():
                _swait(1, l0 - 1)

            _gather(1, l0 + 1)
            _fire(0, l0)

            @pl.when(j < H2 - 1)
            def _():
                _swait(0, l0)
                _gather(0, l0 + 2)

            _fire(1, l0 + 1)
            return 0

        lax.fori_loop(0, H2, step, 0)
        _swait(0, HS - 2)
        _swait(1, HS - 1)
    plsc.subcore_barrier()
    pltpu.sync_copy(acc.at[pl.ds(s * STRIPE, STRIPE)],
                    out_hbm.at[c, pl.ds(s * STRIPE, STRIPE)])


_scatter_call = functools.partial(
    pl.kernel,
    out_type=jax.ShapeDtypeStruct((NC, ACC_ROWS, D), jnp.float32),
    mesh=_sc_mesh,
    scratch_types=[
        pltpu.VMEM((STEPS // 2 * K,), jnp.int32),
        pltpu.VMEM((STEPS // 2 * K,), jnp.int32),
        [pltpu.VMEM((K, D), jnp.float32)] * 2,
        [pltpu.SemaphoreType.DMA] * 2,
        [pltpu.SemaphoreType.DMA] * 2,
        pltpu.VMEM_SHARED((ACC_ROWS, D), jnp.float32),
    ],
    compiler_params=pltpu.CompilerParams(needs_layout_passes=False),
)(_scatter_body)



R = 2000
G = N // R


def _tc1_body(x_ref, Win_ref, bin_ref, Wg_ref, degp_ref, h_ref, g_ref, dis_ref):
    deg = jnp.sum(degp_ref[...], axis=0) + 1.0
    dis = lax.rsqrt(deg)[:, None]
    h = jnp.dot(x_ref[...], Win_ref[...], preferred_element_type=jnp.float32) + bin_ref[...]
    g = jnp.dot(h, Wg_ref[...], preferred_element_type=jnp.float32) * dis
    h_ref[...] = h
    g_ref[...] = g
    dis_ref[...] = dis


_tc1_call = pl.pallas_call(
    _tc1_body,
    out_shape=[
        jax.ShapeDtypeStruct((N, D), jnp.float32),
        jax.ShapeDtypeStruct((N, D), jnp.float32),
        jax.ShapeDtypeStruct((N, 1), jnp.float32),
    ],
)


def _mix(parts, g, h, dis, bg, lnw, lnb):
    acc = parts[0] + parts[1]
    y = dis * (acc + g) + bg
    mu = jnp.mean(y, axis=-1, keepdims=True)
    var = jnp.mean((y - mu) ** 2, axis=-1, keepdims=True)
    z = (y - mu) * lax.rsqrt(var + 1e-5) * lnw + lnb
    tilde = (CVAL - BETA) * jnp.maximum(z, 0.0) + BETA * y
    return tilde + (CVAL - BETA) * h


def _tc2_body(parts_ref, g_ref, h_ref, dis_ref, bg_ref, lnw_ref, lnb_ref,
              Wg_ref, h1_ref, g1_ref):
    dis = dis_ref[...]
    h1 = _mix(parts_ref[...], g_ref[...], h_ref[...], dis,
              bg_ref[...], lnw_ref[...], lnb_ref[...])
    h1_ref[...] = h1
    g1_ref[...] = jnp.dot(h1, Wg_ref[...], preferred_element_type=jnp.float32) * dis


_tc2_call = pl.pallas_call(
    _tc2_body,
    grid=(G,),
    in_specs=[
        pl.BlockSpec((2, R, D), lambda b: (0, b, 0)),
        pl.BlockSpec((R, D), lambda b: (b, 0)),
        pl.BlockSpec((R, D), lambda b: (b, 0)),
        pl.BlockSpec((R, 1), lambda b: (b, 0)),
        pl.BlockSpec((1, D), lambda b: (0, 0)),
        pl.BlockSpec((1, D), lambda b: (0, 0)),
        pl.BlockSpec((1, D), lambda b: (0, 0)),
        pl.BlockSpec((D, D), lambda b: (0, 0)),
    ],
    out_specs=[
        pl.BlockSpec((R, D), lambda b: (b, 0)),
        pl.BlockSpec((R, D), lambda b: (b, 0)),
    ],
    out_shape=[
        jax.ShapeDtypeStruct((N, D), jnp.float32),
        jax.ShapeDtypeStruct((N, D), jnp.float32),
    ],
)


def _tc3_body(parts_ref, g_ref, h_ref, dis_ref, bg_ref, lnw_ref, lnb_ref,
              Wout_ref, bout_ref, out_ref):
    h2 = _mix(parts_ref[...], g_ref[...], h_ref[...], dis_ref[...],
              bg_ref[...], lnw_ref[...], lnb_ref[...])
    out_ref[...] = (jnp.dot(h2, Wout_ref[...], preferred_element_type=jnp.float32)
                    + bout_ref[...])


_tc3_call = pl.pallas_call(
    _tc3_body,
    grid=(G,),
    in_specs=[
        pl.BlockSpec((2, R, D), lambda b: (0, b, 0)),
        pl.BlockSpec((R, D), lambda b: (b, 0)),
        pl.BlockSpec((R, D), lambda b: (b, 0)),
        pl.BlockSpec((R, 1), lambda b: (b, 0)),
        pl.BlockSpec((1, D), lambda b: (0, 0)),
        pl.BlockSpec((1, D), lambda b: (0, 0)),
        pl.BlockSpec((1, D), lambda b: (0, 0)),
        pl.BlockSpec((D, D), lambda b: (0, 0)),
        pl.BlockSpec((1, D), lambda b: (0, 0)),
    ],
    out_specs=pl.BlockSpec((R, D), lambda b: (b, 0)),
    out_shape=jax.ShapeDtypeStruct((N, D), jnp.float32),
)


def kernel(x, edge_index, W_in, b_in, Wg0, bg0, lnw0, lnb0, Wg1, bg1, lnw1,
           lnb1, W_out, b_out):
    src = edge_index[0]
    dst = edge_index[1]
    pad = EPAD - E
    pad_src = jnp.arange(pad, dtype=src.dtype) % N
    pad_dst = N + jnp.arange(pad, dtype=dst.dtype) % (ACC_ROWS - N)
    srcp = jnp.concatenate([src, pad_src]).reshape(NW, STEPS * K)
    dstp = jnp.concatenate([dst, pad_dst]).reshape(NW, STEPS * K)
    dst2d = dst.reshape(NW, DPT)

    vec = lambda v: v.reshape(1, D)

    degp = _deg_call(dst2d)
    h, g0, dis = _tc1_call(x, W_in, vec(b_in), Wg0, degp)
    p0 = _scatter_call(g0, srcp, dstp)
    h1, g1 = _tc2_call(p0, g0, h, dis, vec(bg0), vec(lnw0), vec(lnb0), Wg1)
    p1 = _scatter_call(g1, srcp, dstp)
    out = _tc3_call(p1, g1, h1, dis, vec(bg1), vec(lnw1), vec(lnb1), W_out,
                    vec(b_out))
    return out

# --- scband reference (transcript-rebuilt; emitter-appended) ---
"""Pipeline reference for scband-mix-res-net-gnn-14697378087222 (READ-ONLY COPY).

The authoritative reference and input builder live on the scoring server;
editing this copy changes nothing except your own understanding.
"""

import jax, jax.numpy as jnp
import numpy as np

N = 10000
D = 128
E = 320000
BETA = 0.5
CVAL = 1.0


def setup_inputs(seed: int = 0):
    key = jax.random.key(seed)
    ks = jax.random.split(key, 16)
    s = 1.0 / np.sqrt(D)
    inp = {}
    inp['x'] = jax.random.normal(ks[0], (N, D), dtype=jnp.float32)
    inp['edge_index'] = jax.random.randint(ks[1], (2, E), 0, N, dtype=jnp.int32)
    inp['W_in'] = jax.random.normal(ks[2], (D, D), dtype=jnp.float32) * s
    inp['b_in'] = jnp.zeros((D,), dtype=jnp.float32)
    inp['Wg0'] = jax.random.normal(ks[3], (D, D), dtype=jnp.float32) * s
    inp['bg0'] = jnp.zeros((D,), dtype=jnp.float32)
    inp['lnw0'] = jnp.ones((D,), dtype=jnp.float32)
    inp['lnb0'] = jnp.zeros((D,), dtype=jnp.float32)
    inp['Wg1'] = jax.random.normal(ks[4], (D, D), dtype=jnp.float32) * s
    inp['bg1'] = jnp.zeros((D,), dtype=jnp.float32)
    inp['lnw1'] = jnp.ones((D,), dtype=jnp.float32)
    inp['lnb1'] = jnp.zeros((D,), dtype=jnp.float32)
    inp['W_out'] = jax.random.normal(ks[5], (D, D), dtype=jnp.float32) * s
    inp['b_out'] = jnp.zeros((D,), dtype=jnp.float32)
    return inp


def _layernorm(y, w, b):
    mu = jnp.mean(y, axis=-1, keepdims=True)
    var = jnp.var(y, axis=-1, keepdims=True)
    return (y - mu) / jnp.sqrt(var + 1e-5) * w + b


def _gcn_conv(x, W, b, src, dst):
    # PyG GCNConv: h = lin(x); symmetric normalization with self-loops already appended
    h = x @ W
    ones = jnp.ones(dst.shape[0], dtype=x.dtype)
    deg = jnp.zeros((N,), dtype=x.dtype).at[dst].add(ones)
    dis = jnp.where(deg > 0, 1.0 / jnp.sqrt(deg), 0.0)
    norm = dis[src] * dis[dst]
    out = jnp.zeros_like(h).at[dst].add(norm[:, None] * h[src])
    return out + b


def reference(x, edge_index, W_in, b_in, Wg0, bg0, lnw0, lnb0, Wg1, bg1, lnw1, lnb1, W_out, b_out):
    loop = jnp.arange(N, dtype=edge_index.dtype)
    src = jnp.concatenate([edge_index[0], loop])
    dst = jnp.concatenate([edge_index[1], loop])
    h = x @ W_in + b_in
    for (Wg, bg, lnw, lnb) in ((Wg0, bg0, lnw0, lnb0), (Wg1, bg1, lnw1, lnb1)):
        y = _gcn_conv(h, Wg, bg, src, dst)
        z = _layernorm(y, lnw, lnb)
        # faithful to source: tilde = (C - beta) * act(z) + beta * y  (mix uses pre-norm y)
        tilde = (CVAL - BETA) * jax.nn.relu(z) + BETA * y
        # dropout is identity in eval mode
        h = tilde + (CVAL - BETA) * h
    out = h @ W_out + b_out
    return out

if __name__ == "__main__":
    import jax
    _d = setup_inputs()
    print(jax.jit(kernel)(*tuple(_d.values())))

</pallas_src>

<mosaic_0001>
#map = affine_map<(d0, d1) -> (0, 0)>
#map1 = affine_map<(d0, d1) -> (0, 0, 0)>
module attributes {stable_mosaic.version = 14 : i64} {
  func.func @_scatter_body(%arg0: i32, %arg1: i32, %arg2: memref<10000x128xf32, #tpu.memory_space<hbm>>, %arg3: memref<32x10240xi32, #tpu.memory_space<hbm>>, %arg4: memref<32x10240xi32, #tpu.memory_space<hbm>>, %arg5: memref<2x10112x128xf32, #tpu.memory_space<hbm>>, %arg6: memref<5120xi32, #tpu.memory_space<vmem>>, %arg7: memref<5120xi32, #tpu.memory_space<vmem>>, %arg8: memref<128x128xf32, #tpu.memory_space<vmem>>, %arg9: memref<128x128xf32, #tpu.memory_space<vmem>>, %arg10: memref<!tpu.dma_semaphore, #tpu.memory_space<semaphore_mem>>, %arg11: memref<!tpu.dma_semaphore, #tpu.memory_space<semaphore_mem>>, %arg12: memref<!tpu.dma_semaphore, #tpu.memory_space<semaphore_mem>>, %arg13: memref<!tpu.dma_semaphore, #tpu.memory_space<semaphore_mem>>, %arg14: memref<10112x128xf32, #tpu.memory_space<vmem_shared>>) attributes {dimension_semantics = [#tpu.dimension_semantics<core_parallel>, #tpu.dimension_semantics<subcore_parallel>], iteration_bounds = array<i64: 2, 16>, scalar_prefetch = 0 : i64, scratch_operands = 9 : i64, tpu.core_type = #tpu.core_type<sc_vector_subcore>, window_params = [{transform_indices = #map}, {transform_indices = #map}, {transform_indices = #map}, {transform_indices = #map1}]} {
    %mul3A = arith.constant 2 : i32
    %mul3A_0 = arith.muli %arg1, %mul3A : i32
    %add3A = arith.addi %mul3A_0, %arg0 : i32
    %broadcast_in_dim3A = arith.constant 0.000000e+00 : f32
    %broadcast_in_dim3A_1 = vector.broadcast %broadcast_in_dim3A : f32 to vector<16xf32>
    %scan3A = arith.constant 0 : i32
    %scan3A_2 = arith.constant 0 : i32
    %scan3A_3 = arith.constant 128 : i32
    %scan3A_4 = arith.addi %scan3A_2, %scan3A_3 : i32
    %scan3A_5 = arith.constant 1 : i32
    %scan3A_6 = scf.for %scan3A_75 = %scan3A_2 to %scan3A_4 step %scan3A_5 iter_args(%scan3A_76 = %scan3A) -> (i32)  : i32 {
      %swap3A = arith.index_cast %scan3A_75 : i32 to index
      %swap3A_77 = arith.constant 0 : index
      %swap3A_78 = tpu.vector_load %arg8[%swap3A, %swap3A_77] {strides = array<i32>} : memref<128x128xf32, #tpu.memory_space<vmem>>, vector<16xf32>,
      tpu.vector_store %arg8[%swap3A, %swap3A_77], %broadcast_in_dim3A_1 {strides = array<i32>} : memref<128x128xf32, #tpu.memory_space<vmem>>, vector<16xf32>,
      %swap3A_79 = arith.index_cast %scan3A_75 : i32 to index
      %swap3A_80 = arith.constant 16 : index
      %swap3A_81 = tpu.vector_load %arg8[%swap3A_79, %swap3A_80] {strides = array<i32>} : memref<128x128xf32, #tpu.memory_space<vmem>>, vector<16xf32>,
      tpu.vector_store %arg8[%swap3A_79, %swap3A_80], %broadcast_in_dim3A_1 {strides = array<i32>} : memref<128x128xf32, #tpu.memory_space<vmem>>, vector<16xf32>,
      %swap3A_82 = arith.index_cast %scan3A_75 : i32 to index
      %swap3A_83 = arith.constant 32 : index
      %swap3A_84 = tpu.vector_load %arg8[%swap3A_82, %swap3A_83] {strides = array<i32>} : memref<128x128xf32, #tpu.memory_space<vmem>>, vector<16xf32>,
      tpu.vector_store %arg8[%swap3A_82, %swap3A_83], %broadcast_in_dim3A_1 {strides = array<i32>} : memref<128x128xf32, #tpu.memory_space<vmem>>, vector<16xf32>,
      %swap3A_85 = arith.index_cast %scan3A_75 : i32 to index
      %swap3A_86 = arith.constant 48 : index
      %swap3A_87 = tpu.vector_load %arg8[%swap3A_85, %swap3A_86] {strides = array<i32>} : memref<128x128xf32, #tpu.memory_space<vmem>>, vector<16xf32>,
      tpu.vector_store %arg8[%swap3A_85, %swap3A_86], %broadcast_in_dim3A_1 {strides = array<i32>} : memref<128x128xf32, #tpu.memory_space<vmem>>, vector<16xf32>,
      %swap3A_88 = arith.index_cast %scan3A_75 : i32 to index
      %swap3A_89 = arith.constant 64 : index
      %swap3A_90 = tpu.vector_load %arg8[%swap3A_88, %swap3A_89] {strides = array<i32>} : memref<128x128xf32, #tpu.memory_space<vmem>>, vector<16xf32>,
      tpu.vector_store %arg8[%swap3A_88, %swap3A_89], %broadcast_in_dim3A_1 {strides = array<i32>} : memref<128x128xf32, #tpu.memory_space<vmem>>, vector<16xf32>,
      %swap3A_91 = arith.index_cast %scan3A_75 : i32 to index
      %swap3A_92 = arith.constant 80 : index
      %swap3A_93 = tpu.vector_load %arg8[%swap3A_91, %swap3A_92] {strides = array<i32>} : memref<128x128xf32, #tpu.memory_space<vmem>>, vector<16xf32>,
      tpu.vector_store %arg8[%swap3A_91, %swap3A_92], %broadcast_in_dim3A_1 {strides = array<i32>} : memref<128x128xf32, #tpu.memory_space<vmem>>, vector<16xf32>,
      %swap3A_94 = arith.index_cast %scan3A_75 : i32 to index
      %swap3A_95 = arith.constant 96 : index
      %swap3A_96 = tpu.vector_load %arg8[%swap3A_94, %swap3A_95] {strides = array<i32>} : memref<128x128xf32, #tpu.memory_space<vmem>>, vector<16xf32>,
      tpu.vector_store %arg8[%swap3A_94, %swap3A_95], %broadcast_in_dim3A_1 {strides = array<i32>} : memref<128x128xf32, #tpu.memory_space<vmem>>, vector<16xf32>,
      %swap3A_97 = arith.index_cast %scan3A_75 : i32 to index
      %swap3A_98 = arith.constant 112 : index
      %swap3A_99 = tpu.vector_load %arg8[%swap3A_97, %swap3A_98] {strides = array<i32>} : memref<128x128xf32, #tpu.memory_space<vmem>>, vector<16xf32>,
      tpu.vector_store %arg8[%swap3A_97, %swap3A_98], %broadcast_in_dim3A_1 {strides = array<i32>} : memref<128x128xf32, #tpu.memory_space<vmem>>, vector<16xf32>,
      %scan3A_100 = arith.constant 0 : i32
      scf.yield %scan3A_100 : i32
    }
    %scan3A_7 = arith.constant 128 : i32
    %mul3A_8 = arith.constant 632 : i32
    %mul3A_9 = arith.muli %arg1, %mul3A_8 : i32
    %add3A_10 = arith.constant 0 : i32
    %add3A_11 = arith.addi %mul3A_9, %add3A_10 : i32
    "tpu.region"() ({
      %run_scoped3A = tpu.sem_alloc : memref<!tpu.dma_semaphore, #tpu.memory_space<semaphore_mem>>
      %dma_start3A_75 = arith.constant 0 : i32
      %dma_start3A_76 = arith.constant 0 : i32
      %dma_start3A_77 = tpu.memref_slice %arg8[%dma_start3A_75, %dma_start3A_76] : memref<128x128xf32, #tpu.memory_space<vmem>> -> memref<128x128xf32, #tpu.memory_space<vmem>>
      %dma_start3A_78 = arith.constant 0 : i32
      %dma_start3A_79 = tpu.memref_slice %arg14[%add3A_11, %dma_start3A_78] : memref<10112x128xf32, #tpu.memory_space<vmem_shared>> -> memref<128x128xf32, #tpu.memory_space<vmem_shared>>
      %dma_start3A_80 = arith.constant 0 : i32
      %dma_start3A_81 = tpu.memref_slice %arg14[%add3A_11, %dma_start3A_80] : memref<10112x128xf32, #tpu.memory_space<vmem_shared>> -> memref<128x128xf32, #tpu.memory_space<vmem_shared>>
      %dma_start3A_82 = arith.constant 0 : i32
      %dma_start3A_83 = arith.constant 0 : i32
      %dma_start3A_84 = tpu.memref_slice %arg8[%dma_start3A_82, %dma_start3A_83] : memref<128x128xf32, #tpu.memory_space<vmem>> -> memref<128x128xf32, #tpu.memory_space<vmem>>
      tpu.enqueue_dma source(%dma_start3A_84 : memref<128x128xf32, #tpu.memory_space<vmem>>) target(%dma_start3A_81 : memref<128x128xf32, #tpu.memory_space<vmem_shared>>) target_semaphore(%run_scoped3A : memref<!tpu.dma_semaphore, #tpu.memory_space<semaphore_mem>>)
      %dma_wait3A_85 = arith.constant 0 : i32
      %dma_wait3A_86 = arith.constant 0 : i32
      %dma_wait3A_87 = tpu.memref_slice %arg8[%dma_wait3A_85, %dma_wait3A_86] : memref<128x128xf32, #tpu.memory_space<vmem>> -> memref<128x128xf32, #tpu.memory_space<vmem>>
      %dma_wait3A_88 = arith.constant 0 : i32
      %dma_wait3A_89 = tpu.memref_slice %arg14[%add3A_11, %dma_wait3A_88] : memref<10112x128xf32, #tpu.memory_space<vmem_shared>> -> memref<128x128xf32, #tpu.memory_space<vmem_shared>>
      %dma_wait3A_90 = arith.constant 0 : i32
      %dma_wait3A_91 = tpu.memref_slice %arg14[%add3A_11, %dma_wait3A_90] : memref<10112x128xf32, #tpu.memory_space<vmem_shared>> -> memref<128x128xf32, #tpu.memory_space<vmem_shared>>
      %dma_wait3A_92 = arith.constant 0 : i32
      %dma_wait3A_93 = arith.constant 0 : i32
      %dma_wait3A_94 = tpu.memref_slice %arg8[%dma_wait3A_92, %dma_wait3A_93] : memref<128x128xf32, #tpu.memory_space<vmem>> -> memref<128x128xf32, #tpu.memory_space<vmem>>
      tpu.wait_dma2 semaphore(%run_scoped3A : memref<!tpu.dma_semaphore, #tpu.memory_space<semaphore_mem>>) src(%dma_wait3A_94 : memref<128x128xf32, #tpu.memory_space<vmem>>) dst(%dma_wait3A_91 : memref<128x128xf32, #tpu.memory_space<vmem_shared>>)
      tpu.yield
    }) : () -> ()
    %mul3A_12 = arith.constant 632 : i32
    %mul3A_13 = arith.muli %arg1, %mul3A_12 : i32
    %add3A_14 = arith.constant 128 : i32
    %add3A_15 = arith.addi %mul3A_13, %add3A_14 : i32
    "tpu.region"() ({
      %run_scoped3A = tpu.sem_alloc : memref<!tpu.dma_semaphore, #tpu.memory_space<semaphore_mem>>
      %dma_start3A_75 = arith.constant 0 : i32
      %dma_start3A_76 = arith.constant 0 : i32
      %dma_start3A_77 = tpu.memref_slice %arg8[%dma_start3A_75, %dma_start3A_76] : memref<128x128xf32, #tpu.memory_space<vmem>> -> memref<128x128xf32, #tpu.memory_space<vmem>>
      %dma_start3A_78 = arith.constant 0 : i32
      %dma_start3A_79 = tpu.memref_slice %arg14[%add3A_15, %dma_start3A_78] : memref<10112x128xf32, #tpu.memory_space<vmem_shared>> -> memref<128x128xf32, #tpu.memory_space<vmem_shared>>
      %dma_start3A_80 = arith.constant 0 : i32
      %dma_start3A_81 = tpu.memref_slice %arg14[%add3A_15, %dma_start3A_80] : memref<10112x128xf32, #tpu.memory_space<vmem_shared>> -> memref<128x128xf32, #tpu.memory_space<vmem_shared>>
      %dma_start3A_82 = arith.constant 0 : i32
      %dma_start3A_83 = arith.constant 0 : i32
      %dma_start3A_84 = tpu.memref_slice %arg8[%dma_start3A_82, %dma_start3A_83] : memref<128x128xf32, #tpu.memory_space<vmem>> -> memref<128x128xf32, #tpu.memory_space<vmem>>
      tpu.enqueue_dma source(%dma_start3A_84 : memref<128x128xf32, #tpu.memory_space<vmem>>) target(%dma_start3A_81 : memref<128x128xf32, #tpu.memory_space<vmem_shared>>) target_semaphore(%run_scoped3A : memref<!tpu.dma_semaphore, #tpu.memory_space<semaphore_mem>>)
      %dma_wait3A_85 = arith.constant 0 : i32
      %dma_wait3A_86 = arith.constant 0 : i32
      %dma_wait3A_87 = tpu.memref_slice %arg8[%dma_wait3A_85, %dma_wait3A_86] : memref<128x128xf32, #tpu.memory_space<vmem>> -> memref<128x128xf32, #tpu.memory_space<vmem>>
      %dma_wait3A_88 = arith.constant 0 : i32
      %dma_wait3A_89 = tpu.memref_slice %arg14[%add3A_15, %dma_wait3A_88] : memref<10112x128xf32, #tpu.memory_space<vmem_shared>> -> memref<128x128xf32, #tpu.memory_space<vmem_shared>>
      %dma_wait3A_90 = arith.constant 0 : i32
      %dma_wait3A_91 = tpu.memref_slice %arg14[%add3A_15, %dma_wait3A_90] : memref<10112x128xf32, #tpu.memory_space<vmem_shared>> -> memref<128x128xf32, #tpu.memory_space<vmem_shared>>
      %dma_wait3A_92 = arith.constant 0 : i32
      %dma_wait3A_93 = arith.constant 0 : i32
      %dma_wait3A_94 = tpu.memref_slice %arg8[%dma_wait3A_92, %dma_wait3A_93] : memref<128x128xf32, #tpu.memory_space<vmem>> -> memref<128x128xf32, #tpu.memory_space<vmem>>
      tpu.wait_dma2 semaphore(%run_scoped3A : memref<!tpu.dma_semaphore, #tpu.memory_space<semaphore_mem>>) src(%dma_wait3A_94 : memref<128x128xf32, #tpu.memory_space<vmem>>) dst(%dma_wait3A_91 : memref<128x128xf32, #tpu.memory_space<vmem_shared>>)
      tpu.yield
    }) : () -> ()
    %mul3A_16 = arith.constant 632 : i32
    %mul3A_17 = arith.muli %arg1, %mul3A_16 : i32
    %add3A_18 = arith.constant 256 : i32
    %add3A_19 = arith.addi %mul3A_17, %add3A_18 : i32
    "tpu.region"() ({
      %run_scoped3A = tpu.sem_alloc : memref<!tpu.dma_semaphore, #tpu.memory_space<semaphore_mem>>
      %dma_start3A_75 = arith.constant 0 : i32
      %dma_start3A_76 = arith.constant 0 : i32
      %dma_start3A_77 = tpu.memref_slice %arg8[%dma_start3A_75, %dma_start3A_76] : memref<128x128xf32, #tpu.memory_space<vmem>> -> memref<128x128xf32, #tpu.memory_space<vmem>>
      %dma_start3A_78 = arith.constant 0 : i32
      %dma_start3A_79 = tpu.memref_slice %arg14[%add3A_19, %dma_start3A_78] : memref<10112x128xf32, #tpu.memory_space<vmem_shared>> -> memref<128x128xf32, #tpu.memory_space<vmem_shared>>
      %dma_start3A_80 = arith.constant 0 : i32
      %dma_start3A_81 = tpu.memref_slice %arg14[%add3A_19, %dma_start3A_80] : memref<10112x128xf32, #tpu.memory_space<vmem_shared>> -> memref<128x128xf32, #tpu.memory_space<vmem_shared>>
      %dma_start3A_82 = arith.constant 0 : i32
      %dma_start3A_83 = arith.constant 0 : i32
      %dma_start3A_84 = tpu.memref_slice %arg8[%dma_start3A_82, %dma_start3A_83] : memref<128x128xf32, #tpu.memory_space<vmem>> -> memref<128x128xf32, #tpu.memory_space<vmem>>
      tpu.enqueue_dma source(%dma_start3A_84 : memref<128x128xf32, #tpu.memory_space<vmem>>) target(%dma_start3A_81 : memref<128x128xf32, #tpu.memory_space<vmem_shared>>) target_semaphore(%run_scoped3A : memref<!tpu.dma_semaphore, #tpu.memory_space<semaphore_mem>>)
      %dma_wait3A_85 = arith.constant 0 : i32
      %dma_wait3A_86 = arith.constant 0 : i32
      %dma_wait3A_87 = tpu.memref_slice %arg8[%dma_wait3A_85, %dma_wait3A_86] : memref<128x128xf32, #tpu.memory_space<vmem>> -> memref<128x128xf32, #tpu.memory_space<vmem>>
      %dma_wait3A_88 = arith.constant 0 : i32
      %dma_wait3A_89 = tpu.memref_slice %arg14[%add3A_19, %dma_wait3A_88] : memref<10112x128xf32, #tpu.memory_space<vmem_shared>> -> memref<128x128xf32, #tpu.memory_space<vmem_shared>>
      %dma_wait3A_90 = arith.constant 0 : i32
      %dma_wait3A_91 = tpu.memref_slice %arg14[%add3A_19, %dma_wait3A_90] : memref<10112x128xf32, #tpu.memory_space<vmem_shared>> -> memref<128x128xf32, #tpu.memory_space<vmem_shared>>
      %dma_wait3A_92 = arith.constant 0 : i32
      %dma_wait3A_93 = arith.constant 0 : i32
      %dma_wait3A_94 = tpu.memref_slice %arg8[%dma_wait3A_92, %dma_wait3A_93] : memref<128x128xf32, #tpu.memory_space<vmem>> -> memref<128x128xf32, #tpu.memory_space<vmem>>
      tpu.wait_dma2 semaphore(%run_scoped3A : memref<!tpu.dma_semaphore, #tpu.memory_space<semaphore_mem>>) src(%dma_wait3A_94 : memref<128x128xf32, #tpu.memory_space<vmem>>) dst(%dma_wait3A_91 : memref<128x128xf32, #tpu.memory_space<vmem_shared>>)
      tpu.yield
    }) : () -> ()
    %mul3A_20 = arith.constant 632 : i32
    %mul3A_21 = arith.muli %arg1, %mul3A_20 : i32
    %add3A_22 = arith.constant 384 : i32
    %add3A_23 = arith.addi %mul3A_21, %add3A_22 : i32
    "tpu.region"() ({
      %run_scoped3A = tpu.sem_alloc : memref<!tpu.dma_semaphore, #tpu.memory_space<semaphore_mem>>
      %dma_start3A_75 = arith.constant 0 : i32
      %dma_start3A_76 = arith.constant 0 : i32
      %dma_start3A_77 = tpu.memref_slice %arg8[%dma_start3A_75, %dma_start3A_76] : memref<128x128xf32, #tpu.memory_space<vmem>> -> memref<128x128xf32, #tpu.memory_space<vmem>>
      %dma_start3A_78 = arith.constant 0 : i32
      %dma_start3A_79 = tpu.memref_slice %arg14[%add3A_23, %dma_start3A_78] : memref<10112x128xf32, #tpu.memory_space<vmem_shared>> -> memref<128x128xf32, #tpu.memory_space<vmem_shared>>
      %dma_start3A_80 = arith.constant 0 : i32
      %dma_start3A_81 = tpu.memref_slice %arg14[%add3A_23, %dma_start3A_80] : memref<10112x128xf32, #tpu.memory_space<vmem_shared>> -> memref<128x128xf32, #tpu.memory_space<vmem_shared>>
      %dma_start3A_82 = arith.constant 0 : i32
      %dma_start3A_83 = arith.constant 0 : i32
      %dma_start3A_84 = tpu.memref_slice %arg8[%dma_start3A_82, %dma_start3A_83] : memref<128x128xf32, #tpu.memory_space<vmem>> -> memref<128x128xf32, #tpu.memory_space<vmem>>
      tpu.enqueue_dma source(%dma_start3A_84 : memref<128x128xf32, #tpu.memory_space<vmem>>) target(%dma_start3A_81 : memref<128x128xf32, #tpu.memory_space<vmem_shared>>) target_semaphore(%run_scoped3A : memref<!tpu.dma_semaphore, #tpu.memory_space<semaphore_mem>>)
      %dma_wait3A_85 = arith.constant 0 : i32
      %dma_wait3A_86 = arith.constant 0 : i32
      %dma_wait3A_87 = tpu.memref_slice %arg8[%dma_wait3A_85, %dma_wait3A_86] : memref<128x128xf32, #tpu.memory_space<vmem>> -> memref<128x128xf32, #tpu.memory_space<vmem>>
      %dma_wait3A_88 = arith.constant 0 : i32
      %dma_wait3A_89 = tpu.memref_slice %arg14[%add3A_23, %dma_wait3A_88] : memref<10112x128xf32, #tpu.memory_space<vmem_shared>> -> memref<128x128xf32, #tpu.memory_space<vmem_shared>>
      %dma_wait3A_90 = arith.constant 0 : i32
      %dma_wait3A_91 = tpu.memref_slice %arg14[%add3A_23, %dma_wait3A_90] : memref<10112x128xf32, #tpu.memory_space<vmem_shared>> -> memref<128x128xf32, #tpu.memory_space<vmem_shared>>
      %dma_wait3A_92 = arith.constant 0 : i32
      %dma_wait3A_93 = arith.constant 0 : i32
      %dma_wait3A_94 = tpu.memref_slice %arg8[%dma_wait3A_92, %dma_wait3A_93] : memref<128x128xf32, #tpu.memory_space<vmem>> -> memref<128x128xf32, #tpu.memory_space<vmem>>
      tpu.wait_dma2 semaphore(%run_scoped3A : memref<!tpu.dma_semaphore, #tpu.memory_space<semaphore_mem>>) src(%dma_wait3A_94 : memref<128x128xf32, #tpu.memory_space<vmem>>) dst(%dma_wait3A_91 : memref<128x128xf32, #tpu.memory_space<vmem_shared>>)
      tpu.yield
    }) : () -> ()
    %mul3A_24 = arith.constant 632 : i32
    %mul3A_25 = arith.muli %arg1, %mul3A_24 : i32
    %add3A_26 = arith.constant 512 : i32
    %add3A_27 = arith.addi %mul3A_25, %add3A_26 : i32
    "tpu.region"() ({
      %run_scoped3A = tpu.sem_alloc : memref<!tpu.dma_semaphore, #tpu.memory_space<semaphore_mem>>
      %dma_start3A_75 = arith.constant 0 : i32
      %dma_start3A_76 = arith.constant 0 : i32
      %dma_start3A_77 = tpu.memref_slice %arg8[%dma_start3A_75, %dma_start3A_76] : memref<128x128xf32, #tpu.memory_space<vmem>> -> memref<120x128xf32, #tpu.memory_space<vmem>>
      %dma_start3A_78 = arith.constant 0 : i32
      %dma_start3A_79 = tpu.memref_slice %arg14[%add3A_27, %dma_start3A_78] : memref<10112x128xf32, #tpu.memory_space<vmem_shared>> -> memref<120x128xf32, #tpu.memory_space<vmem_shared>>
      %dma_start3A_80 = arith.constant 0 : i32
      %dma_start3A_81 = tpu.memref_slice %arg14[%add3A_27, %dma_start3A_80] : memref<10112x128xf32, #tpu.memory_space<vmem_shared>> -> memref<120x128xf32, #tpu.memory_space<vmem_shared>>
      %dma_start3A_82 = arith.constant 0 : i32
      %dma_start3A_83 = arith.constant 0 : i32
      %dma_start3A_84 = tpu.memref_slice %arg8[%dma_start3A_82, %dma_start3A_83] : memref<128x128xf32, #tpu.memory_space<vmem>> -> memref<120x128xf32, #tpu.memory_space<vmem>>
      tpu.enqueue_dma source(%dma_start3A_84 : memref<120x128xf32, #tpu.memory_space<vmem>>) target(%dma_start3A_81 : memref<120x128xf32, #tpu.memory_space<vmem_shared>>) target_semaphore(%run_scoped3A : memref<!tpu.dma_semaphore, #tpu.memory_space<semaphore_mem>>)
      %dma_wait3A_85 = arith.constant 0 : i32
      %dma_wait3A_86 = arith.constant 0 : i32
      %dma_wait3A_87 = tpu.memref_slice %arg8[%dma_wait3A_85, %dma_wait3A_86] : memref<128x128xf32, #tpu.memory_space<vmem>> -> memref<120x128xf32, #tpu.memory_space<vmem>>
      %dma_wait3A_88 = arith.constant 0 : i32
      %dma_wait3A_89 = tpu.memref_slice %arg14[%add3A_27, %dma_wait3A_88] : memref<10112x128xf32, #tpu.memory_space<vmem_shared>> -> memref<120x128xf32, #tpu.memory_space<vmem_shared>>
      %dma_wait3A_90 = arith.constant 0 : i32
      %dma_wait3A_91 = tpu.memref_slice %arg14[%add3A_27, %dma_wait3A_90] : memref<10112x128xf32, #tpu.memory_space<vmem_shared>> -> memref<120x128xf32, #tpu.memory_space<vmem_shared>>
      %dma_wait3A_92 = arith.constant 0 : i32
      %dma_wait3A_93 = arith.constant 0 : i32
      %dma_wait3A_94 = tpu.memref_slice %arg8[%dma_wait3A_92, %dma_wait3A_93] : memref<128x128xf32, #tpu.memory_space<vmem>> -> memref<120x128xf32, #tpu.memory_space<vmem>>
      tpu.wait_dma2 semaphore(%run_scoped3A : memref<!tpu.dma_semaphore, #tpu.memory_space<semaphore_mem>>) src(%dma_wait3A_94 : memref<120x128xf32, #tpu.memory_space<vmem>>) dst(%dma_wait3A_91 : memref<120x128xf32, #tpu.memory_space<vmem_shared>>)
      tpu.yield
    }) : () -> ()
    %barrier3A = arith.constant 0 : index
    tpu.barrier barrier_id(%barrier3A)
    "tpu.region"() ({
      %run_scoped3A = tpu.sem_alloc : memref<!tpu.dma_semaphore, #tpu.memory_space<semaphore_mem>>
      %dma_start3A_75 = arith.constant 0 : i32
      %dma_start3A_76 = tpu.memref_slice %arg3[%add3A, %dma_start3A_75] : memref<32x10240xi32, #tpu.memory_space<hbm>> -> memref<1x5120xi32, #tpu.memory_space<hbm>>
      %dma_start3A_77 = tpu.memref_squeeze %dma_start3A_76 : memref<1x5120xi32, #tpu.memory_space<hbm>> -> memref<5120xi32, #tpu.memory_space<hbm>>
      %dma_start3A_78 = arith.constant 0 : i32
      %dma_start3A_79 = tpu.memref_slice %arg3[%add3A, %dma_start3A_78] : memref<32x10240xi32, #tpu.memory_space<hbm>> -> memref<1x5120xi32, #tpu.memory_space<hbm>>
      %dma_start3A_80 = tpu.memref_squeeze %dma_start3A_79 : memref<1x5120xi32, #tpu.memory_space<hbm>> -> memref<5120xi32, #tpu.memory_space<hbm>>
      tpu.enqueue_dma source(%dma_start3A_80 : memref<5120xi32, #tpu.memory_space<hbm>>) target(%arg6 : memref<5120xi32, #tpu.memory_space<vmem>>) target_semaphore(%run_scoped3A : memref<!tpu.dma_semaphore, #tpu.memory_space<semaphore_mem>>)
      %dma_wait3A_81 = arith.constant 0 : i32
      %dma_wait3A_82 = tpu.memref_slice %arg3[%add3A, %dma_wait3A_81] : memref<32x10240xi32, #tpu.memory_space<hbm>> -> memref<1x5120xi32, #tpu.memory_space<hbm>>
      %dma_wait3A_83 = tpu.memref_squeeze %dma_wait3A_82 : memref<1x5120xi32, #tpu.memory_space<hbm>> -> memref<5120xi32, #tpu.memory_space<hbm>>
      %dma_wait3A_84 = arith.constant 0 : i32
      %dma_wait3A_85 = tpu.memref_slice %arg3[%add3A, %dma_wait3A_84] : memref<32x10240xi32, #tpu.memory_space<hbm>> -> memref<1x5120xi32, #tpu.memory_space<hbm>>
      %dma_wait3A_86 = tpu.memref_squeeze %dma_wait3A_85 : memref<1x5120xi32, #tpu.memory_space<hbm>> -> memref<5120xi32, #tpu.memory_space<hbm>>
      tpu.wait_dma2 semaphore(%run_scoped3A : memref<!tpu.dma_semaphore, #tpu.memory_space<semaphore_mem>>) src(%dma_wait3A_86 : memref<5120xi32, #tpu.memory_space<hbm>>) dst(%arg6 : memref<5120xi32, #tpu.memory_space<vmem>>)
      tpu.yield
    }) : () -> ()
    "tpu.region"() ({
      %run_scoped3A = tpu.sem_alloc : memref<!tpu.dma_semaphore, #tpu.memory_space<semaphore_mem>>
      %dma_start3A_75 = arith.constant 0 : i32
      %dma_start3A_76 = tpu.memref_slice %arg4[%add3A, %dma_start3A_75] : memref<32x10240xi32, #tpu.memory_space<hbm>> -> memref<1x5120xi32, #tpu.memory_space<hbm>>
      %dma_start3A_77 = tpu.memref_squeeze %dma_start3A_76 : memref<1x5120xi32, #tpu.memory_space<hbm>> -> memref<5120xi32, #tpu.memory_space<hbm>>
      %dma_start3A_78 = arith.constant 0 : i32
      %dma_start3A_79 = tpu.memref_slice %arg4[%add3A, %dma_start3A_78] : memref<32x10240xi32, #tpu.memory_space<hbm>> -> memref<1x5120xi32, #tpu.memory_space<hbm>>
      %dma_start3A_80 = tpu.memref_squeeze %dma_start3A_79 : memref<1x5120xi32, #tpu.memory_space<hbm>> -> memref<5120xi32, #tpu.memory_space<hbm>>
      tpu.enqueue_dma source(%dma_start3A_80 : memref<5120xi32, #tpu.memory_space<hbm>>) target(%arg7 : memref<5120xi32, #tpu.memory_space<vmem>>) target_semaphore(%run_scoped3A : memref<!tpu.dma_semaphore, #tpu.memory_space<semaphore_mem>>)
      %dma_wait3A_81 = arith.constant 0 : i32
      %dma_wait3A_82 = tpu.memref_slice %arg4[%add3A, %dma_wait3A_81] : memref<32x10240xi32, #tpu.memory_space<hbm>> -> memref<1x5120xi32, #tpu.memory_space<hbm>>
      %dma_wait3A_83 = tpu.memref_squeeze %dma_wait3A_82 : memref<1x5120xi32, #tpu.memory_space<hbm>> -> memref<5120xi32, #tpu.memory_space<hbm>>
      %dma_wait3A_84 = arith.constant 0 : i32
      %dma_wait3A_85 = tpu.memref_slice %arg4[%add3A, %dma_wait3A_84] : memref<32x10240xi32, #tpu.memory_space<hbm>> -> memref<1x5120xi32, #tpu.memory_space<hbm>>
      %dma_wait3A_86 = tpu.memref_squeeze %dma_wait3A_85 : memref<1x5120xi32, #tpu.memory_space<hbm>> -> memref<5120xi32, #tpu.memory_space<hbm>>
      tpu.wait_dma2 semaphore(%run_scoped3A : memref<!tpu.dma_semaphore, #tpu.memory_space<semaphore_mem>>) src(%dma_wait3A_86 : memref<5120xi32, #tpu.memory_space<hbm>>) dst(%arg7 : memref<5120xi32, #tpu.memory_space<vmem>>)
      tpu.yield
    }) : () -> ()
    %dma_start3A = arith.constant 0 : i32
    %dma_start3A_28 = tpu.memref_slice %arg6[%dma_start3A] : memref<5120xi32, #tpu.memory_space<vmem>> -> memref<128xi32, #tpu.memory_space<vmem>>
    %dma_start3A_29 = arith.constant 0 : i32
    %dma_start3A_30 = arith.constant 0 : i32
    %dma_start3A_31 = tpu.memref_slice %arg2[%dma_start3A_29, %dma_start3A_30] : memref<10000x128xf32, #tpu.memory_space<hbm>> -> memref<10000x128xf32, #tpu.memory_space<hbm>>
    tpu.enqueue_indirect_dma source(%dma_start3A_31 : memref<10000x128xf32, #tpu.memory_space<hbm>>) target(%arg8 : memref<128x128xf32, #tpu.memory_space<vmem>>) offsets(%dma_start3A_28 : memref<128xi32, #tpu.memory_space<vmem>>) semaphore(%arg10 : memref<!tpu.dma_semaphore, #tpu.memory_space<semaphore_mem>>)
    %scan3A_32 = arith.constant 0 : i32
    %scan3A_33 = arith.constant 0 : i32
    %scan3A_34 = arith.constant 20 : i32
    %scan3A_35 = arith.addi %scan3A_33, %scan3A_34 : i32
    %scan3A_36 = arith.constant 1 : i32
    %scan3A_37 = scf.for %scan3A_75 = %scan3A_33 to %scan3A_35 step %scan3A_36 iter_args(%scan3A_76 = %scan3A_32) -> (i32)  : i32 {
      %mul3A_77 = arith.constant 2 : i32
      %mul3A_78 = arith.muli %mul3A_77, %scan3A_75 : i32
      %ge3A = arith.constant 1 : i32
      %ge3A_79 = arith.cmpi sge, %scan3A_75, %ge3A : i32
      %convert_element_type3A = arith.extui %ge3A_79 : i1 to i32
      %cond3A = arith.constant 0 : i32
      %cond3A_80 = arith.cmpi ne, %convert_element_type3A, %cond3A : i32
      scf.if %cond3A_80 {
        %sub3A = arith.constant 1 : i32
        %sub3A_120 = arith.subi %mul3A_78, %sub3A : i32
        %mul3A_121 = arith.constant 128 : i32
        %mul3A_122 = arith.muli %sub3A_120, %mul3A_121 : i32
        %dma_wait3A_123 = tpu.memref_slice %arg7[%mul3A_122] : memref<5120xi32, #tpu.memory_space<vmem>> -> memref<128xi32, #tpu.memory_space<vmem>>
        %dma_wait3A_124 = arith.constant 0 : i32
        %dma_wait3A_125 = arith.constant 0 : i32
        %dma_wait3A_126 = tpu.memref_slice %arg14[%dma_wait3A_124, %dma_wait3A_125] : memref<10112x128xf32, #tpu.memory_space<vmem_shared>> -> memref<10112x128xf32, #tpu.memory_space<vmem_shared>>
        tpu.wait_indirect_dma semaphore(%arg13 : memref<!tpu.dma_semaphore, #tpu.memory_space<semaphore_mem>>) src(%arg9 : memref<128x128xf32, #tpu.memory_space<vmem>>) dst(%dma_wait3A_126 : memref<10112x128xf32, #tpu.memory_space<vmem_shared>>)
      } else {
      }
      %add3A_81 = arith.constant 1 : i32
      %add3A_82 = arith.addi %mul3A_78, %add3A_81 : i32
      %mul3A_83 = arith.constant 128 : i32
      %mul3A_84 = arith.muli %add3A_82, %mul3A_83 : i32
      %dma_start3A_85 = tpu.memref_slice %arg6[%mul3A_84] : memref<5120xi32, #tpu.memory_space<vmem>> -> memref<128xi32, #tpu.memory_space<vmem>>
      %dma_start3A_86 = arith.constant 0 : i32
      %dma_start3A_87 = arith.constant 0 : i32
      %dma_start3A_88 = tpu.memref_slice %arg2[%dma_start3A_86, %dma_start3A_87] : memref<10000x128xf32, #tpu.memory_space<hbm>> -> memref<10000x128xf32, #tpu.memory_space<hbm>>
      tpu.enqueue_indirect_dma source(%dma_start3A_88 : memref<10000x128xf32, #tpu.memory_space<hbm>>) target(%arg9 : memref<128x128xf32, #tpu.memory_space<vmem>>) offsets(%dma_start3A_85 : memref<128xi32, #tpu.memory_space<vmem>>) semaphore(%arg11 : memref<!tpu.dma_semaphore, #tpu.memory_space<semaphore_mem>>)
      %mul3A_89 = arith.constant 128 : i32
      %mul3A_90 = arith.muli %mul3A_78, %mul3A_89 : i32
      %dma_wait3A_91 = tpu.memref_slice %arg6[%mul3A_90] : memref<5120xi32, #tpu.memory_space<vmem>> -> memref<128xi32, #tpu.memory_space<vmem>>
      %dma_wait3A_92 = arith.constant 0 : i32
      %dma_wait3A_93 = arith.constant 0 : i32
      %dma_wait3A_94 = tpu.memref_slice %arg2[%dma_wait3A_92, %dma_wait3A_93] : memref<10000x128xf32, #tpu.memory_space<hbm>> -> memref<10000x128xf32, #tpu.memory_space<hbm>>
      tpu.wait_indirect_dma semaphore(%arg10 : memref<!tpu.dma_semaphore, #tpu.memory_space<semaphore_mem>>) src(%dma_wait3A_94 : memref<10000x128xf32, #tpu.memory_space<hbm>>) dst(%arg8 : memref<128x128xf32, #tpu.memory_space<vmem>>)
      %mul3A_95 = arith.constant 128 : i32
      %mul3A_96 = arith.muli %mul3A_78, %mul3A_95 : i32
      %dma_start3A_97 = tpu.memref_slice %arg7[%mul3A_96] : memref<5120xi32, #tpu.memory_space<vmem>> -> memref<128xi32, #tpu.memory_space<vmem>>
      %dma_start3A_98 = arith.constant 0 : i32
      %dma_start3A_99 = arith.constant 0 : i32
      %dma_start3A_100 = tpu.memref_slice %arg14[%dma_start3A_98, %dma_start3A_99] : memref<10112x128xf32, #tpu.memory_space<vmem_shared>> -> memref<10112x128xf32, #tpu.memory_space<vmem_shared>>
      tpu.enqueue_indirect_dma source(%arg8 : memref<128x128xf32, #tpu.memory_space<vmem>>) target(%dma_start3A_100 : memref<10112x128xf32, #tpu.memory_space<vmem_shared>>) offsets(%dma_start3A_97 : memref<128xi32, #tpu.memory_space<vmem>>) semaphore(%arg12 : memref<!tpu.dma_semaphore, #tpu.memory_space<semaphore_mem>>) {add = true}
      %lt3A = arith.constant 19 : i32
      %lt3A_101 = arith.cmpi slt, %scan3A_75, %lt3A : i32
      %convert_element_type3A_102 = arith.extui %lt3A_101 : i1 to i32
      %cond3A_103 = arith.constant 0 : i32
      %cond3A_104 = arith.cmpi ne, %convert_element_type3A_102, %cond3A_103 : i32
      scf.if %cond3A_104 {
        %mul3A_120 = arith.constant 128 : i32
        %mul3A_121 = arith.muli %mul3A_78, %mul3A_120 : i32
        %dma_wait3A_122 = tpu.memref_slice %arg7[%mul3A_121] : memref<5120xi32, #tpu.memory_space<vmem>> -> memref<128xi32, #tpu.memory_space<vmem>>
        %dma_wait3A_123 = arith.constant 0 : i32
        %dma_wait3A_124 = arith.constant 0 : i32
        %dma_wait3A_125 = tpu.memref_slice %arg14[%dma_wait3A_123, %dma_wait3A_124] : memref<10112x128xf32, #tpu.memory_space<vmem_shared>> -> memref<10112x128xf32, #tpu.memory_space<vmem_shared>>
        tpu.wait_indirect_dma semaphore(%arg12 : memref<!tpu.dma_semaphore, #tpu.memory_space<semaphore_mem>>) src(%arg8 : memref<128x128xf32, #tpu.memory_space<vmem>>) dst(%dma_wait3A_125 : memref<10112x128xf32, #tpu.memory_space<vmem_shared>>)
        %add3A_126 = arith.constant 2 : i32
        %add3A_127 = arith.addi %mul3A_78, %add3A_126 : i32
        %mul3A_128 = arith.constant 128 : i32
        %mul3A_129 = arith.muli %add3A_127, %mul3A_128 : i32
        %dma_start3A_130 = tpu.memref_slice %arg6[%mul3A_129] : memref<5120xi32, #tpu.memory_space<vmem>> -> memref<128xi32, #tpu.memory_space<vmem>>
        %dma_start3A_131 = arith.constant 0 : i32
        %dma_start3A_132 = arith.constant 0 : i32
        %dma_start3A_133 = tpu.memref_slice %arg2[%dma_start3A_131, %dma_start3A_132] : memref<10000x128xf32, #tpu.memory_space<hbm>> -> memref<10000x128xf32, #tpu.memory_space<hbm>>
        tpu.enqueue_indirect_dma source(%dma_start3A_133 : memref<10000x128xf32, #tpu.memory_space<hbm>>) target(%arg8 : memref<128x128xf32, #tpu.memory_space<vmem>>) offsets(%dma_start3A_130 : memref<128xi32, #tpu.memory_space<vmem>>) semaphore(%arg10 : memref<!tpu.dma_semaphore, #tpu.memory_space<semaphore_mem>>)
      } else {
      }
      %add3A_105 = arith.constant 1 : i32
      %add3A_106 = arith.addi %mul3A_78, %add3A_105 : i32
      %mul3A_107 = arith.constant 128 : i32
      %mul3A_108 = arith.muli %add3A_106, %mul3A_107 : i32
      %dma_wait3A_109 = tpu.memref_slice %arg6[%mul3A_108] : memref<5120xi32, #tpu.memory_space<vmem>> -> memref<128xi32, #tpu.memory_space<vmem>>
      %dma_wait3A_110 = arith.constant 0 : i32
      %dma_wait3A_111 = arith.constant 0 : i32
      %dma_wait3A_112 = tpu.memref_slice %arg2[%dma_wait3A_110, %dma_wait3A_111] : memref<10000x128xf32, #tpu.memory_space<hbm>> -> memref<10000x128xf32, #tpu.memory_space<hbm>>
      tpu.wait_indirect_dma semaphore(%arg11 : memref<!tpu.dma_semaphore, #tpu.memory_space<semaphore_mem>>) src(%dma_wait3A_112 : memref<10000x128xf32, #tpu.memory_space<hbm>>) dst(%arg9 : memref<128x128xf32, #tpu.memory_space<vmem>>)
      %mul3A_113 = arith.constant 128 : i32
      %mul3A_114 = arith.muli %add3A_106, %mul3A_113 : i32
      %dma_start3A_115 = tpu.memref_slice %arg7[%mul3A_114] : memref<5120xi32, #tpu.memory_space<vmem>> -> memref<128xi32, #tpu.memory_space<vmem>>
      %dma_start3A_116 = arith.constant 0 : i32
      %dma_start3A_117 = arith.constant 0 : i32
      %dma_start3A_118 = tpu.memref_slice %arg14[%dma_start3A_116, %dma_start3A_117] : memref<10112x128xf32, #tpu.memory_space<vmem_shared>> -> memref<10112x128xf32, #tpu.memory_space<vmem_shared>>
      tpu.enqueue_indirect_dma source(%arg9 : memref<128x128xf32, #tpu.memory_space<vmem>>) target(%dma_start3A_118 : memref<10112x128xf32, #tpu.memory_space<vmem_shared>>) offsets(%dma_start3A_115 : memref<128xi32, #tpu.memory_space<vmem>>) semaphore(%arg13 : memref<!tpu.dma_semaphore, #tpu.memory_space<semaphore_mem>>) {add = true}
      %scan3A_119 = arith.constant 0 : i32
      scf.yield %scan3A_119 : i32
    }
    %scan3A_38 = arith.constant 20 : i32
    %dma_wait3A = arith.constant 4864 : i32
    %dma_wait3A_39 = tpu.memref_slice %arg7[%dma_wait3A] : memref<5120xi32, #tpu.memory_space<vmem>> -> memref<128xi32, #tpu.memory_space<vmem>>
    %dma_wait3A_40 = arith.constant 0 : i32
    %dma_wait3A_41 = arith.constant 0 : i32
    %dma_wait3A_42 = tpu.memref_slice %arg14[%dma_wait3A_40, %dma_wait3A_41] : memref<10112x128xf32, #tpu.memory_space<vmem_shared>> -> memref<10112x128xf32, #tpu.memory_space<vmem_shared>>
    tpu.wait_indirect_dma semaphore(%arg12 : memref<!tpu.dma_semaphore, #tpu.memory_space<semaphore_mem>>) src(%arg8 : memref<128x128xf32, #tpu.memory_space<vmem>>) dst(%dma_wait3A_42 : memref<10112x128xf32, #tpu.memory_space<vmem_shared>>)
    %dma_wait3A_43 = arith.constant 4992 : i32
    %dma_wait3A_44 = tpu.memref_slice %arg7[%dma_wait3A_43] : memref<5120xi32, #tpu.memory_space<vmem>> -> memref<128xi32, #tpu.memory_space<vmem>>
    %dma_wait3A_45 = arith.constant 0 : i32
    %dma_wait3A_46 = arith.constant 0 : i32
    %dma_wait3A_47 = tpu.memref_slice %arg14[%dma_wait3A_45, %dma_wait3A_46] : memref<10112x128xf32, #tpu.memory_space<vmem_shared>> -> memref<10112x128xf32, #tpu.memory_space<vmem_shared>>
    tpu.wait_indirect_dma semaphore(%arg13 : memref<!tpu.dma_semaphore, #tpu.memory_space<semaphore_mem>>) src(%arg9 : memref<128x128xf32, #tpu.memory_space<vmem>>) dst(%dma_wait3A_47 : memref<10112x128xf32, #tpu.memory_space<vmem_shared>>)
    "tpu.region"() ({
      %run_scoped3A = tpu.sem_alloc : memref<!tpu.dma_semaphore, #tpu.memory_space<semaphore_mem>>
      %dma_start3A_75 = arith.constant 5120 : i32
      %dma_start3A_76 = tpu.memref_slice %arg3[%add3A, %dma_start3A_75] : memref<32x10240xi32, #tpu.memory_space<hbm>> -> memref<1x5120xi32, #tpu.memory_space<hbm>>
      %dma_start3A_77 = tpu.memref_squeeze %dma_start3A_76 : memref<1x5120xi32, #tpu.memory_space<hbm>> -> memref<5120xi32, #tpu.memory_space<hbm>>
      %dma_start3A_78 = arith.constant 5120 : i32
      %dma_start3A_79 = tpu.memref_slice %arg3[%add3A, %dma_start3A_78] : memref<32x10240xi32, #tpu.memory_space<hbm>> -> memref<1x5120xi32, #tpu.memory_space<hbm>>
      %dma_start3A_80 = tpu.memref_squeeze %dma_start3A_79 : memref<1x5120xi32, #tpu.memory_space<hbm>> -> memref<5120xi32, #tpu.memory_space<hbm>>
      tpu.enqueue_dma source(%dma_start3A_80 : memref<5120xi32, #tpu.memory_space<hbm>>) target(%arg6 : memref<5120xi32, #tpu.memory_space<vmem>>) target_semaphore(%run_scoped3A : memref<!tpu.dma_semaphore, #tpu.memory_space<semaphore_mem>>)
      %dma_wait3A_81 = arith.constant 5120 : i32
      %dma_wait3A_82 = tpu.memref_slice %arg3[%add3A, %dma_wait3A_81] : memref<32x10240xi32, #tpu.memory_space<hbm>> -> memref<1x5120xi32, #tpu.memory_space<hbm>>
      %dma_wait3A_83 = tpu.memref_squeeze %dma_wait3A_82 : memref<1x5120xi32, #tpu.memory_space<hbm>> -> memref<5120xi32, #tpu.memory_space<hbm>>
      %dma_wait3A_84 = arith.constant 5120 : i32
      %dma_wait3A_85 = tpu.memref_slice %arg3[%add3A, %dma_wait3A_84] : memref<32x10240xi32, #tpu.memory_space<hbm>> -> memref<1x5120xi32, #tpu.memory_space<hbm>>
      %dma_wait3A_86 = tpu.memref_squeeze %dma_wait3A_85 : memref<1x5120xi32, #tpu.memory_space<hbm>> -> memref<5120xi32, #tpu.memory_space<hbm>>
      tpu.wait_dma2 semaphore(%run_scoped3A : memref<!tpu.dma_semaphore, #tpu.memory_space<semaphore_mem>>) src(%dma_wait3A_86 : memref<5120xi32, #tpu.memory_space<hbm>>) dst(%arg6 : memref<5120xi32, #tpu.memory_space<vmem>>)
      tpu.yield
    }) : () -> ()
    "tpu.region"() ({
      %run_scoped3A = tpu.sem_alloc : memref<!tpu.dma_semaphore, #tpu.memory_space<semaphore_mem>>
      %dma_start3A_75 = arith.constant 5120 : i32
      %dma_start3A_76 = tpu.memref_slice %arg4[%add3A, %dma_start3A_75] : memref<32x10240xi32, #tpu.memory_space<hbm>> -> memref<1x5120xi32, #tpu.memory_space<hbm>>
      %dma_start3A_77 = tpu.memref_squeeze %dma_start3A_76 : memref<1x5120xi32, #tpu.memory_space<hbm>> -> memref<5120xi32, #tpu.memory_space<hbm>>
      %dma_start3A_78 = arith.constant 5120 : i32
      %dma_start3A_79 = tpu.memref_slice %arg4[%add3A, %dma_start3A_78] : memref<32x10240xi32, #tpu.memory_space<hbm>> -> memref<1x5120xi32, #tpu.memory_space<hbm>>
      %dma_start3A_80 = tpu.memref_squeeze %dma_start3A_79 : memref<1x5120xi32, #tpu.memory_space<hbm>> -> memref<5120xi32, #tpu.memory_space<hbm>>
      tpu.enqueue_dma source(%dma_start3A_80 : memref<5120xi32, #tpu.memory_space<hbm>>) target(%arg7 : memref<5120xi32, #tpu.memory_space<vmem>>) target_semaphore(%run_scoped3A : memref<!tpu.dma_semaphore, #tpu.memory_space<semaphore_mem>>)
      %dma_wait3A_81 = arith.constant 5120 : i32
      %dma_wait3A_82 = tpu.memref_slice %arg4[%add3A, %dma_wait3A_81] : memref<32x10240xi32, #tpu.memory_space<hbm>> -> memref<1x5120xi32, #tpu.memory_space<hbm>>
      %dma_wait3A_83 = tpu.memref_squeeze %dma_wait3A_82 : memref<1x5120xi32, #tpu.memory_space<hbm>> -> memref<5120xi32, #tpu.memory_space<hbm>>
      %dma_wait3A_84 = arith.constant 5120 : i32
      %dma_wait3A_85 = tpu.memref_slice %arg4[%add3A, %dma_wait3A_84] : memref<32x10240xi32, #tpu.memory_space<hbm>> -> memref<1x5120xi32, #tpu.memory_space<hbm>>
      %dma_wait3A_86 = tpu.memref_squeeze %dma_wait3A_85 : memref<1x5120xi32, #tpu.memory_space<hbm>> -> memref<5120xi32, #tpu.memory_space<hbm>>
      tpu.wait_dma2 semaphore(%run_scoped3A : memref<!tpu.dma_semaphore, #tpu.memory_space<semaphore_mem>>) src(%dma_wait3A_86 : memref<5120xi32, #tpu.memory_space<hbm>>) dst(%arg7 : memref<5120xi32, #tpu.memory_space<vmem>>)
      tpu.yield
    }) : () -> ()
    %dma_start3A_48 = arith.constant 0 : i32
    %dma_start3A_49 = tpu.memref_slice %arg6[%dma_start3A_48] : memref<5120xi32, #tpu.memory_space<vmem>> -> memref<128xi32, #tpu.memory_space<vmem>>
    %dma_start3A_50 = arith.constant 0 : i32
    %dma_start3A_51 = arith.constant 0 : i32
    %dma_start3A_52 = tpu.memref_slice %arg2[%dma_start3A_50, %dma_start3A_51] : memref<10000x128xf32, #tpu.memory_space<hbm>> -> memref<10000x128xf32, #tpu.memory_space<hbm>>
    tpu.enqueue_indirect_dma source(%dma_start3A_52 : memref<10000x128xf32, #tpu.memory_space<hbm>>) target(%arg8 : memref<128x128xf32, #tpu.memory_space<vmem>>) offsets(%dma_start3A_49 : memref<128xi32, #tpu.memory_space<vmem>>) semaphore(%arg10 : memref<!tpu.dma_semaphore, #tpu.memory_space<semaphore_mem>>)
    %scan3A_53 = arith.constant 0 : i32
    %scan3A_54 = arith.constant 0 : i32
    %scan3A_55 = arith.constant 20 : i32
    %scan3A_56 = arith.addi %scan3A_54, %scan3A_55 : i32
    %scan3A_57 = arith.constant 1 : i32
    %scan3A_58 = scf.for %scan3A_75 = %scan3A_54 to %scan3A_56 step %scan3A_57 iter_args(%scan3A_76 = %scan3A_53) -> (i32)  : i32 {
      %mul3A_77 = arith.constant 2 : i32
      %mul3A_78 = arith.muli %mul3A_77, %scan3A_75 : i32
      %ge3A = arith.constant 1 : i32
      %ge3A_79 = arith.cmpi sge, %scan3A_75, %ge3A : i32
      %convert_element_type3A = arith.extui %ge3A_79 : i1 to i32
      %cond3A = arith.constant 0 : i32
      %cond3A_80 = arith.cmpi ne, %convert_element_type3A, %cond3A : i32
      scf.if %cond3A_80 {
        %sub3A = arith.constant 1 : i32
        %sub3A_120 = arith.subi %mul3A_78, %sub3A : i32
        %mul3A_121 = arith.constant 128 : i32
        %mul3A_122 = arith.muli %sub3A_120, %mul3A_121 : i32
        %dma_wait3A_123 = tpu.memref_slice %arg7[%mul3A_122] : memref<5120xi32, #tpu.memory_space<vmem>> -> memref<128xi32, #tpu.memory_space<vmem>>
        %dma_wait3A_124 = arith.constant 0 : i32
        %dma_wait3A_125 = arith.constant 0 : i32
        %dma_wait3A_126 = tpu.memref_slice %arg14[%dma_wait3A_124, %dma_wait3A_125] : memref<10112x128xf32, #tpu.memory_space<vmem_shared>> -> memref<10112x128xf32, #tpu.memory_space<vmem_shared>>
        tpu.wait_indirect_dma semaphore(%arg13 : memref<!tpu.dma_semaphore, #tpu.memory_space<semaphore_mem>>) src(%arg9 : memref<128x128xf32, #tpu.memory_space<vmem>>) dst(%dma_wait3A_126 : memref<10112x128xf32, #tpu.memory_space<vmem_shared>>)
      } else {
      }
      %add3A_81 = arith.constant 1 : i32
      %add3A_82 = arith.addi %mul3A_78, %add3A_81 : i32
      %mul3A_83 = arith.constant 128 : i32
      %mul3A_84 = arith.muli %add3A_82, %mul3A_83 : i32
      %dma_start3A_85 = tpu.memref_slice %arg6[%mul3A_84] : memref<5120xi32, #tpu.memory_space<vmem>> -> memref<128xi32, #tpu.memory_space<vmem>>
      %dma_start3A_86 = arith.constant 0 : i32
      %dma_start3A_87 = arith.constant 0 : i32
      %dma_start3A_88 = tpu.memref_slice %arg2[%dma_start3A_86, %dma_start3A_87] : memref<10000x128xf32, #tpu.memory_space<hbm>> -> memref<10000x128xf32, #tpu.memory_space<hbm>>
      tpu.enqueue_indirect_dma source(%dma_start3A_88 : memref<10000x128xf32, #tpu.memory_space<hbm>>) target(%arg9 : memref<128x128xf32, #tpu.memory_space<vmem>>) offsets(%dma_start3A_85 : memref<128xi32, #tpu.memory_space<vmem>>) semaphore(%arg11 : memref<!tpu.dma_semaphore, #tpu.memory_space<semaphore_mem>>)
      %mul3A_89 = arith.constant 128 : i32
      %mul3A_90 = arith.muli %mul3A_78, %mul3A_89 : i32
      %dma_wait3A_91 = tpu.memref_slice %arg6[%mul3A_90] : memref<5120xi32, #tpu.memory_space<vmem>> -> memref<128xi32, #tpu.memory_space<vmem>>
      %dma_wait3A_92 = arith.constant 0 : i32
      %dma_wait3A_93 = arith.constant 0 : i32
      %dma_wait3A_94 = tpu.memref_slice %arg2[%dma_wait3A_92, %dma_wait3A_93] : memref<10000x128xf32, #tpu.memory_space<hbm>> -> memref<10000x128xf32, #tpu.memory_space<hbm>>
      tpu.wait_indirect_dma semaphore(%arg10 : memref<!tpu.dma_semaphore, #tpu.memory_space<semaphore_mem>>) src(%dma_wait3A_94 : memref<10000x128xf32, #tpu.memory_space<hbm>>) dst(%arg8 : memref<128x128xf32, #tpu.memory_space<vmem>>)
      %mul3A_95 = arith.constant 128 : i32
      %mul3A_96 = arith.muli %mul3A_78, %mul3A_95 : i32
      %dma_start3A_97 = tpu.memref_slice %arg7[%mul3A_96] : memref<5120xi32, #tpu.memory_space<vmem>> -> memref<128xi32, #tpu.memory_space<vmem>>
      %dma_start3A_98 = arith.constant 0 : i32
      %dma_start3A_99 = arith.constant 0 : i32
      %dma_start3A_100 = tpu.memref_slice %arg14[%dma_start3A_98, %dma_start3A_99] : memref<10112x128xf32, #tpu.memory_space<vmem_shared>> -> memref<10112x128xf32, #tpu.memory_space<vmem_shared>>
      tpu.enqueue_indirect_dma source(%arg8 : memref<128x128xf32, #tpu.memory_space<vmem>>) target(%dma_start3A_100 : memref<10112x128xf32, #tpu.memory_space<vmem_shared>>) offsets(%dma_start3A_97 : memref<128xi32, #tpu.memory_space<vmem>>) semaphore(%arg12 : memref<!tpu.dma_semaphore, #tpu.memory_space<semaphore_mem>>) {add = true}
      %lt3A = arith.constant 19 : i32
      %lt3A_101 = arith.cmpi slt, %scan3A_75, %lt3A : i32
      %convert_element_type3A_102 = arith.extui %lt3A_101 : i1 to i32
      %cond3A_103 = arith.constant 0 : i32
      %cond3A_104 = arith.cmpi ne, %convert_element_type3A_102, %cond3A_103 : i32
      scf.if %cond3A_104 {
        %mul3A_120 = arith.constant 128 : i32
        %mul3A_121 = arith.muli %mul3A_78, %mul3A_120 : i32
        %dma_wait3A_122 = tpu.memref_slice %arg7[%mul3A_121] : memref<5120xi32, #tpu.memory_space<vmem>> -> memref<128xi32, #tpu.memory_space<vmem>>
        %dma_wait3A_123 = arith.constant 0 : i32
        %dma_wait3A_124 = arith.constant 0 : i32
        %dma_wait3A_125 = tpu.memref_slice %arg14[%dma_wait3A_123, %dma_wait3A_124] : memref<10112x128xf32, #tpu.memory_space<vmem_shared>> -> memref<10112x128xf32, #tpu.memory_space<vmem_shared>>
        tpu.wait_indirect_dma semaphore(%arg12 : memref<!tpu.dma_semaphore, #tpu.memory_space<semaphore_mem>>) src(%arg8 : memref<128x128xf32, #tpu.memory_space<vmem>>) dst(%dma_wait3A_125 : memref<10112x128xf32, #tpu.memory_space<vmem_shared>>)
        %add3A_126 = arith.constant 2 : i32
        %add3A_127 = arith.addi %mul3A_78, %add3A_126 : i32
        %mul3A_128 = arith.constant 128 : i32
        %mul3A_129 = arith.muli %add3A_127, %mul3A_128 : i32
        %dma_start3A_130 = tpu.memref_slice %arg6[%mul3A_129] : memref<5120xi32, #tpu.memory_space<vmem>> -> memref<128xi32, #tpu.memory_space<vmem>>
        %dma_start3A_131 = arith.constant 0 : i32
        %dma_start3A_132 = arith.constant 0 : i32
        %dma_start3A_133 = tpu.memref_slice %arg2[%dma_start3A_131, %dma_start3A_132] : memref<10000x128xf32, #tpu.memory_space<hbm>> -> memref<10000x128xf32, #tpu.memory_space<hbm>>
        tpu.enqueue_indirect_dma source(%dma_start3A_133 : memref<10000x128xf32, #tpu.memory_space<hbm>>) target(%arg8 : memref<128x128xf32, #tpu.memory_space<vmem>>) offsets(%dma_start3A_130 : memref<128xi32, #tpu.memory_space<vmem>>) semaphore(%arg10 : memref<!tpu.dma_semaphore, #tpu.memory_space<semaphore_mem>>)
      } else {
      }
      %add3A_105 = arith.constant 1 : i32
      %add3A_106 = arith.addi %mul3A_78, %add3A_105 : i32
      %mul3A_107 = arith.constant 128 : i32
      %mul3A_108 = arith.muli %add3A_106, %mul3A_107 : i32
      %dma_wait3A_109 = tpu.memref_slice %arg6[%mul3A_108] : memref<5120xi32, #tpu.memory_space<vmem>> -> memref<128xi32, #tpu.memory_space<vmem>>
      %dma_wait3A_110 = arith.constant 0 : i32
      %dma_wait3A_111 = arith.constant 0 : i32
      %dma_wait3A_112 = tpu.memref_slice %arg2[%dma_wait3A_110, %dma_wait3A_111] : memref<10000x128xf32, #tpu.memory_space<hbm>> -> memref<10000x128xf32, #tpu.memory_space<hbm>>
      tpu.wait_indirect_dma semaphore(%arg11 : memref<!tpu.dma_semaphore, #tpu.memory_space<semaphore_mem>>) src(%dma_wait3A_112 : memref<10000x128xf32, #tpu.memory_space<hbm>>) dst(%arg9 : memref<128x128xf32, #tpu.memory_space<vmem>>)
      %mul3A_113 = arith.constant 128 : i32
      %mul3A_114 = arith.muli %add3A_106, %mul3A_113 : i32
      %dma_start3A_115 = tpu.memref_slice %arg7[%mul3A_114] : memref<5120xi32, #tpu.memory_space<vmem>> -> memref<128xi32, #tpu.memory_space<vmem>>
      %dma_start3A_116 = arith.constant 0 : i32
      %dma_start3A_117 = arith.constant 0 : i32
      %dma_start3A_118 = tpu.memref_slice %arg14[%dma_start3A_116, %dma_start3A_117] : memref<10112x128xf32, #tpu.memory_space<vmem_shared>> -> memref<10112x128xf32, #tpu.memory_space<vmem_shared>>
      tpu.enqueue_indirect_dma source(%arg9 : memref<128x128xf32, #tpu.memory_space<vmem>>) target(%dma_start3A_118 : memref<10112x128xf32, #tpu.memory_space<vmem_shared>>) offsets(%dma_start3A_115 : memref<128xi32, #tpu.memory_space<vmem>>) semaphore(%arg13 : memref<!tpu.dma_semaphore, #tpu.memory_space<semaphore_mem>>) {add = true}
      %scan3A_119 = arith.constant 0 : i32
      scf.yield %scan3A_119 : i32
    }
    %scan3A_59 = arith.constant 20 : i32
    %dma_wait3A_60 = arith.constant 4864 : i32
    %dma_wait3A_61 = tpu.memref_slice %arg7[%dma_wait3A_60] : memref<5120xi32, #tpu.memory_space<vmem>> -> memref<128xi32, #tpu.memory_space<vmem>>
    %dma_wait3A_62 = arith.constant 0 : i32
    %dma_wait3A_63 = arith.constant 0 : i32
    %dma_wait3A_64 = tpu.memref_slice %arg14[%dma_wait3A_62, %dma_wait3A_63] : memref<10112x128xf32, #tpu.memory_space<vmem_shared>> -> memref<10112x128xf32, #tpu.memory_space<vmem_shared>>
    tpu.wait_indirect_dma semaphore(%arg12 : memref<!tpu.dma_semaphore, #tpu.memory_space<semaphore_mem>>) src(%arg8 : memref<128x128xf32, #tpu.memory_space<vmem>>) dst(%dma_wait3A_64 : memref<10112x128xf32, #tpu.memory_space<vmem_shared>>)
    %dma_wait3A_65 = arith.constant 4992 : i32
    %dma_wait3A_66 = tpu.memref_slice %arg7[%dma_wait3A_65] : memref<5120xi32, #tpu.memory_space<vmem>> -> memref<128xi32, #tpu.memory_space<vmem>>
    %dma_wait3A_67 = arith.constant 0 : i32
    %dma_wait3A_68 = arith.constant 0 : i32
    %dma_wait3A_69 = tpu.memref_slice %arg14[%dma_wait3A_67, %dma_wait3A_68] : memref<10112x128xf32, #tpu.memory_space<vmem_shared>> -> memref<10112x128xf32, #tpu.memory_space<vmem_shared>>
    tpu.wait_indirect_dma semaphore(%arg13 : memref<!tpu.dma_semaphore, #tpu.memory_space<semaphore_mem>>) src(%arg9 : memref<128x128xf32, #tpu.memory_space<vmem>>) dst(%dma_wait3A_69 : memref<10112x128xf32, #tpu.memory_space<vmem_shared>>)
    %barrier3A_70 = arith.constant 0 : index
    tpu.barrier barrier_id(%barrier3A_70)
    %mul3A_71 = arith.constant 632 : i32
    %mul3A_72 = arith.muli %arg1, %mul3A_71 : i32
    %mul3A_73 = arith.constant 632 : i32
    %mul3A_74 = arith.muli %arg1, %mul3A_73 : i32
    "tpu.region"() ({
      %run_scoped3A = tpu.sem_alloc : memref<!tpu.dma_semaphore, #tpu.memory_space<semaphore_mem>>
      %dma_start3A_75 = arith.constant 0 : i32
      %dma_start3A_76 = tpu.memref_slice %arg5[%arg0, %mul3A_74, %dma_start3A_75] : memref<2x10112x128xf32, #tpu.memory_space<hbm>> -> memref<1x632x128xf32, #tpu.memory_space<hbm>>
      %dma_start3A_77 = tpu.memref_squeeze %dma_start3A_76 : memref<1x632x128xf32, #tpu.memory_space<hbm>> -> memref<632x128xf32, #tpu.memory_space<hbm>>
      %dma_start3A_78 = arith.constant 0 : i32
      %dma_start3A_79 = tpu.memref_slice %arg14[%mul3A_72, %dma_start3A_78] : memref<10112x128xf32, #tpu.memory_space<vmem_shared>> -> memref<632x128xf32, #tpu.memory_space<vmem_shared>>
      tpu.enqueue_dma source(%dma_start3A_79 : memref<632x128xf32, #tpu.memory_space<vmem_shared>>) target(%dma_start3A_77 : memref<632x128xf32, #tpu.memory_space<hbm>>) target_semaphore(%run_scoped3A : memref<!tpu.dma_semaphore, #tpu.memory_space<semaphore_mem>>)
      %dma_wait3A_80 = arith.constant 0 : i32
      %dma_wait3A_81 = tpu.memref_slice %arg5[%arg0, %mul3A_74, %dma_wait3A_80] : memref<2x10112x128xf32, #tpu.memory_space<hbm>> -> memref<1x632x128xf32, #tpu.memory_space<hbm>>
      %dma_wait3A_82 = tpu.memref_squeeze %dma_wait3A_81 : memref<1x632x128xf32, #tpu.memory_space<hbm>> -> memref<632x128xf32, #tpu.memory_space<hbm>>
      %dma_wait3A_83 = arith.constant 0 : i32
      %dma_wait3A_84 = tpu.memref_slice %arg14[%mul3A_72, %dma_wait3A_83] : memref<10112x128xf32, #tpu.memory_space<vmem_shared>> -> memref<632x128xf32, #tpu.memory_space<vmem_shared>>
      tpu.wait_dma2 semaphore(%run_scoped3A : memref<!tpu.dma_semaphore, #tpu.memory_space<semaphore_mem>>) src(%dma_wait3A_84 : memref<632x128xf32, #tpu.memory_space<vmem_shared>>) dst(%dma_wait3A_82 : memref<632x128xf32, #tpu.memory_space<hbm>>)
      tpu.yield
    }) : () -> ()
    return
  }
}

#map = affine_map<(d0, d1) -> (0, 0)>
module attributes {stable_mosaic.version = 14 : i64} {
  func.func @_deg_body(%arg0: i32, %arg1: i32, %arg2: memref<32x10000xi32, #tpu.memory_space<hbm>>, %arg3: memref<32x10000xf32, #tpu.memory_space<hbm>>, %arg4: memref<10000xi32, #tpu.memory_space<vmem>>, %arg5: memref<10000xf32, #tpu.memory_space<vmem>>) attributes {dimension_semantics = [#tpu.dimension_semantics<core_parallel>, #tpu.dimension_semantics<subcore_parallel>], iteration_bounds = array<i64: 2, 16>, scalar_prefetch = 0 : i64, scratch_operands = 2 : i64, tpu.core_type = #tpu.core_type<sc_vector_subcore>, window_params = [{transform_indices = #map}, {transform_indices = #map}]} {
    %mul3A = arith.constant 2 : i32
    %mul3A_0 = arith.muli %arg1, %mul3A : i32
    %add3A = arith.addi %mul3A_0, %arg0 : i32
    "tpu.region"() ({
      %run_scoped3A = tpu.sem_alloc : memref<!tpu.dma_semaphore, #tpu.memory_space<semaphore_mem>>
      %dma_start3A = arith.constant 0 : i32
      %dma_start3A_17 = tpu.memref_slice %arg2[%add3A, %dma_start3A] : memref<32x10000xi32, #tpu.memory_space<hbm>> -> memref<1x10000xi32, #tpu.memory_space<hbm>>
      %dma_start3A_18 = tpu.memref_squeeze %dma_start3A_17 : memref<1x10000xi32, #tpu.memory_space<hbm>> -> memref<10000xi32, #tpu.memory_space<hbm>>
      %dma_start3A_19 = arith.constant 0 : i32
      %dma_start3A_20 = tpu.memref_slice %arg2[%add3A, %dma_start3A_19] : memref<32x10000xi32, #tpu.memory_space<hbm>> -> memref<1x10000xi32, #tpu.memory_space<hbm>>
      %dma_start3A_21 = tpu.memref_squeeze %dma_start3A_20 : memref<1x10000xi32, #tpu.memory_space<hbm>> -> memref<10000xi32, #tpu.memory_space<hbm>>
      tpu.enqueue_dma source(%dma_start3A_21 : memref<10000xi32, #tpu.memory_space<hbm>>) target(%arg4 : memref<10000xi32, #tpu.memory_space<vmem>>) target_semaphore(%run_scoped3A : memref<!tpu.dma_semaphore, #tpu.memory_space<semaphore_mem>>)
      %dma_wait3A = arith.constant 0 : i32
      %dma_wait3A_22 = tpu.memref_slice %arg2[%add3A, %dma_wait3A] : memref<32x10000xi32, #tpu.memory_space<hbm>> -> memref<1x10000xi32, #tpu.memory_space<hbm>>
      %dma_wait3A_23 = tpu.memref_squeeze %dma_wait3A_22 : memref<1x10000xi32, #tpu.memory_space<hbm>> -> memref<10000xi32, #tpu.memory_space<hbm>>
      %dma_wait3A_24 = arith.constant 0 : i32
      %dma_wait3A_25 = tpu.memref_slice %arg2[%add3A, %dma_wait3A_24] : memref<32x10000xi32, #tpu.memory_space<hbm>> -> memref<1x10000xi32, #tpu.memory_space<hbm>>
      %dma_wait3A_26 = tpu.memref_squeeze %dma_wait3A_25 : memref<1x10000xi32, #tpu.memory_space<hbm>> -> memref<10000xi32, #tpu.memory_space<hbm>>
      tpu.wait_dma2 semaphore(%run_scoped3A : memref<!tpu.dma_semaphore, #tpu.memory_space<semaphore_mem>>) src(%dma_wait3A_26 : memref<10000xi32, #tpu.memory_space<hbm>>) dst(%arg4 : memref<10000xi32, #tpu.memory_space<vmem>>)
      tpu.yield
    }) : () -> ()
    %broadcast_in_dim3A = arith.constant 0.000000e+00 : f32
    %broadcast_in_dim3A_1 = vector.broadcast %broadcast_in_dim3A : f32 to vector<16xf32>
    %scan3A = arith.constant 0 : i32
    %scan3A_2 = arith.constant 0 : i32
    %scan3A_3 = arith.constant 625 : i32
    %scan3A_4 = arith.addi %scan3A_2, %scan3A_3 : i32
    %scan3A_5 = arith.constant 1 : i32
    %scan3A_6 = scf.for %scan3A_17 = %scan3A_2 to %scan3A_4 step %scan3A_5 iter_args(%scan3A_18 = %scan3A) -> (i32)  : i32 {
      %mul3A_19 = arith.constant 16 : i32
      %mul3A_20 = arith.muli %scan3A_17, %mul3A_19 : i32
      %swap3A = arith.index_cast %mul3A_20 : i32 to index
      %swap3A_21 = tpu.vector_load %arg5[%swap3A] {strides = array<i32>} : memref<10000xf32, #tpu.memory_space<vmem>>, vector<16xf32>,
      tpu.vector_store %arg5[%swap3A], %broadcast_in_dim3A_1 {strides = array<i32>} : memref<10000xf32, #tpu.memory_space<vmem>>, vector<16xf32>,
      %scan3A_22 = arith.constant 0 : i32
      scf.yield %scan3A_22 : i32
    }
    %scan3A_7 = arith.constant 625 : i32
    %broadcast_in_dim3A_8 = arith.constant 1.000000e+00 : f32
    %broadcast_in_dim3A_9 = vector.broadcast %broadcast_in_dim3A_8 : f32 to vector<16xf32>
    %scan3A_10 = arith.constant 0 : i32
    %scan3A_11 = arith.constant 0 : i32
    %scan3A_12 = arith.constant 625 : i32
    %scan3A_13 = arith.addi %scan3A_11, %scan3A_12 : i32
    %scan3A_14 = arith.constant 1 : i32
    %scan3A_15 = scf.for %scan3A_17 = %scan3A_11 to %scan3A_13 step %scan3A_14 iter_args(%scan3A_18 = %scan3A_10) -> (i32)  : i32 {
      %mul3A_19 = arith.constant 16 : i32
      %mul3A_20 = arith.muli %scan3A_17, %mul3A_19 : i32
      %get3A = arith.index_cast %mul3A_20 : i32 to index
      %get3A_21 = tpu.vector_load %arg4[%get3A] {strides = array<i32>} : memref<10000xi32, #tpu.memory_space<vmem>>, vector<16xi32>,
      tpu.vector_store_idx %arg5[%get3A_21], %broadcast_in_dim3A_9 {add = true} : memref<10000xf32, #tpu.memory_space<vmem>>[vector<16xi32>], vector<16xf32>,
      %scan3A_22 = arith.constant 0 : i32
      scf.yield %scan3A_22 : i32
    }
    %scan3A_16 = arith.constant 625 : i32
    "tpu.region"() ({
      %run_scoped3A = tpu.sem_alloc : memref<!tpu.dma_semaphore, #tpu.memory_space<semaphore_mem>>
      %dma_start3A = arith.constant 0 : i32
      %dma_start3A_17 = tpu.memref_slice %arg3[%add3A, %dma_start3A] : memref<32x10000xf32, #tpu.memory_space<hbm>> -> memref<1x10000xf32, #tpu.memory_space<hbm>>
      %dma_start3A_18 = tpu.memref_squeeze %dma_start3A_17 : memref<1x10000xf32, #tpu.memory_space<hbm>> -> memref<10000xf32, #tpu.memory_space<hbm>>
      %dma_start3A_19 = arith.constant 0 : i32
      %dma_start3A_20 = tpu.memref_slice %arg3[%add3A, %dma_start3A_19] : memref<32x10000xf32, #tpu.memory_space<hbm>> -> memref<1x10000xf32, #tpu.memory_space<hbm>>
      %dma_start3A_21 = tpu.memref_squeeze %dma_start3A_20 : memref<1x10000xf32, #tpu.memory_space<hbm>> -> memref<10000xf32, #tpu.memory_space<hbm>>
      tpu.enqueue_dma source(%arg5 : memref<10000xf32, #tpu.memory_space<vmem>>) target(%dma_start3A_21 : memref<10000xf32, #tpu.memory_space<hbm>>) target_semaphore(%run_scoped3A : memref<!tpu.dma_semaphore, #tpu.memory_space<semaphore_mem>>)
      %dma_wait3A = arith.constant 0 : i32
      %dma_wait3A_22 = tpu.memref_slice %arg3[%add3A, %dma_wait3A] : memref<32x10000xf32, #tpu.memory_space<hbm>> -> memref<1x10000xf32, #tpu.memory_space<hbm>>
      %dma_wait3A_23 = tpu.memref_squeeze %dma_wait3A_22 : memref<1x10000xf32, #tpu.memory_space<hbm>> -> memref<10000xf32, #tpu.memory_space<hbm>>
      %dma_wait3A_24 = arith.constant 0 : i32
      %dma_wait3A_25 = tpu.memref_slice %arg3[%add3A, %dma_wait3A_24] : memref<32x10000xf32, #tpu.memory_space<hbm>> -> memref<1x10000xf32, #tpu.memory_space<hbm>>
      %dma_wait3A_26 = tpu.memref_squeeze %dma_wait3A_25 : memref<1x10000xf32, #tpu.memory_space<hbm>> -> memref<10000xf32, #tpu.memory_space<hbm>>
      tpu.wait_dma2 semaphore(%run_scoped3A : memref<!tpu.dma_semaphore, #tpu.memory_space<semaphore_mem>>) src(%arg5 : memref<10000xf32, #tpu.memory_space<vmem>>) dst(%dma_wait3A_26 : memref<10000xf32, #tpu.memory_space<hbm>>)
      tpu.yield
    }) : () -> ()
    return
  }
}

#map = affine_map<(d0, d1) -> (0, 0)>
#map1 = affine_map<(d0, d1) -> (0, 0, 0)>
module attributes {stable_mosaic.version = 14 : i64} {
  func.func @_scatter_body(%arg0: i32, %arg1: i32, %arg2: memref<10000x128xf32, #tpu.memory_space<hbm>>, %arg3: memref<32x10240xi32, #tpu.memory_space<hbm>>, %arg4: memref<32x10240xi32, #tpu.memory_space<hbm>>, %arg5: memref<2x10112x128xf32, #tpu.memory_space<hbm>>, %arg6: memref<5120xi32, #tpu.memory_space<vmem>>, %arg7: memref<5120xi32, #tpu.memory_space<vmem>>, %arg8: memref<128x128xf32, #tpu.memory_space<vmem>>, %arg9: memref<128x128xf32, #tpu.memory_space<vmem>>, %arg10: memref<!tpu.dma_semaphore, #tpu.memory_space<semaphore_mem>>, %arg11: memref<!tpu.dma_semaphore, #tpu.memory_space<semaphore_mem>>, %arg12: memref<!tpu.dma_semaphore, #tpu.memory_space<semaphore_mem>>, %arg13: memref<!tpu.dma_semaphore, #tpu.memory_space<semaphore_mem>>, %arg14: memref<10112x128xf32, #tpu.memory_space<vmem_shared>>) attributes {dimension_semantics = [#tpu.dimension_semantics<core_parallel>, #tpu.dimension_semantics<subcore_parallel>], iteration_bounds = array<i64: 2, 16>, scalar_prefetch = 0 : i64, scratch_operands = 9 : i64, tpu.core_type = #tpu.core_type<sc_vector_subcore>, window_params = [{transform_indices = #map}, {transform_indices = #map}, {transform_indices = #map}, {transform_indices = #map1}]} {
    %mul3A = arith.constant 2 : i32
    %mul3A_0 = arith.muli %arg1, %mul3A : i32
    %add3A = arith.addi %mul3A_0, %arg0 : i32
    %broadcast_in_dim3A = arith.constant 0.000000e+00 : f32
    %broadcast_in_dim3A_1 = vector.broadcast %broadcast_in_dim3A : f32 to vector<16xf32>
    %scan3A = arith.constant 0 : i32
    %scan3A_2 = arith.constant 0 : i32
    %scan3A_3 = arith.constant 128 : i32
    %scan3A_4 = arith.addi %scan3A_2, %scan3A_3 : i32
    %scan3A_5 = arith.constant 1 : i32
    %scan3A_6 = scf.for %scan3A_75 = %scan3A_2 to %scan3A_4 step %scan3A_5 iter_args(%scan3A_76 = %scan3A) -> (i32)  : i32 {
      %swap3A = arith.index_cast %scan3A_75 : i32 to index
      %swap3A_77 = arith.constant 0 : index
      %swap3A_78 = tpu.vector_load %arg8[%swap3A, %swap3A_77] {strides = array<i32>} : memref<128x128xf32, #tpu.memory_space<vmem>>, vector<16xf32>,
      tpu.vector_store %arg8[%swap3A, %swap3A_77], %broadcast_in_dim3A_1 {strides = array<i32>} : memref<128x128xf32, #tpu.memory_space<vmem>>, vector<16xf32>,
      %swap3A_79 = arith.index_cast %scan3A_75 : i32 to index
      %swap3A_80 = arith.constant 16 : index
      %swap3A_81 = tpu.vector_load %arg8[%swap3A_79, %swap3A_80] {strides = array<i32>} : memref<128x128xf32, #tpu.memory_space<vmem>>, vector<16xf32>,
      tpu.vector_store %arg8[%swap3A_79, %swap3A_80], %broadcast_in_dim3A_1 {strides = array<i32>} : memref<128x128xf32, #tpu.memory_space<vmem>>, vector<16xf32>,
      %swap3A_82 = arith.index_cast %scan3A_75 : i32 to index
      %swap3A_83 = arith.constant 32 : index
      %swap3A_84 = tpu.vector_load %arg8[%swap3A_82, %swap3A_83] {strides = array<i32>} : memref<128x128xf32, #tpu.memory_space<vmem>>, vector<16xf32>,
      tpu.vector_store %arg8[%swap3A_82, %swap3A_83], %broadcast_in_dim3A_1 {strides = array<i32>} : memref<128x128xf32, #tpu.memory_space<vmem>>, vector<16xf32>,
      %swap3A_85 = arith.index_cast %scan3A_75 : i32 to index
      %swap3A_86 = arith.constant 48 : index
      %swap3A_87 = tpu.vector_load %arg8[%swap3A_85, %swap3A_86] {strides = array<i32>} : memref<128x128xf32, #tpu.memory_space<vmem>>, vector<16xf32>,
      tpu.vector_store %arg8[%swap3A_85, %swap3A_86], %broadcast_in_dim3A_1 {strides = array<i32>} : memref<128x128xf32, #tpu.memory_space<vmem>>, vector<16xf32>,
      %swap3A_88 = arith.index_cast %scan3A_75 : i32 to index
      %swap3A_89 = arith.constant 64 : index
      %swap3A_90 = tpu.vector_load %arg8[%swap3A_88, %swap3A_89] {strides = array<i32>} : memref<128x128xf32, #tpu.memory_space<vmem>>, vector<16xf32>,
      tpu.vector_store %arg8[%swap3A_88, %swap3A_89], %broadcast_in_dim3A_1 {strides = array<i32>} : memref<128x128xf32, #tpu.memory_space<vmem>>, vector<16xf32>,
      %swap3A_91 = arith.index_cast %scan3A_75 : i32 to index
      %swap3A_92 = arith.constant 80 : index
      %swap3A_93 = tpu.vector_load %arg8[%swap3A_91, %swap3A_92] {strides = array<i32>} : memref<128x128xf32, #tpu.memory_space<vmem>>, vector<16xf32>,
      tpu.vector_store %arg8[%swap3A_91, %swap3A_92], %broadcast_in_dim3A_1 {strides = array<i32>} : memref<128x128xf32, #tpu.memory_space<vmem>>, vector<16xf32>,
      %swap3A_94 = arith.index_cast %scan3A_75 : i32 to index
      %swap3A_95 = arith.constant 96 : index
      %swap3A_96 = tpu.vector_load %arg8[%swap3A_94, %swap3A_95] {strides = array<i32>} : memref<128x128xf32, #tpu.memory_space<vmem>>, vector<16xf32>,
      tpu.vector_store %arg8[%swap3A_94, %swap3A_95], %broadcast_in_dim3A_1 {strides = array<i32>} : memref<128x128xf32, #tpu.memory_space<vmem>>, vector<16xf32>,
      %swap3A_97 = arith.index_cast %scan3A_75 : i32 to index
      %swap3A_98 = arith.constant 112 : index
      %swap3A_99 = tpu.vector_load %arg8[%swap3A_97, %swap3A_98] {strides = array<i32>} : memref<128x128xf32, #tpu.memory_space<vmem>>, vector<16xf32>,
      tpu.vector_store %arg8[%swap3A_97, %swap3A_98], %broadcast_in_dim3A_1 {strides = array<i32>} : memref<128x128xf32, #tpu.memory_space<vmem>>, vector<16xf32>,
      %scan3A_100 = arith.constant 0 : i32
      scf.yield %scan3A_100 : i32
    }
    %scan3A_7 = arith.constant 128 : i32
    %mul3A_8 = arith.constant 632 : i32
    %mul3A_9 = arith.muli %arg1, %mul3A_8 : i32
    %add3A_10 = arith.constant 0 : i32
    %add3A_11 = arith.addi %mul3A_9, %add3A_10 : i32
    "tpu.region"() ({
      %run_scoped3A = tpu.sem_alloc : memref<!tpu.dma_semaphore, #tpu.memory_space<semaphore_mem>>
      %dma_start3A_75 = arith.constant 0 : i32
      %dma_start3A_76 = arith.constant 0 : i32
      %dma_start3A_77 = tpu.memref_slice %arg8[%dma_start3A_75, %dma_start3A_76] : memref<128x128xf32, #tpu.memory_space<vmem>> -> memref<128x128xf32, #tpu.memory_space<vmem>>
      %dma_start3A_78 = arith.constant 0 : i32
      %dma_start3A_79 = tpu.memref_slice %arg14[%add3A_11, %dma_start3A_78] : memref<10112x128xf32, #tpu.memory_space<vmem_shared>> -> memref<128x128xf32, #tpu.memory_space<vmem_shared>>
      %dma_start3A_80 = arith.constant 0 : i32
      %dma_start3A_81 = tpu.memref_slice %arg14[%add3A_11, %dma_start3A_80] : memref<10112x128xf32, #tpu.memory_space<vmem_shared>> -> memref<128x128xf32, #tpu.memory_space<vmem_shared>>
      %dma_start3A_82 = arith.constant 0 : i32
      %dma_start3A_83 = arith.constant 0 : i32
      %dma_start3A_84 = tpu.memref_slice %arg8[%dma_start3A_82, %dma_start3A_83] : memref<128x128xf32, #tpu.memory_space<vmem>> -> memref<128x128xf32, #tpu.memory_space<vmem>>
      tpu.enqueue_dma source(%dma_start3A_84 : memref<128x128xf32, #tpu.memory_space<vmem>>) target(%dma_start3A_81 : memref<128x128xf32, #tpu.memory_space<vmem_shared>>) target_semaphore(%run_scoped3A : memref<!tpu.dma_semaphore, #tpu.memory_space<semaphore_mem>>)
      %dma_wait3A_85 = arith.constant 0 : i32
      %dma_wait3A_86 = arith.constant 0 : i32
      %dma_wait3A_87 = tpu.memref_slice %arg8[%dma_wait3A_85, %dma_wait3A_86] : memref<128x128xf32, #tpu.memory_space<vmem>> -> memref<128x128xf32, #tpu.memory_space<vmem>>
      %dma_wait3A_88 = arith.constant 0 : i32
      %dma_wait3A_89 = tpu.memref_slice %arg14[%add3A_11, %dma_wait3A_88] : memref<10112x128xf32, #tpu.memory_space<vmem_shared>> -> memref<128x128xf32, #tpu.memory_space<vmem_shared>>
      %dma_wait3A_90 = arith.constant 0 : i32
      %dma_wait3A_91 = tpu.memref_slice %arg14[%add3A_11, %dma_wait3A_90] : memref<10112x128xf32, #tpu.memory_space<vmem_shared>> -> memref<128x128xf32, #tpu.memory_space<vmem_shared>>
      %dma_wait3A_92 = arith.constant 0 : i32
      %dma_wait3A_93 = arith.constant 0 : i32
      %dma_wait3A_94 = tpu.memref_slice %arg8[%dma_wait3A_92, %dma_wait3A_93] : memref<128x128xf32, #tpu.memory_space<vmem>> -> memref<128x128xf32, #tpu.memory_space<vmem>>
      tpu.wait_dma2 semaphore(%run_scoped3A : memref<!tpu.dma_semaphore, #tpu.memory_space<semaphore_mem>>) src(%dma_wait3A_94 : memref<128x128xf32, #tpu.memory_space<vmem>>) dst(%dma_wait3A_91 : memref<128x128xf32, #tpu.memory_space<vmem_shared>>)
      tpu.yield
    }) : () -> ()
    %mul3A_12 = arith.constant 632 : i32
    %mul3A_13 = arith.muli %arg1, %mul3A_12 : i32
    %add3A_14 = arith.constant 128 : i32
    %add3A_15 = arith.addi %mul3A_13, %add3A_14 : i32
    "tpu.region"() ({
      %run_scoped3A = tpu.sem_alloc : memref<!tpu.dma_semaphore, #tpu.memory_space<semaphore_mem>>
      %dma_start3A_75 = arith.constant 0 : i32
      %dma_start3A_76 = arith.constant 0 : i32
      %dma_start3A_77 = tpu.memref_slice %arg8[%dma_start3A_75, %dma_start3A_76] : memref<128x128xf32, #tpu.memory_space<vmem>> -> memref<128x128xf32, #tpu.memory_space<vmem>>
      %dma_start3A_78 = arith.constant 0 : i32
      %dma_start3A_79 = tpu.memref_slice %arg14[%add3A_15, %dma_start3A_78] : memref<10112x128xf32, #tpu.memory_space<vmem_shared>> -> memref<128x128xf32, #tpu.memory_space<vmem_shared>>
      %dma_start3A_80 = arith.constant 0 : i32
      %dma_start3A_81 = tpu.memref_slice %arg14[%add3A_15, %dma_start3A_80] : memref<10112x128xf32, #tpu.memory_space<vmem_shared>> -> memref<128x128xf32, #tpu.memory_space<vmem_shared>>
      %dma_start3A_82 = arith.constant 0 : i32
      %dma_start3A_83 = arith.constant 0 : i32
      %dma_start3A_84 = tpu.memref_slice %arg8[%dma_start3A_82, %dma_start3A_83] : memref<128x128xf32, #tpu.memory_space<vmem>> -> memref<128x128xf32, #tpu.memory_space<vmem>>
      tpu.enqueue_dma source(%dma_start3A_84 : memref<128x128xf32, #tpu.memory_space<vmem>>) target(%dma_start3A_81 : memref<128x128xf32, #tpu.memory_space<vmem_shared>>) target_semaphore(%run_scoped3A : memref<!tpu.dma_semaphore, #tpu.memory_space<semaphore_mem>>)
      %dma_wait3A_85 = arith.constant 0 : i32
      %dma_wait3A_86 = arith.constant 0 : i32
      %dma_wait3A_87 = tpu.memref_slice %arg8[%dma_wait3A_85, %dma_wait3A_86] : memref<128x128xf32, #tpu.memory_space<vmem>> -> memref<128x128xf32, #tpu.memory_space<vmem>>
      %dma_wait3A_88 = arith.constant 0 : i32
      %dma_wait3A_89 = tpu.memref_slice %arg14[%add3A_15, %dma_wait3A_88] : memref<10112x128xf32, #tpu.memory_space<vmem_shared>> -> memref<128x128xf32, #tpu.memory_space<vmem_shared>>
      %dma_wait3A_90 = arith.constant 0 : i32
      %dma_wait3A_91 = tpu.memref_slice %arg14[%add3A_15, %dma_wait3A_90] : memref<10112x128xf32, #tpu.memory_space<vmem_shared>> -> memref<128x128xf32, #tpu.memory_space<vmem_shared>>
      %dma_wait3A_92 = arith.constant 0 : i32
      %dma_wait3A_93 = arith.constant 0 : i32
      %dma_wait3A_94 = tpu.memref_slice %arg8[%dma_wait3A_92, %dma_wait3A_93] : memref<128x128xf32, #tpu.memory_space<vmem>> -> memref<128x128xf32, #tpu.memory_space<vmem>>
      tpu.wait_dma2 semaphore(%run_scoped3A : memref<!tpu.dma_semaphore, #tpu.memory_space<semaphore_mem>>) src(%dma_wait3A_94 : memref<128x128xf32, #tpu.memory_space<vmem>>) dst(%dma_wait3A_91 : memref<128x128xf32, #tpu.memory_space<vmem_shared>>)
      tpu.yield
    }) : () -> ()
    %mul3A_16 = arith.constant 632 : i32
    %mul3A_17 = arith.muli %arg1, %mul3A_16 : i32
    %add3A_18 = arith.constant 256 : i32
    %add3A_19 = arith.addi %mul3A_17, %add3A_18 : i32
    "tpu.region"() ({
      %run_scoped3A = tpu.sem_alloc : memref<!tpu.dma_semaphore, #tpu.memory_space<semaphore_mem>>
      %dma_start3A_75 = arith.constant 0 : i32
      %dma_start3A_76 = arith.constant 0 : i32
      %dma_start3A_77 = tpu.memref_slice %arg8[%dma_start3A_75, %dma_start3A_76] : memref<128x128xf32, #tpu.memory_space<vmem>> -> memref<128x128xf32, #tpu.memory_space<vmem>>
      %dma_start3A_78 = arith.constant 0 : i32
      %dma_start3A_79 = tpu.memref_slice %arg14[%add3A_19, %dma_start3A_78] : memref<10112x128xf32, #tpu.memory_space<vmem_shared>> -> memref<128x128xf32, #tpu.memory_space<vmem_shared>>
      %dma_start3A_80 = arith.constant 0 : i32
      %dma_start3A_81 = tpu.memref_slice %arg14[%add3A_19, %dma_start3A_80] : memref<10112x128xf32, #tpu.memory_space<vmem_shared>> -> memref<128x128xf32, #tpu.memory_space<vmem_shared>>
      %dma_start3A_82 = arith.constant 0 : i32
      %dma_start3A_83 = arith.constant 0 : i32
      %dma_start3A_84 = tpu.memref_slice %arg8[%dma_start3A_82, %dma_start3A_83] : memref<128x128xf32, #tpu.memory_space<vmem>> -> memref<128x128xf32, #tpu.memory_space<vmem>>
      tpu.enqueue_dma source(%dma_start3A_84 : memref<128x128xf32, #tpu.memory_space<vmem>>) target(%dma_start3A_81 : memref<128x128xf32, #tpu.memory_space<vmem_shared>>) target_semaphore(%run_scoped3A : memref<!tpu.dma_semaphore, #tpu.memory_space<semaphore_mem>>)
      %dma_wait3A_85 = arith.constant 0 : i32
      %dma_wait3A_86 = arith.constant 0 : i32
      %dma_wait3A_87 = tpu.memref_slice %arg8[%dma_wait3A_85, %dma_wait3A_86] : memref<128x128xf32, #tpu.memory_space<vmem>> -> memref<128x128xf32, #tpu.memory_space<vmem>>
      %dma_wait3A_88 = arith.constant 0 : i32
      %dma_wait3A_89 = tpu.memref_slice %arg14[%add3A_19, %dma_wait3A_88] : memref<10112x128xf32, #tpu.memory_space<vmem_shared>> -> memref<128x128xf32, #tpu.memory_space<vmem_shared>>
      %dma_wait3A_90 = arith.constant 0 : i32
      %dma_wait3A_91 = tpu.memref_slice %arg14[%add3A_19, %dma_wait3A_90] : memref<10112x128xf32, #tpu.memory_space<vmem_shared>> -> memref<128x128xf32, #tpu.memory_space<vmem_shared>>
      %dma_wait3A_92 = arith.constant 0 : i32
      %dma_wait3A_93 = arith.constant 0 : i32
      %dma_wait3A_94 = tpu.memref_slice %arg8[%dma_wait3A_92, %dma_wait3A_93] : memref<128x128xf32, #tpu.memory_space<vmem>> -> memref<128x128xf32, #tpu.memory_space<vmem>>
      tpu.wait_dma2 semaphore(%run_scoped3A : memref<!tpu.dma_semaphore, #tpu.memory_space<semaphore_mem>>) src(%dma_wait3A_94 : memref<128x128xf32, #tpu.memory_space<vmem>>) dst(%dma_wait3A_91 : memref<128x128xf32, #tpu.memory_space<vmem_shared>>)
      tpu.yield
    }) : () -> ()
    %mul3A_20 = arith.constant 632 : i32
    %mul3A_21 = arith.muli %arg1, %mul3A_20 : i32
    %add3A_22 = arith.constant 384 : i32
    %add3A_23 = arith.addi %mul3A_21, %add3A_22 : i32
    "tpu.region"() ({
      %run_scoped3A = tpu.sem_alloc : memref<!tpu.dma_semaphore, #tpu.memory_space<semaphore_mem>>
      %dma_start3A_75 = arith.constant 0 : i32
      %dma_start3A_76 = arith.constant 0 : i32
      %dma_start3A_77 = tpu.memref_slice %arg8[%dma_start3A_75, %dma_start3A_76] : memref<128x128xf32, #tpu.memory_space<vmem>> -> memref<128x128xf32, #tpu.memory_space<vmem>>
      %dma_start3A_78 = arith.constant 0 : i32
      %dma_start3A_79 = tpu.memref_slice %arg14[%add3A_23, %dma_start3A_78] : memref<10112x128xf32, #tpu.memory_space<vmem_shared>> -> memref<128x128xf32, #tpu.memory_space<vmem_shared>>
      %dma_start3A_80 = arith.constant 0 : i32
      %dma_start3A_81 = tpu.memref_slice %arg14[%add3A_23, %dma_start3A_80] : memref<10112x128xf32, #tpu.memory_space<vmem_shared>> -> memref<128x128xf32, #tpu.memory_space<vmem_shared>>
      %dma_start3A_82 = arith.constant 0 : i32
      %dma_start3A_83 = arith.constant 0 : i32
      %dma_start3A_84 = tpu.memref_slice %arg8[%dma_start3A_82, %dma_start3A_83] : memref<128x128xf32, #tpu.memory_space<vmem>> -> memref<128x128xf32, #tpu.memory_space<vmem>>
      tpu.enqueue_dma source(%dma_start3A_84 : memref<128x128xf32, #tpu.memory_space<vmem>>) target(%dma_start3A_81 : memref<128x128xf32, #tpu.memory_space<vmem_shared>>) target_semaphore(%run_scoped3A : memref<!tpu.dma_semaphore, #tpu.memory_space<semaphore_mem>>)
      %dma_wait3A_85 = arith.constant 0 : i32
      %dma_wait3A_86 = arith.constant 0 : i32
      %dma_wait3A_87 = tpu.memref_slice %arg8[%dma_wait3A_85, %dma_wait3A_86] : memref<128x128xf32, #tpu.memory_space<vmem>> -> memref<128x128xf32, #tpu.memory_space<vmem>>
      %dma_wait3A_88 = arith.constant 0 : i32
      %dma_wait3A_89 = tpu.memref_slice %arg14[%add3A_23, %dma_wait3A_88] : memref<10112x128xf32, #tpu.memory_space<vmem_shared>> -> memref<128x128xf32, #tpu.memory_space<vmem_shared>>
      %dma_wait3A_90 = arith.constant 0 : i32
      %dma_wait3A_91 = tpu.memref_slice %arg14[%add3A_23, %dma_wait3A_90] : memref<10112x128xf32, #tpu.memory_space<vmem_shared>> -> memref<128x128xf32, #tpu.memory_space<vmem_shared>>
      %dma_wait3A_92 = arith.constant 0 : i32
      %dma_wait3A_93 = arith.constant 0 : i32
      %dma_wait3A_94 = tpu.memref_slice %arg8[%dma_wait3A_92, %dma_wait3A_93] : memref<128x128xf32, #tpu.memory_space<vmem>> -> memref<128x128xf32, #tpu.memory_space<vmem>>
      tpu.wait_dma2 semaphore(%run_scoped3A : memref<!tpu.dma_semaphore, #tpu.memory_space<semaphore_mem>>) src(%dma_wait3A_94 : memref<128x128xf32, #tpu.memory_space<vmem>>) dst(%dma_wait3A_91 : memref<128x128xf32, #tpu.memory_space<vmem_shared>>)
      tpu.yield
    }) : () -> ()
    %mul3A_24 = arith.constant 632 : i32
    %mul3A_25 = arith.muli %arg1, %mul3A_24 : i32
    %add3A_26 = arith.constant 512 : i32
    %add3A_27 = arith.addi %mul3A_25, %add3A_26 : i32
    "tpu.region"() ({
      %run_scoped3A = tpu.sem_alloc : memref<!tpu.dma_semaphore, #tpu.memory_space<semaphore_mem>>
      %dma_start3A_75 = arith.constant 0 : i32
      %dma_start3A_76 = arith.constant 0 : i32
      %dma_start3A_77 = tpu.memref_slice %arg8[%dma_start3A_75, %dma_start3A_76] : memref<128x128xf32, #tpu.memory_space<vmem>> -> memref<120x128xf32, #tpu.memory_space<vmem>>
      %dma_start3A_78 = arith.constant 0 : i32
      %dma_start3A_79 = tpu.memref_slice %arg14[%add3A_27, %dma_start3A_78] : memref<10112x128xf32, #tpu.memory_space<vmem_shared>> -> memref<120x128xf32, #tpu.memory_space<vmem_shared>>
      %dma_start3A_80 = arith.constant 0 : i32
      %dma_start3A_81 = tpu.memref_slice %arg14[%add3A_27, %dma_start3A_80] : memref<10112x128xf32, #tpu.memory_space<vmem_shared>> -> memref<120x128xf32, #tpu.memory_space<vmem_shared>>
      %dma_start3A_82 = arith.constant 0 : i32
      %dma_start3A_83 = arith.constant 0 : i32
      %dma_start3A_84 = tpu.memref_slice %arg8[%dma_start3A_82, %dma_start3A_83] : memref<128x128xf32, #tpu.memory_space<vmem>> -> memref<120x128xf32, #tpu.memory_space<vmem>>
      tpu.enqueue_dma source(%dma_start3A_84 : memref<120x128xf32, #tpu.memory_space<vmem>>) target(%dma_start3A_81 : memref<120x128xf32, #tpu.memory_space<vmem_shared>>) target_semaphore(%run_scoped3A : memref<!tpu.dma_semaphore, #tpu.memory_space<semaphore_mem>>)
      %dma_wait3A_85 = arith.constant 0 : i32
      %dma_wait3A_86 = arith.constant 0 : i32
      %dma_wait3A_87 = tpu.memref_slice %arg8[%dma_wait3A_85, %dma_wait3A_86] : memref<128x128xf32, #tpu.memory_space<vmem>> -> memref<120x128xf32, #tpu.memory_space<vmem>>
      %dma_wait3A_88 = arith.constant 0 : i32
      %dma_wait3A_89 = tpu.memref_slice %arg14[%add3A_27, %dma_wait3A_88] : memref<10112x128xf32, #tpu.memory_space<vmem_shared>> -> memref<120x128xf32, #tpu.memory_space<vmem_shared>>
      %dma_wait3A_90 = arith.constant 0 : i32
      %dma_wait3A_91 = tpu.memref_slice %arg14[%add3A_27, %dma_wait3A_90] : memref<10112x128xf32, #tpu.memory_space<vmem_shared>> -> memref<120x128xf32, #tpu.memory_space<vmem_shared>>
      %dma_wait3A_92 = arith.constant 0 : i32
      %dma_wait3A_93 = arith.constant 0 : i32
      %dma_wait3A_94 = tpu.memref_slice %arg8[%dma_wait3A_92, %dma_wait3A_93] : memref<128x128xf32, #tpu.memory_space<vmem>> -> memref<120x128xf32, #tpu.memory_space<vmem>>
      tpu.wait_dma2 semaphore(%run_scoped3A : memref<!tpu.dma_semaphore, #tpu.memory_space<semaphore_mem>>) src(%dma_wait3A_94 : memref<120x128xf32, #tpu.memory_space<vmem>>) dst(%dma_wait3A_91 : memref<120x128xf32, #tpu.memory_space<vmem_shared>>)
      tpu.yield
    }) : () -> ()
    %barrier3A = arith.constant 0 : index
    tpu.barrier barrier_id(%barrier3A)
    "tpu.region"() ({
      %run_scoped3A = tpu.sem_alloc : memref<!tpu.dma_semaphore, #tpu.memory_space<semaphore_mem>>
      %dma_start3A_75 = arith.constant 0 : i32
      %dma_start3A_76 = tpu.memref_slice %arg3[%add3A, %dma_start3A_75] : memref<32x10240xi32, #tpu.memory_space<hbm>> -> memref<1x5120xi32, #tpu.memory_space<hbm>>
      %dma_start3A_77 = tpu.memref_squeeze %dma_start3A_76 : memref<1x5120xi32, #tpu.memory_space<hbm>> -> memref<5120xi32, #tpu.memory_space<hbm>>
      %dma_start3A_78 = arith.constant 0 : i32
      %dma_start3A_79 = tpu.memref_slice %arg3[%add3A, %dma_start3A_78] : memref<32x10240xi32, #tpu.memory_space<hbm>> -> memref<1x5120xi32, #tpu.memory_space<hbm>>
      %dma_start3A_80 = tpu.memref_squeeze %dma_start3A_79 : memref<1x5120xi32, #tpu.memory_space<hbm>> -> memref<5120xi32, #tpu.memory_space<hbm>>
      tpu.enqueue_dma source(%dma_start3A_80 : memref<5120xi32, #tpu.memory_space<hbm>>) target(%arg6 : memref<5120xi32, #tpu.memory_space<vmem>>) target_semaphore(%run_scoped3A : memref<!tpu.dma_semaphore, #tpu.memory_space<semaphore_mem>>)
      %dma_wait3A_81 = arith.constant 0 : i32
      %dma_wait3A_82 = tpu.memref_slice %arg3[%add3A, %dma_wait3A_81] : memref<32x10240xi32, #tpu.memory_space<hbm>> -> memref<1x5120xi32, #tpu.memory_space<hbm>>
      %dma_wait3A_83 = tpu.memref_squeeze %dma_wait3A_82 : memref<1x5120xi32, #tpu.memory_space<hbm>> -> memref<5120xi32, #tpu.memory_space<hbm>>
      %dma_wait3A_84 = arith.constant 0 : i32
      %dma_wait3A_85 = tpu.memref_slice %arg3[%add3A, %dma_wait3A_84] : memref<32x10240xi32, #tpu.memory_space<hbm>> -> memref<1x5120xi32, #tpu.memory_space<hbm>>
      %dma_wait3A_86 = tpu.memref_squeeze %dma_wait3A_85 : memref<1x5120xi32, #tpu.memory_space<hbm>> -> memref<5120xi32, #tpu.memory_space<hbm>>
      tpu.wait_dma2 semaphore(%run_scoped3A : memref<!tpu.dma_semaphore, #tpu.memory_space<semaphore_mem>>) src(%dma_wait3A_86 : memref<5120xi32, #tpu.memory_space<hbm>>) dst(%arg6 : memref<5120xi32, #tpu.memory_space<vmem>>)
      tpu.yield
    }) : () -> ()
    "tpu.region"() ({
      %run_scoped3A = tpu.sem_alloc : memref<!tpu.dma_semaphore, #tpu.memory_space<semaphore_mem>>
      %dma_start3A_75 = arith.constant 0 : i32
      %dma_start3A_76 = tpu.memref_slice %arg4[%add3A, %dma_start3A_75] : memref<32x10240xi32, #tpu.memory_space<hbm>> -> memref<1x5120xi32, #tpu.memory_space<hbm>>
      %dma_start3A_77 = tpu.memref_squeeze %dma_start3A_76 : memref<1x5120xi32, #tpu.memory_space<hbm>> -> memref<5120xi32, #tpu.memory_space<hbm>>
      %dma_start3A_78 = arith.constant 0 : i32
      %dma_start3A_79 = tpu.memref_slice %arg4[%add3A, %dma_start3A_78] : memref<32x10240xi32, #tpu.memory_space<hbm>> -> memref<1x5120xi32, #tpu.memory_space<hbm>>
      %dma_start3A_80 = tpu.memref_squeeze %dma_start3A_79 : memref<1x5120xi32, #tpu.memory_space<hbm>> -> memref<5120xi32, #tpu.memory_space<hbm>>
      tpu.enqueue_dma source(%dma_start3A_80 : memref<5120xi32, #tpu.memory_space<hbm>>) target(%arg7 : memref<5120xi32, #tpu.memory_space<vmem>>) target_semaphore(%run_scoped3A : memref<!tpu.dma_semaphore, #tpu.memory_space<semaphore_mem>>)
      %dma_wait3A_81 = arith.constant 0 : i32
      %dma_wait3A_82 = tpu.memref_slice %arg4[%add3A, %dma_wait3A_81] : memref<32x10240xi32, #tpu.memory_space<hbm>> -> memref<1x5120xi32, #tpu.memory_space<hbm>>
      %dma_wait3A_83 = tpu.memref_squeeze %dma_wait3A_82 : memref<1x5120xi32, #tpu.memory_space<hbm>> -> memref<5120xi32, #tpu.memory_space<hbm>>
      %dma_wait3A_84 = arith.constant 0 : i32
      %dma_wait3A_85 = tpu.memref_slice %arg4[%add3A, %dma_wait3A_84] : memref<32x10240xi32, #tpu.memory_space<hbm>> -> memref<1x5120xi32, #tpu.memory_space<hbm>>
      %dma_wait3A_86 = tpu.memref_squeeze %dma_wait3A_85 : memref<1x5120xi32, #tpu.memory_space<hbm>> -> memref<5120xi32, #tpu.memory_space<hbm>>
      tpu.wait_dma2 semaphore(%run_scoped3A : memref<!tpu.dma_semaphore, #tpu.memory_space<semaphore_mem>>) src(%dma_wait3A_86 : memref<5120xi32, #tpu.memory_space<hbm>>) dst(%arg7 : memref<5120xi32, #tpu.memory_space<vmem>>)
      tpu.yield
    }) : () -> ()
    %dma_start3A = arith.constant 0 : i32
    %dma_start3A_28 = tpu.memref_slice %arg6[%dma_start3A] : memref<5120xi32, #tpu.memory_space<vmem>> -> memref<128xi32, #tpu.memory_space<vmem>>
    %dma_start3A_29 = arith.constant 0 : i32
    %dma_start3A_30 = arith.constant 0 : i32
    %dma_start3A_31 = tpu.memref_slice %arg2[%dma_start3A_29, %dma_start3A_30] : memref<10000x128xf32, #tpu.memory_space<hbm>> -> memref<10000x128xf32, #tpu.memory_space<hbm>>
    tpu.enqueue_indirect_dma source(%dma_start3A_31 : memref<10000x128xf32, #tpu.memory_space<hbm>>) target(%arg8 : memref<128x128xf32, #tpu.memory_space<vmem>>) offsets(%dma_start3A_28 : memref<128xi32, #tpu.memory_space<vmem>>) semaphore(%arg10 : memref<!tpu.dma_semaphore, #tpu.memory_space<semaphore_mem>>)
    %scan3A_32 = arith.constant 0 : i32
    %scan3A_33 = arith.constant 0 : i32
    %scan3A_34 = arith.constant 20 : i32
    %scan3A_35 = arith.addi %scan3A_33, %scan3A_34 : i32
    %scan3A_36 = arith.constant 1 : i32
    %scan3A_37 = scf.for %scan3A_75 = %scan3A_33 to %scan3A_35 step %scan3A_36 iter_args(%scan3A_76 = %scan3A_32) -> (i32)  : i32 {
      %mul3A_77 = arith.constant 2 : i32
      %mul3A_78 = arith.muli %mul3A_77, %scan3A_75 : i32
      %ge3A = arith.constant 1 : i32
      %ge3A_79 = arith.cmpi sge, %scan3A_75, %ge3A : i32
      %convert_element_type3A = arith.extui %ge3A_79 : i1 to i32
      %cond3A = arith.constant 0 : i32
      %cond3A_80 = arith.cmpi ne, %convert_element_type3A, %cond3A : i32
      scf.if %cond3A_80 {
        %sub3A = arith.constant 1 : i32
        %sub3A_120 = arith.subi %mul3A_78, %sub3A : i32
        %mul3A_121 = arith.constant 128 : i32
        %mul3A_122 = arith.muli %sub3A_120, %mul3A_121 : i32
        %dma_wait3A_123 = tpu.memref_slice %arg7[%mul3A_122] : memref<5120xi32, #tpu.memory_space<vmem>> -> memref<128xi32, #tpu.memory_space<vmem>>
        %dma_wait3A_124 = arith.constant 0 : i32
        %dma_wait3A_125 = arith.constant 0 : i32
        %dma_wait3A_126 = tpu.memref_slice %arg14[%dma_wait3A_124, %dma_wait3A_125] : memref<10112x128xf32, #tpu.memory_space<vmem_shared>> -> memref<10112x128xf32, #tpu.memory_space<vmem_shared>>
        tpu.wait_indirect_dma semaphore(%arg13 : memref<!tpu.dma_semaphore, #tpu.memory_space<semaphore_mem>>) src(%arg9 : memref<128x128xf32, #tpu.memory_space<vmem>>) dst(%dma_wait3A_126 : memref<10112x128xf32, #tpu.memory_space<vmem_shared>>)
      } else {
      }
      %add3A_81 = arith.constant 1 : i32
      %add3A_82 = arith.addi %mul3A_78, %add3A_81 : i32
      %mul3A_83 = arith.constant 128 : i32
      %mul3A_84 = arith.muli %add3A_82, %mul3A_83 : i32
      %dma_start3A_85 = tpu.memref_slice %arg6[%mul3A_84] : memref<5120xi32, #tpu.memory_space<vmem>> -> memref<128xi32, #tpu.memory_space<vmem>>
      %dma_start3A_86 = arith.constant 0 : i32
      %dma_start3A_87 = arith.constant 0 : i32
      %dma_start3A_88 = tpu.memref_slice %arg2[%dma_start3A_86, %dma_start3A_87] : memref<10000x128xf32, #tpu.memory_space<hbm>> -> memref<10000x128xf32, #tpu.memory_space<hbm>>
      tpu.enqueue_indirect_dma source(%dma_start3A_88 : memref<10000x128xf32, #tpu.memory_space<hbm>>) target(%arg9 : memref<128x128xf32, #tpu.memory_space<vmem>>) offsets(%dma_start3A_85 : memref<128xi32, #tpu.memory_space<vmem>>) semaphore(%arg11 : memref<!tpu.dma_semaphore, #tpu.memory_space<semaphore_mem>>)
      %mul3A_89 = arith.constant 128 : i32
      %mul3A_90 = arith.muli %mul3A_78, %mul3A_89 : i32
      %dma_wait3A_91 = tpu.memref_slice %arg6[%mul3A_90] : memref<5120xi32, #tpu.memory_space<vmem>> -> memref<128xi32, #tpu.memory_space<vmem>>
      %dma_wait3A_92 = arith.constant 0 : i32
      %dma_wait3A_93 = arith.constant 0 : i32
      %dma_wait3A_94 = tpu.memref_slice %arg2[%dma_wait3A_92, %dma_wait3A_93] : memref<10000x128xf32, #tpu.memory_space<hbm>> -> memref<10000x128xf32, #tpu.memory_space<hbm>>
      tpu.wait_indirect_dma semaphore(%arg10 : memref<!tpu.dma_semaphore, #tpu.memory_space<semaphore_mem>>) src(%dma_wait3A_94 : memref<10000x128xf32, #tpu.memory_space<hbm>>) dst(%arg8 : memref<128x128xf32, #tpu.memory_space<vmem>>)
      %mul3A_95 = arith.constant 128 : i32
      %mul3A_96 = arith.muli %mul3A_78, %mul3A_95 : i32
      %dma_start3A_97 = tpu.memref_slice %arg7[%mul3A_96] : memref<5120xi32, #tpu.memory_space<vmem>> -> memref<128xi32, #tpu.memory_space<vmem>>
      %dma_start3A_98 = arith.constant 0 : i32
      %dma_start3A_99 = arith.constant 0 : i32
      %dma_start3A_100 = tpu.memref_slice %arg14[%dma_start3A_98, %dma_start3A_99] : memref<10112x128xf32, #tpu.memory_space<vmem_shared>> -> memref<10112x128xf32, #tpu.memory_space<vmem_shared>>
      tpu.enqueue_indirect_dma source(%arg8 : memref<128x128xf32, #tpu.memory_space<vmem>>) target(%dma_start3A_100 : memref<10112x128xf32, #tpu.memory_space<vmem_shared>>) offsets(%dma_start3A_97 : memref<128xi32, #tpu.memory_space<vmem>>) semaphore(%arg12 : memref<!tpu.dma_semaphore, #tpu.memory_space<semaphore_mem>>) {add = true}
      %lt3A = arith.constant 19 : i32
      %lt3A_101 = arith.cmpi slt, %scan3A_75, %lt3A : i32
      %convert_element_type3A_102 = arith.extui %lt3A_101 : i1 to i32
      %cond3A_103 = arith.constant 0 : i32
      %cond3A_104 = arith.cmpi ne, %convert_element_type3A_102, %cond3A_103 : i32
      scf.if %cond3A_104 {
        %mul3A_120 = arith.constant 128 : i32
        %mul3A_121 = arith.muli %mul3A_78, %mul3A_120 : i32
        %dma_wait3A_122 = tpu.memref_slice %arg7[%mul3A_121] : memref<5120xi32, #tpu.memory_space<vmem>> -> memref<128xi32, #tpu.memory_space<vmem>>
        %dma_wait3A_123 = arith.constant 0 : i32
        %dma_wait3A_124 = arith.constant 0 : i32
        %dma_wait3A_125 = tpu.memref_slice %arg14[%dma_wait3A_123, %dma_wait3A_124] : memref<10112x128xf32, #tpu.memory_space<vmem_shared>> -> memref<10112x128xf32, #tpu.memory_space<vmem_shared>>
        tpu.wait_indirect_dma semaphore(%arg12 : memref<!tpu.dma_semaphore, #tpu.memory_space<semaphore_mem>>) src(%arg8 : memref<128x128xf32, #tpu.memory_space<vmem>>) dst(%dma_wait3A_125 : memref<10112x128xf32, #tpu.memory_space<vmem_shared>>)
        %add3A_126 = arith.constant 2 : i32
        %add3A_127 = arith.addi %mul3A_78, %add3A_126 : i32
        %mul3A_128 = arith.constant 128 : i32
        %mul3A_129 = arith.muli %add3A_127, %mul3A_128 : i32
        %dma_start3A_130 = tpu.memref_slice %arg6[%mul3A_129] : memref<5120xi32, #tpu.memory_space<vmem>> -> memref<128xi32, #tpu.memory_space<vmem>>
        %dma_start3A_131 = arith.constant 0 : i32
        %dma_start3A_132 = arith.constant 0 : i32
        %dma_start3A_133 = tpu.memref_slice %arg2[%dma_start3A_131, %dma_start3A_132] : memref<10000x128xf32, #tpu.memory_space<hbm>> -> memref<10000x128xf32, #tpu.memory_space<hbm>>
        tpu.enqueue_indirect_dma source(%dma_start3A_133 : memref<10000x128xf32, #tpu.memory_space<hbm>>) target(%arg8 : memref<128x128xf32, #tpu.memory_space<vmem>>) offsets(%dma_start3A_130 : memref<128xi32, #tpu.memory_space<vmem>>) semaphore(%arg10 : memref<!tpu.dma_semaphore, #tpu.memory_space<semaphore_mem>>)
      } else {
      }
      %add3A_105 = arith.constant 1 : i32
      %add3A_106 = arith.addi %mul3A_78, %add3A_105 : i32
      %mul3A_107 = arith.constant 128 : i32
      %mul3A_108 = arith.muli %add3A_106, %mul3A_107 : i32
      %dma_wait3A_109 = tpu.memref_slice %arg6[%mul3A_108] : memref<5120xi32, #tpu.memory_space<vmem>> -> memref<128xi32, #tpu.memory_space<vmem>>
      %dma_wait3A_110 = arith.constant 0 : i32
      %dma_wait3A_111 = arith.constant 0 : i32
      %dma_wait3A_112 = tpu.memref_slice %arg2[%dma_wait3A_110, %dma_wait3A_111] : memref<10000x128xf32, #tpu.memory_space<hbm>> -> memref<10000x128xf32, #tpu.memory_space<hbm>>
      tpu.wait_indirect_dma semaphore(%arg11 : memref<!tpu.dma_semaphore, #tpu.memory_space<semaphore_mem>>) src(%dma_wait3A_112 : memref<10000x128xf32, #tpu.memory_space<hbm>>) dst(%arg9 : memref<128x128xf32, #tpu.memory_space<vmem>>)
      %mul3A_113 = arith.constant 128 : i32
      %mul3A_114 = arith.muli %add3A_106, %mul3A_113 : i32
      %dma_start3A_115 = tpu.memref_slice %arg7[%mul3A_114] : memref<5120xi32, #tpu.memory_space<vmem>> -> memref<128xi32, #tpu.memory_space<vmem>>
      %dma_start3A_116 = arith.constant 0 : i32
      %dma_start3A_117 = arith.constant 0 : i32
      %dma_start3A_118 = tpu.memref_slice %arg14[%dma_start3A_116, %dma_start3A_117] : memref<10112x128xf32, #tpu.memory_space<vmem_shared>> -> memref<10112x128xf32, #tpu.memory_space<vmem_shared>>
      tpu.enqueue_indirect_dma source(%arg9 : memref<128x128xf32, #tpu.memory_space<vmem>>) target(%dma_start3A_118 : memref<10112x128xf32, #tpu.memory_space<vmem_shared>>) offsets(%dma_start3A_115 : memref<128xi32, #tpu.memory_space<vmem>>) semaphore(%arg13 : memref<!tpu.dma_semaphore, #tpu.memory_space<semaphore_mem>>) {add = true}
      %scan3A_119 = arith.constant 0 : i32
      scf.yield %scan3A_119 : i32
    }
    %scan3A_38 = arith.constant 20 : i32
    %dma_wait3A = arith.constant 4864 : i32
    %dma_wait3A_39 = tpu.memref_slice %arg7[%dma_wait3A] : memref<5120xi32, #tpu.memory_space<vmem>> -> memref<128xi32, #tpu.memory_space<vmem>>
    %dma_wait3A_40 = arith.constant 0 : i32
    %dma_wait3A_41 = arith.constant 0 : i32
    %dma_wait3A_42 = tpu.memref_slice %arg14[%dma_wait3A_40, %dma_wait3A_41] : memref<10112x128xf32, #tpu.memory_space<vmem_shared>> -> memref<10112x128xf32, #tpu.memory_space<vmem_shared>>
    tpu.wait_indirect_dma semaphore(%arg12 : memref<!tpu.dma_semaphore, #tpu.memory_space<semaphore_mem>>) src(%arg8 : memref<128x128xf32, #tpu.memory_space<vmem>>) dst(%dma_wait3A_42 : memref<10112x128xf32, #tpu.memory_space<vmem_shared>>)
    %dma_wait3A_43 = arith.constant 4992 : i32
    %dma_wait3A_44 = tpu.memref_slice %arg7[%dma_wait3A_43] : memref<5120xi32, #tpu.memory_space<vmem>> -> memref<128xi32, #tpu.memory_space<vmem>>
    %dma_wait3A_45 = arith.constant 0 : i32
    %dma_wait3A_46 = arith.constant 0 : i32
    %dma_wait3A_47 = tpu.memref_slice %arg14[%dma_wait3A_45, %dma_wait3A_46] : memref<10112x128xf32, #tpu.memory_space<vmem_shared>> -> memref<10112x128xf32, #tpu.memory_space<vmem_shared>>
    tpu.wait_indirect_dma semaphore(%arg13 : memref<!tpu.dma_semaphore, #tpu.memory_space<semaphore_mem>>) src(%arg9 : memref<128x128xf32, #tpu.memory_space<vmem>>) dst(%dma_wait3A_47 : memref<10112x128xf32, #tpu.memory_space<vmem_shared>>)
    "tpu.region"() ({
      %run_scoped3A = tpu.sem_alloc : memref<!tpu.dma_semaphore, #tpu.memory_space<semaphore_mem>>
      %dma_start3A_75 = arith.constant 5120 : i32
      %dma_start3A_76 = tpu.memref_slice %arg3[%add3A, %dma_start3A_75] : memref<32x10240xi32, #tpu.memory_space<hbm>> -> memref<1x5120xi32, #tpu.memory_space<hbm>>
      %dma_start3A_77 = tpu.memref_squeeze %dma_start3A_76 : memref<1x5120xi32, #tpu.memory_space<hbm>> -> memref<5120xi32, #tpu.memory_space<hbm>>
      %dma_start3A_78 = arith.constant 5120 : i32
      %dma_start3A_79 = tpu.memref_slice %arg3[%add3A, %dma_start3A_78] : memref<32x10240xi32, #tpu.memory_space<hbm>> -> memref<1x5120xi32, #tpu.memory_space<hbm>>
      %dma_start3A_80 = tpu.memref_squeeze %dma_start3A_79 : memref<1x5120xi32, #tpu.memory_space<hbm>> -> memref<5120xi32, #tpu.memory_space<hbm>>
      tpu.enqueue_dma source(%dma_start3A_80 : memref<5120xi32, #tpu.memory_space<hbm>>) target(%arg6 : memref<5120xi32, #tpu.memory_space<vmem>>) target_semaphore(%run_scoped3A : memref<!tpu.dma_semaphore, #tpu.memory_space<semaphore_mem>>)
      %dma_wait3A_81 = arith.constant 5120 : i32
      %dma_wait3A_82 = tpu.memref_slice %arg3[%add3A, %dma_wait3A_81] : memref<32x10240xi32, #tpu.memory_space<hbm>> -> memref<1x5120xi32, #tpu.memory_space<hbm>>
      %dma_wait3A_83 = tpu.memref_squeeze %dma_wait3A_82 : memref<1x5120xi32, #tpu.memory_space<hbm>> -> memref<5120xi32, #tpu.memory_space<hbm>>
      %dma_wait3A_84 = arith.constant 5120 : i32
      %dma_wait3A_85 = tpu.memref_slice %arg3[%add3A, %dma_wait3A_84] : memref<32x10240xi32, #tpu.memory_space<hbm>> -> memref<1x5120xi32, #tpu.memory_space<hbm>>
      %dma_wait3A_86 = tpu.memref_squeeze %dma_wait3A_85 : memref<1x5120xi32, #tpu.memory_space<hbm>> -> memref<5120xi32, #tpu.memory_space<hbm>>
      tpu.wait_dma2 semaphore(%run_scoped3A : memref<!tpu.dma_semaphore, #tpu.memory_space<semaphore_mem>>) src(%dma_wait3A_86 : memref<5120xi32, #tpu.memory_space<hbm>>) dst(%arg6 : memref<5120xi32, #tpu.memory_space<vmem>>)
      tpu.yield
    }) : () -> ()
    "tpu.region"() ({
      %run_scoped3A = tpu.sem_alloc : memref<!tpu.dma_semaphore, #tpu.memory_space<semaphore_mem>>
      %dma_start3A_75 = arith.constant 5120 : i32
      %dma_start3A_76 = tpu.memref_slice %arg4[%add3A, %dma_start3A_75] : memref<32x10240xi32, #tpu.memory_space<hbm>> -> memref<1x5120xi32, #tpu.memory_space<hbm>>
      %dma_start3A_77 = tpu.memref_squeeze %dma_start3A_76 : memref<1x5120xi32, #tpu.memory_space<hbm>> -> memref<5120xi32, #tpu.memory_space<hbm>>
      %dma_start3A_78 = arith.constant 5120 : i32
      %dma_start3A_79 = tpu.memref_slice %arg4[%add3A, %dma_start3A_78] : memref<32x10240xi32, #tpu.memory_space<hbm>> -> memref<1x5120xi32, #tpu.memory_space<hbm>>
      %dma_start3A_80 = tpu.memref_squeeze %dma_start3A_79 : memref<1x5120xi32, #tpu.memory_space<hbm>> -> memref<5120xi32, #tpu.memory_space<hbm>>
      tpu.enqueue_dma source(%dma_start3A_80 : memref<5120xi32, #tpu.memory_space<hbm>>) target(%arg7 : memref<5120xi32, #tpu.memory_space<vmem>>) target_semaphore(%run_scoped3A : memref<!tpu.dma_semaphore, #tpu.memory_space<semaphore_mem>>)
      %dma_wait3A_81 = arith.constant 5120 : i32
      %dma_wait3A_82 = tpu.memref_slice %arg4[%add3A, %dma_wait3A_81] : memref<32x10240xi32, #tpu.memory_space<hbm>> -> memref<1x5120xi32, #tpu.memory_space<hbm>>
      %dma_wait3A_83 = tpu.memref_squeeze %dma_wait3A_82 : memref<1x5120xi32, #tpu.memory_space<hbm>> -> memref<5120xi32, #tpu.memory_space<hbm>>
      %dma_wait3A_84 = arith.constant 5120 : i32
      %dma_wait3A_85 = tpu.memref_slice %arg4[%add3A, %dma_wait3A_84] : memref<32x10240xi32, #tpu.memory_space<hbm>> -> memref<1x5120xi32, #tpu.memory_space<hbm>>
      %dma_wait3A_86 = tpu.memref_squeeze %dma_wait3A_85 : memref<1x5120xi32, #tpu.memory_space<hbm>> -> memref<5120xi32, #tpu.memory_space<hbm>>
      tpu.wait_dma2 semaphore(%run_scoped3A : memref<!tpu.dma_semaphore, #tpu.memory_space<semaphore_mem>>) src(%dma_wait3A_86 : memref<5120xi32, #tpu.memory_space<hbm>>) dst(%arg7 : memref<5120xi32, #tpu.memory_space<vmem>>)
      tpu.yield
    }) : () -> ()
    %dma_start3A_48 = arith.constant 0 : i32
    %dma_start3A_49 = tpu.memref_slice %arg6[%dma_start3A_48] : memref<5120xi32, #tpu.memory_space<vmem>> -> memref<128xi32, #tpu.memory_space<vmem>>
    %dma_start3A_50 = arith.constant 0 : i32
    %dma_start3A_51 = arith.constant 0 : i32
    %dma_start3A_52 = tpu.memref_slice %arg2[%dma_start3A_50, %dma_start3A_51] : memref<10000x128xf32, #tpu.memory_space<hbm>> -> memref<10000x128xf32, #tpu.memory_space<hbm>>
    tpu.enqueue_indirect_dma source(%dma_start3A_52 : memref<10000x128xf32, #tpu.memory_space<hbm>>) target(%arg8 : memref<128x128xf32, #tpu.memory_space<vmem>>) offsets(%dma_start3A_49 : memref<128xi32, #tpu.memory_space<vmem>>) semaphore(%arg10 : memref<!tpu.dma_semaphore, #tpu.memory_space<semaphore_mem>>)
    %scan3A_53 = arith.constant 0 : i32
    %scan3A_54 = arith.constant 0 : i32
    %scan3A_55 = arith.constant 20 : i32
    %scan3A_56 = arith.addi %scan3A_54, %scan3A_55 : i32
    %scan3A_57 = arith.constant 1 : i32
    %scan3A_58 = scf.for %scan3A_75 = %scan3A_54 to %scan3A_56 step %scan3A_57 iter_args(%scan3A_76 = %scan3A_53) -> (i32)  : i32 {
      %mul3A_77 = arith.constant 2 : i32
      %mul3A_78 = arith.muli %mul3A_77, %scan3A_75 : i32
      %ge3A = arith.constant 1 : i32
      %ge3A_79 = arith.cmpi sge, %scan3A_75, %ge3A : i32
      %convert_element_type3A = arith.extui %ge3A_79 : i1 to i32
      %cond3A = arith.constant 0 : i32
      %cond3A_80 = arith.cmpi ne, %convert_element_type3A, %cond3A : i32
      scf.if %cond3A_80 {
        %sub3A = arith.constant 1 : i32
        %sub3A_120 = arith.subi %mul3A_78, %sub3A : i32
        %mul3A_121 = arith.constant 128 : i32
        %mul3A_122 = arith.muli %sub3A_120, %mul3A_121 : i32
        %dma_wait3A_123 = tpu.memref_slice %arg7[%mul3A_122] : memref<5120xi32, #tpu.memory_space<vmem>> -> memref<128xi32, #tpu.memory_space<vmem>>
        %dma_wait3A_124 = arith.constant 0 : i32
        %dma_wait3A_125 = arith.constant 0 : i32
        %dma_wait3A_126 = tpu.memref_slice %arg14[%dma_wait3A_124, %dma_wait3A_125] : memref<10112x128xf32, #tpu.memory_space<vmem_shared>> -> memref<10112x128xf32, #tpu.memory_space<vmem_shared>>
        tpu.wait_indirect_dma semaphore(%arg13 : memref<!tpu.dma_semaphore, #tpu.memory_space<semaphore_mem>>) src(%arg9 : memref<128x128xf32, #tpu.memory_space<vmem>>) dst(%dma_wait3A_126 : memref<10112x128xf32, #tpu.memory_space<vmem_shared>>)
      } else {
      }
      %add3A_81 = arith.constant 1 : i32
      %add3A_82 = arith.addi %mul3A_78, %add3A_81 : i32
      %mul3A_83 = arith.constant 128 : i32
      %mul3A_84 = arith.muli %add3A_82, %mul3A_83 : i32
      %dma_start3A_85 = tpu.memref_slice %arg6[%mul3A_84] : memref<5120xi32, #tpu.memory_space<vmem>> -> memref<128xi32, #tpu.memory_space<vmem>>
      %dma_start3A_86 = arith.constant 0 : i32
      %dma_start3A_87 = arith.constant 0 : i32
      %dma_start3A_88 = tpu.memref_slice %arg2[%dma_start3A_86, %dma_start3A_87] : memref<10000x128xf32, #tpu.memory_space<hbm>> -> memref<10000x128xf32, #tpu.memory_space<hbm>>
      tpu.enqueue_indirect_dma source(%dma_start3A_88 : memref<10000x128xf32, #tpu.memory_space<hbm>>) target(%arg9 : memref<128x128xf32, #tpu.memory_space<vmem>>) offsets(%dma_start3A_85 : memref<128xi32, #tpu.memory_space<vmem>>) semaphore(%arg11 : memref<!tpu.dma_semaphore, #tpu.memory_space<semaphore_mem>>)
      %mul3A_89 = arith.constant 128 : i32
      %mul3A_90 = arith.muli %mul3A_78, %mul3A_89 : i32
      %dma_wait3A_91 = tpu.memref_slice %arg6[%mul3A_90] : memref<5120xi32, #tpu.memory_space<vmem>> -> memref<128xi32, #tpu.memory_space<vmem>>
      %dma_wait3A_92 = arith.constant 0 : i32
      %dma_wait3A_93 = arith.constant 0 : i32
      %dma_wait3A_94 = tpu.memref_slice %arg2[%dma_wait3A_92, %dma_wait3A_93] : memref<10000x128xf32, #tpu.memory_space<hbm>> -> memref<10000x128xf32, #tpu.memory_space<hbm>>
      tpu.wait_indirect_dma semaphore(%arg10 : memref<!tpu.dma_semaphore, #tpu.memory_space<semaphore_mem>>) src(%dma_wait3A_94 : memref<10000x128xf32, #tpu.memory_space<hbm>>) dst(%arg8 : memref<128x128xf32, #tpu.memory_space<vmem>>)
      %mul3A_95 = arith.constant 128 : i32
      %mul3A_96 = arith.muli %mul3A_78, %mul3A_95 : i32
      %dma_start3A_97 = tpu.memref_slice %arg7[%mul3A_96] : memref<5120xi32, #tpu.memory_space<vmem>> -> memref<128xi32, #tpu.memory_space<vmem>>
      %dma_start3A_98 = arith.constant 0 : i32
      %dma_start3A_99 = arith.constant 0 : i32
      %dma_start3A_100 = tpu.memref_slice %arg14[%dma_start3A_98, %dma_start3A_99] : memref<10112x128xf32, #tpu.memory_space<vmem_shared>> -> memref<10112x128xf32, #tpu.memory_space<vmem_shared>>
      tpu.enqueue_indirect_dma source(%arg8 : memref<128x128xf32, #tpu.memory_space<vmem>>) target(%dma_start3A_100 : memref<10112x128xf32, #tpu.memory_space<vmem_shared>>) offsets(%dma_start3A_97 : memref<128xi32, #tpu.memory_space<vmem>>) semaphore(%arg12 : memref<!tpu.dma_semaphore, #tpu.memory_space<semaphore_mem>>) {add = true}
      %lt3A = arith.constant 19 : i32
      %lt3A_101 = arith.cmpi slt, %scan3A_75, %lt3A : i32
      %convert_element_type3A_102 = arith.extui %lt3A_101 : i1 to i32
      %cond3A_103 = arith.constant 0 : i32
      %cond3A_104 = arith.cmpi ne, %convert_element_type3A_102, %cond3A_103 : i32
      scf.if %cond3A_104 {
        %mul3A_120 = arith.constant 128 : i32
        %mul3A_121 = arith.muli %mul3A_78, %mul3A_120 : i32
        %dma_wait3A_122 = tpu.memref_slice %arg7[%mul3A_121] : memref<5120xi32, #tpu.memory_space<vmem>> -> memref<128xi32, #tpu.memory_space<vmem>>
        %dma_wait3A_123 = arith.constant 0 : i32
        %dma_wait3A_124 = arith.constant 0 : i32
        %dma_wait3A_125 = tpu.memref_slice %arg14[%dma_wait3A_123, %dma_wait3A_124] : memref<10112x128xf32, #tpu.memory_space<vmem_shared>> -> memref<10112x128xf32, #tpu.memory_space<vmem_shared>>
        tpu.wait_indirect_dma semaphore(%arg12 : memref<!tpu.dma_semaphore, #tpu.memory_space<semaphore_mem>>) src(%arg8 : memref<128x128xf32, #tpu.memory_space<vmem>>) dst(%dma_wait3A_125 : memref<10112x128xf32, #tpu.memory_space<vmem_shared>>)
        %add3A_126 = arith.constant 2 : i32
        %add3A_127 = arith.addi %mul3A_78, %add3A_126 : i32
        %mul3A_128 = arith.constant 128 : i32
        %mul3A_129 = arith.muli %add3A_127, %mul3A_128 : i32
        %dma_start3A_130 = tpu.memref_slice %arg6[%mul3A_129] : memref<5120xi32, #tpu.memory_space<vmem>> -> memref<128xi32, #tpu.memory_space<vmem>>
        %dma_start3A_131 = arith.constant 0 : i32
        %dma_start3A_132 = arith.constant 0 : i32
        %dma_start3A_133 = tpu.memref_slice %arg2[%dma_start3A_131, %dma_start3A_132] : memref<10000x128xf32, #tpu.memory_space<hbm>> -> memref<10000x128xf32, #tpu.memory_space<hbm>>
        tpu.enqueue_indirect_dma source(%dma_start3A_133 : memref<10000x128xf32, #tpu.memory_space<hbm>>) target(%arg8 : memref<128x128xf32, #tpu.memory_space<vmem>>) offsets(%dma_start3A_130 : memref<128xi32, #tpu.memory_space<vmem>>) semaphore(%arg10 : memref<!tpu.dma_semaphore, #tpu.memory_space<semaphore_mem>>)
      } else {
      }
      %add3A_105 = arith.constant 1 : i32
      %add3A_106 = arith.addi %mul3A_78, %add3A_105 : i32
      %mul3A_107 = arith.constant 128 : i32
      %mul3A_108 = arith.muli %add3A_106, %mul3A_107 : i32
      %dma_wait3A_109 = tpu.memref_slice %arg6[%mul3A_108] : memref<5120xi32, #tpu.memory_space<vmem>> -> memref<128xi32, #tpu.memory_space<vmem>>
      %dma_wait3A_110 = arith.constant 0 : i32
      %dma_wait3A_111 = arith.constant 0 : i32
      %dma_wait3A_112 = tpu.memref_slice %arg2[%dma_wait3A_110, %dma_wait3A_111] : memref<10000x128xf32, #tpu.memory_space<hbm>> -> memref<10000x128xf32, #tpu.memory_space<hbm>>
      tpu.wait_indirect_dma semaphore(%arg11 : memref<!tpu.dma_semaphore, #tpu.memory_space<semaphore_mem>>) src(%dma_wait3A_112 : memref<10000x128xf32, #tpu.memory_space<hbm>>) dst(%arg9 : memref<128x128xf32, #tpu.memory_space<vmem>>)
      %mul3A_113 = arith.constant 128 : i32
      %mul3A_114 = arith.muli %add3A_106, %mul3A_113 : i32
      %dma_start3A_115 = tpu.memref_slice %arg7[%mul3A_114] : memref<5120xi32, #tpu.memory_space<vmem>> -> memref<128xi32, #tpu.memory_space<vmem>>
      %dma_start3A_116 = arith.constant 0 : i32
      %dma_start3A_117 = arith.constant 0 : i32
      %dma_start3A_118 = tpu.memref_slice %arg14[%dma_start3A_116, %dma_start3A_117] : memref<10112x128xf32, #tpu.memory_space<vmem_shared>> -> memref<10112x128xf32, #tpu.memory_space<vmem_shared>>
      tpu.enqueue_indirect_dma source(%arg9 : memref<128x128xf32, #tpu.memory_space<vmem>>) target(%dma_start3A_118 : memref<10112x128xf32, #tpu.memory_space<vmem_shared>>) offsets(%dma_start3A_115 : memref<128xi32, #tpu.memory_space<vmem>>) semaphore(%arg13 : memref<!tpu.dma_semaphore, #tpu.memory_space<semaphore_mem>>) {add = true}
      %scan3A_119 = arith.constant 0 : i32
      scf.yield %scan3A_119 : i32
    }
    %scan3A_59 = arith.constant 20 : i32
    %dma_wait3A_60 = arith.constant 4864 : i32
    %dma_wait3A_61 = tpu.memref_slice %arg7[%dma_wait3A_60] : memref<5120xi32, #tpu.memory_space<vmem>> -> memref<128xi32, #tpu.memory_space<vmem>>
    %dma_wait3A_62 = arith.constant 0 : i32
    %dma_wait3A_63 = arith.constant 0 : i32
    %dma_wait3A_64 = tpu.memref_slice %arg14[%dma_wait3A_62, %dma_wait3A_63] : memref<10112x128xf32, #tpu.memory_space<vmem_shared>> -> memref<10112x128xf32, #tpu.memory_space<vmem_shared>>
    tpu.wait_indirect_dma semaphore(%arg12 : memref<!tpu.dma_semaphore, #tpu.memory_space<semaphore_mem>>) src(%arg8 : memref<128x128xf32, #tpu.memory_space<vmem>>) dst(%dma_wait3A_64 : memref<10112x128xf32, #tpu.memory_space<vmem_shared>>)
    %dma_wait3A_65 = arith.constant 4992 : i32
    %dma_wait3A_66 = tpu.memref_slice %arg7[%dma_wait3A_65] : memref<5120xi32, #tpu.memory_space<vmem>> -> memref<128xi32, #tpu.memory_space<vmem>>
    %dma_wait3A_67 = arith.constant 0 : i32
    %dma_wait3A_68 = arith.constant 0 : i32
    %dma_wait3A_69 = tpu.memref_slice %arg14[%dma_wait3A_67, %dma_wait3A_68] : memref<10112x128xf32, #tpu.memory_space<vmem_shared>> -> memref<10112x128xf32, #tpu.memory_space<vmem_shared>>
    tpu.wait_indirect_dma semaphore(%arg13 : memref<!tpu.dma_semaphore, #tpu.memory_space<semaphore_mem>>) src(%arg9 : memref<128x128xf32, #tpu.memory_space<vmem>>) dst(%dma_wait3A_69 : memref<10112x128xf32, #tpu.memory_space<vmem_shared>>)
    %barrier3A_70 = arith.constant 0 : index
    tpu.barrier barrier_id(%barrier3A_70)
    %mul3A_71 = arith.constant 632 : i32
    %mul3A_72 = arith.muli %arg1, %mul3A_71 : i32
    %mul3A_73 = arith.constant 632 : i32
    %mul3A_74 = arith.muli %arg1, %mul3A_73 : i32
    "tpu.region"() ({
      %run_scoped3A = tpu.sem_alloc : memref<!tpu.dma_semaphore, #tpu.memory_space<semaphore_mem>>
      %dma_start3A_75 = arith.constant 0 : i32
      %dma_start3A_76 = tpu.memref_slice %arg5[%arg0, %mul3A_74, %dma_start3A_75] : memref<2x10112x128xf32, #tpu.memory_space<hbm>> -> memref<1x632x128xf32, #tpu.memory_space<hbm>>
      %dma_start3A_77 = tpu.memref_squeeze %dma_start3A_76 : memref<1x632x128xf32, #tpu.memory_space<hbm>> -> memref<632x128xf32, #tpu.memory_space<hbm>>
      %dma_start3A_78 = arith.constant 0 : i32
      %dma_start3A_79 = tpu.memref_slice %arg14[%mul3A_72, %dma_start3A_78] : memref<10112x128xf32, #tpu.memory_space<vmem_shared>> -> memref<632x128xf32, #tpu.memory_space<vmem_shared>>
      tpu.enqueue_dma source(%dma_start3A_79 : memref<632x128xf32, #tpu.memory_space<vmem_shared>>) target(%dma_start3A_77 : memref<632x128xf32, #tpu.memory_space<hbm>>) target_semaphore(%run_scoped3A : memref<!tpu.dma_semaphore, #tpu.memory_space<semaphore_mem>>)
      %dma_wait3A_80 = arith.constant 0 : i32
      %dma_wait3A_81 = tpu.memref_slice %arg5[%arg0, %mul3A_74, %dma_wait3A_80] : memref<2x10112x128xf32, #tpu.memory_space<hbm>> -> memref<1x632x128xf32, #tpu.memory_space<hbm>>
      %dma_wait3A_82 = tpu.memref_squeeze %dma_wait3A_81 : memref<1x632x128xf32, #tpu.memory_space<hbm>> -> memref<632x128xf32, #tpu.memory_space<hbm>>
      %dma_wait3A_83 = arith.constant 0 : i32
      %dma_wait3A_84 = tpu.memref_slice %arg14[%mul3A_72, %dma_wait3A_83] : memref<10112x128xf32, #tpu.memory_space<vmem_shared>> -> memref<632x128xf32, #tpu.memory_space<vmem_shared>>
      tpu.wait_dma2 semaphore(%run_scoped3A : memref<!tpu.dma_semaphore, #tpu.memory_space<semaphore_mem>>) src(%dma_wait3A_84 : memref<632x128xf32, #tpu.memory_space<vmem_shared>>) dst(%dma_wait3A_82 : memref<632x128xf32, #tpu.memory_space<hbm>>)
      tpu.yield
    }) : () -> ()
    return
  }
}

module attributes {stable_mosaic.version = 14 : i64} {
  func.func @_tc1_body(%arg0: memref<10000x128xf32, #tpu.memory_space<vmem>>, %arg1: memref<128x128xf32, #tpu.memory_space<vmem>>, %arg2: memref<1x128xf32, #tpu.memory_space<vmem>>, %arg3: memref<128x128xf32, #tpu.memory_space<vmem>>, %arg4: memref<32x10000xf32, #tpu.memory_space<vmem>>, %arg5: memref<10000x128xf32, #tpu.memory_space<vmem>>, %arg6: memref<10000x128xf32, #tpu.memory_space<vmem>>, %arg7: memref<10000x1xf32, #tpu.memory_space<vmem>>) attributes {dimension_semantics = [], scalar_prefetch = 0 : i64, scratch_operands = 0 : i64, tpu.core_type = #tpu.core_type<tc>} {
    %get3A = arith.constant 0 : index
    %get3A_0 = arith.constant 0 : index
    %get3A_1 = vector.load %arg4[%get3A, %get3A_0] : memref<32x10000xf32, #tpu.memory_space<vmem>>, vector<32x10000xf32>
    %reduce_sum3A = arith.constant dense<0.000000e+00> : vector<10000xf32>
    %reduce_sum3A_2 = vector.multi_reduction <add>, %get3A_1, %reduce_sum3A [0] : vector<32x10000xf32> to vector<10000xf32>
    %add3A = arith.constant 1.000000e+00 : f32
    %add3A_3 = vector.broadcast %add3A : f32 to vector<10000xf32>
    %add3A_4 = arith.addf %reduce_sum3A_2, %add3A_3 : vector<10000xf32>
    %rsqrt3A = math.rsqrt %add3A_4 : vector<10000xf32>
    %broadcast_in_dim3A = vector.shape_cast %rsqrt3A : vector<10000xf32> to vector<10000x1xf32>
    %get3A_5 = arith.constant 0 : index
    %get3A_6 = arith.constant 0 : index
    %get3A_7 = vector.load %arg0[%get3A_5, %get3A_6] : memref<10000x128xf32, #tpu.memory_space<vmem>>, vector<10000x128xf32>
    %get3A_8 = arith.constant 0 : index
    %get3A_9 = arith.constant 0 : index
    %get3A_10 = vector.load %arg1[%get3A_8, %get3A_9] : memref<128x128xf32, #tpu.memory_space<vmem>>, vector<128x128xf32>
    %dot_general3A = arith.constant dense<0.000000e+00> : vector<10000x128xf32>
    %dot_general3A_11 = tpu.matmul %get3A_7, %get3A_10, %dot_general3A {dimension_numbers = #tpu.dot_dimension_numbers<[1], [0], [0], [1], [0, 0, 1, 1], [], []>, transpose_lhs_hint = false} : vector<10000x128xf32>, vector<128x128xf32>, vector<10000x128xf32> -> vector<10000x128xf32>
    %get3A_12 = arith.constant 0 : index
    %get3A_13 = arith.constant 0 : index
    %get3A_14 = vector.load %arg2[%get3A_12, %get3A_13] : memref<1x128xf32, #tpu.memory_space<vmem>>, vector<1x128xf32>
    %add3A_15 = vector.broadcast %get3A_14 : vector<1x128xf32> to vector<10000x128xf32>
    %add3A_16 = arith.addf %dot_general3A_11, %add3A_15 : vector<10000x128xf32>
    %get3A_17 = arith.constant 0 : index
    %get3A_18 = arith.constant 0 : index
    %get3A_19 = vector.load %arg3[%get3A_17, %get3A_18] : memref<128x128xf32, #tpu.memory_space<vmem>>, vector<128x128xf32>
    %dot_general3A_20 = arith.constant dense<0.000000e+00> : vector<10000x128xf32>
    %dot_general3A_21 = tpu.matmul %add3A_16, %get3A_19, %dot_general3A_20 {dimension_numbers = #tpu.dot_dimension_numbers<[1], [0], [0], [1], [0, 0, 1, 1], [], []>, transpose_lhs_hint = false} : vector<10000x128xf32>, vector<128x128xf32>, vector<10000x128xf32> -> vector<10000x128xf32>
    %mul3A = vector.broadcast %broadcast_in_dim3A : vector<10000x1xf32> to vector<10000x128xf32>
    %mul3A_22 = arith.mulf %dot_general3A_21, %mul3A : vector<10000x128xf32>
    %swap3A = arith.constant 0 : index
    %swap3A_23 = arith.constant 0 : index
    %swap3A_24 = vector.load %arg5[%swap3A, %swap3A_23] : memref<10000x128xf32, #tpu.memory_space<vmem>>, vector<10000x128xf32>
    tpu.vector_store %arg5[%swap3A, %swap3A_23], %add3A_16 {strides = array<i32>} : memref<10000x128xf32, #tpu.memory_space<vmem>>, vector<10000x128xf32>,
    %swap3A_25 = arith.constant 0 : index
    %swap3A_26 = arith.constant 0 : index
    %swap3A_27 = vector.load %arg6[%swap3A_25, %swap3A_26] : memref<10000x128xf32, #tpu.memory_space<vmem>>, vector<10000x128xf32>
    tpu.vector_store %arg6[%swap3A_25, %swap3A_26], %mul3A_22 {strides = array<i32>} : memref<10000x128xf32, #tpu.memory_space<vmem>>, vector<10000x128xf32>,
    %swap3A_28 = arith.constant 0 : index
    %swap3A_29 = arith.constant 0 : index
    %swap3A_30 = vector.load %arg7[%swap3A_28, %swap3A_29] : memref<10000x1xf32, #tpu.memory_space<vmem>>, vector<10000x1xf32>
    tpu.vector_store %arg7[%swap3A_28, %swap3A_29], %broadcast_in_dim3A {strides = array<i32>} : memref<10000x1xf32, #tpu.memory_space<vmem>>, vector<10000x1xf32>,
    return
  }
}

module attributes {stable_mosaic.version = 14 : i64} {
  func.func @_tc2_body(%arg0: i32, %arg1: memref<2x2000x128xf32, #tpu.memory_space<vmem>>, %arg2: memref<2000x128xf32, #tpu.memory_space<vmem>>, %arg3: memref<2000x128xf32, #tpu.memory_space<vmem>>, %arg4: memref<2000x1xf32, #tpu.memory_space<vmem>>, %arg5: memref<1x128xf32, #tpu.memory_space<vmem>>, %arg6: memref<1x128xf32, #tpu.memory_space<vmem>>, %arg7: memref<1x128xf32, #tpu.memory_space<vmem>>, %arg8: memref<128x128xf32, #tpu.memory_space<vmem>>, %arg9: memref<2000x128xf32, #tpu.memory_space<vmem>>, %arg10: memref<2000x128xf32, #tpu.memory_space<vmem>>) attributes {dimension_semantics = [#tpu.dimension_semantics<arbitrary>], iteration_bounds = array<i64: 5>, scalar_prefetch = 0 : i64, scratch_operands = 0 : i64, tpu.core_type = #tpu.core_type<tc>, window_params = [{transform_indices = @transform_0, window_bounds = array<i64: 2, 2000, 128>}, {transform_indices = @transform_1, window_bounds = array<i64: 2000, 128>}, {transform_indices = @transform_2, window_bounds = array<i64: 2000, 128>}, {transform_indices = @transform_3, window_bounds = array<i64: 2000, 1>}, {pipeline_mode = #tpu.pipeline_mode<synchronous>, transform_indices = @transform_4, window_bounds = array<i64: 1, 128>}, {pipeline_mode = #tpu.pipeline_mode<synchronous>, transform_indices = @transform_5, window_bounds = array<i64: 1, 128>}, {pipeline_mode = #tpu.pipeline_mode<synchronous>, transform_indices = @transform_6, window_bounds = array<i64: 1, 128>}, {pipeline_mode = #tpu.pipeline_mode<synchronous>, transform_indices = @transform_7, window_bounds = array<i64: 128, 128>}, {transform_indices = @transform_8, window_bounds = array<i64: 2000, 128>}, {transform_indices = @transform_9, window_bounds = array<i64: 2000, 128>}]} {
    %get3A = arith.constant 0 : index
    %get3A_0 = arith.constant 0 : index
    %get3A_1 = vector.load %arg4[%get3A, %get3A_0] : memref<2000x1xf32, #tpu.memory_space<vmem>>, vector<2000x1xf32>
    %get3A_2 = arith.constant 0 : index
    %get3A_3 = arith.constant 0 : index
    %get3A_4 = arith.constant 0 : index
    %get3A_5 = vector.load %arg1[%get3A_2, %get3A_3, %get3A_4] : memref<2x2000x128xf32, #tpu.memory_space<vmem>>, vector<2x2000x128xf32>
    %get3A_6 = arith.constant 0 : index
    %get3A_7 = arith.constant 0 : index
    %get3A_8 = vector.load %arg2[%get3A_6, %get3A_7] : memref<2000x128xf32, #tpu.memory_space<vmem>>, vector<2000x128xf32>
    %get3A_9 = arith.constant 0 : index
    %get3A_10 = arith.constant 0 : index
    %get3A_11 = vector.load %arg3[%get3A_9, %get3A_10] : memref<2000x128xf32, #tpu.memory_space<vmem>>, vector<2000x128xf32>
    %get3A_12 = arith.constant 0 : index
    %get3A_13 = arith.constant 0 : index
    %get3A_14 = vector.load %arg5[%get3A_12, %get3A_13] : memref<1x128xf32, #tpu.memory_space<vmem>>, vector<1x128xf32>
    %get3A_15 = arith.constant 0 : index
    %get3A_16 = arith.constant 0 : index
    %get3A_17 = vector.load %arg6[%get3A_15, %get3A_16] : memref<1x128xf32, #tpu.memory_space<vmem>>, vector<1x128xf32>
    %get3A_18 = arith.constant 0 : index
    %get3A_19 = arith.constant 0 : index
    %get3A_20 = vector.load %arg7[%get3A_18, %get3A_19] : memref<1x128xf32, #tpu.memory_space<vmem>>, vector<1x128xf32>
    %slice3A = vector.extract_strided_slice %get3A_5 {offsets = [0, 0, 0], sizes = [1, 2000, 128], strides = [1, 1, 1]} : vector<2x2000x128xf32> to vector<1x2000x128xf32>
    %squeeze3A = vector.shape_cast %slice3A : vector<1x2000x128xf32> to vector<2000x128xf32>
    %slice3A_21 = vector.extract_strided_slice %get3A_5 {offsets = [1, 0, 0], sizes = [1, 2000, 128], strides = [1, 1, 1]} : vector<2x2000x128xf32> to vector<1x2000x128xf32>
    %squeeze3A_22 = vector.shape_cast %slice3A_21 : vector<1x2000x128xf32> to vector<2000x128xf32>
    %add3A = arith.addf %squeeze3A, %squeeze3A_22 : vector<2000x128xf32>
    %add3A_23 = arith.addf %add3A, %get3A_8 : vector<2000x128xf32>
    %mul3A = vector.broadcast %get3A_1 : vector<2000x1xf32> to vector<2000x128xf32>
    %mul3A_24 = arith.mulf %mul3A, %add3A_23 : vector<2000x128xf32>
    %add3A_25 = vector.broadcast %get3A_14 : vector<1x128xf32> to vector<2000x128xf32>
    %add3A_26 = arith.addf %mul3A_24, %add3A_25 : vector<2000x128xf32>
    %reduce_sum3A = arith.constant dense<0.000000e+00> : vector<2000xf32>
    %reduce_sum3A_27 = vector.multi_reduction <add>, %add3A_26, %reduce_sum3A [1] : vector<2000x128xf32> to vector<2000xf32>
    %broadcast_in_dim3A = vector.shape_cast %reduce_sum3A_27 : vector<2000xf32> to vector<2000x1xf32>
    %div3A = arith.constant 1.280000e+02 : f32
    %div3A_28 = vector.broadcast %div3A : f32 to vector<2000x1xf32>
    %div3A_29 = arith.divf %broadcast_in_dim3A, %div3A_28 : vector<2000x1xf32>
    %sub3A = vector.broadcast %div3A_29 : vector<2000x1xf32> to vector<2000x128xf32>
    %sub3A_30 = arith.subf %add3A_26, %sub3A : vector<2000x128xf32>
    %integer_pow3A = arith.mulf %sub3A_30, %sub3A_30 : vector<2000x128xf32>
    %reduce_sum3A_31 = arith.constant dense<0.000000e+00> : vector<2000xf32>
    %reduce_sum3A_32 = vector.multi_reduction <add>, %integer_pow3A, %reduce_sum3A_31 [1] : vector<2000x128xf32> to vector<2000xf32>
    %broadcast_in_dim3A_33 = vector.shape_cast %reduce_sum3A_32 : vector<2000xf32> to vector<2000x1xf32>
    %div3A_34 = arith.constant 1.280000e+02 : f32
    %div3A_35 = vector.broadcast %div3A_34 : f32 to vector<2000x1xf32>
    %div3A_36 = arith.divf %broadcast_in_dim3A_33, %div3A_35 : vector<2000x1xf32>
    %sub3A_37 = vector.broadcast %div3A_29 : vector<2000x1xf32> to vector<2000x128xf32>
    %sub3A_38 = arith.subf %add3A_26, %sub3A_37 : vector<2000x128xf32>
    %add3A_39 = arith.constant 9.99999974E-6 : f32
    %add3A_40 = vector.broadcast %add3A_39 : f32 to vector<2000x1xf32>
    %add3A_41 = arith.addf %div3A_36, %add3A_40 : vector<2000x1xf32>
    %rsqrt3A = math.rsqrt %add3A_41 : vector<2000x1xf32>
    %mul3A_42 = vector.broadcast %rsqrt3A : vector<2000x1xf32> to vector<2000x128xf32>
    %mul3A_43 = arith.mulf %sub3A_38, %mul3A_42 : vector<2000x128xf32>
    %mul3A_44 = vector.broadcast %get3A_17 : vector<1x128xf32> to vector<2000x128xf32>
    %mul3A_45 = arith.mulf %mul3A_43, %mul3A_44 : vector<2000x128xf32>
    %add3A_46 = vector.broadcast %get3A_20 : vector<1x128xf32> to vector<2000x128xf32>
    %add3A_47 = arith.addf %mul3A_45, %add3A_46 : vector<2000x128xf32>
    %max3A = arith.constant 0.000000e+00 : f32
    %max3A_48 = vector.broadcast %max3A : f32 to vector<2000x128xf32>
    %max3A_49 = arith.maximumf %add3A_47, %max3A_48 : vector<2000x128xf32>
    %mul3A_50 = arith.constant 5.000000e-01 : f32
    %mul3A_51 = vector.broadcast %mul3A_50 : f32 to vector<2000x128xf32>
    %mul3A_52 = arith.mulf %mul3A_51, %max3A_49 : vector<2000x128xf32>
    %mul3A_53 = arith.constant 5.000000e-01 : f32
    %mul3A_54 = vector.broadcast %mul3A_53 : f32 to vector<2000x128xf32>
    %mul3A_55 = arith.mulf %mul3A_54, %add3A_26 : vector<2000x128xf32>
    %add3A_56 = arith.addf %mul3A_52, %mul3A_55 : vector<2000x128xf32>
    %mul3A_57 = arith.constant 5.000000e-01 : f32
    %mul3A_58 = vector.broadcast %mul3A_57 : f32 to vector<2000x128xf32>
    %mul3A_59 = arith.mulf %mul3A_58, %get3A_11 : vector<2000x128xf32>
    %add3A_60 = arith.addf %add3A_56, %mul3A_59 : vector<2000x128xf32>
    %swap3A = arith.constant 0 : index
    %swap3A_61 = arith.constant 0 : index
    %swap3A_62 = vector.load %arg9[%swap3A, %swap3A_61] : memref<2000x128xf32, #tpu.memory_space<vmem>>, vector<2000x128xf32>
    tpu.vector_store %arg9[%swap3A, %swap3A_61], %add3A_60 {strides = array<i32>} : memref<2000x128xf32, #tpu.memory_space<vmem>>, vector<2000x128xf32>,
    %get3A_63 = arith.constant 0 : index
    %get3A_64 = arith.constant 0 : index
    %get3A_65 = vector.load %arg8[%get3A_63, %get3A_64] : memref<128x128xf32, #tpu.memory_space<vmem>>, vector<128x128xf32>
    %dot_general3A = arith.constant dense<0.000000e+00> : vector<2000x128xf32>
    %dot_general3A_66 = tpu.matmul %add3A_60, %get3A_65, %dot_general3A {dimension_numbers = #tpu.dot_dimension_numbers<[1], [0], [0], [1], [0, 0, 1, 1], [], []>, transpose_lhs_hint = false} : vector<2000x128xf32>, vector<128x128xf32>, vector<2000x128xf32> -> vector<2000x128xf32>
    %mul3A_67 = vector.broadcast %get3A_1 : vector<2000x1xf32> to vector<2000x128xf32>
    %mul3A_68 = arith.mulf %dot_general3A_66, %mul3A_67 : vector<2000x128xf32>
    %swap3A_69 = arith.constant 0 : index
    %swap3A_70 = arith.constant 0 : index
    %swap3A_71 = vector.load %arg10[%swap3A_69, %swap3A_70] : memref<2000x128xf32, #tpu.memory_space<vmem>>, vector<2000x128xf32>
    tpu.vector_store %arg10[%swap3A_69, %swap3A_70], %mul3A_68 {strides = array<i32>} : memref<2000x128xf32, #tpu.memory_space<vmem>>, vector<2000x128xf32>,
    return
  }
  func.func @transform_0(%arg0: i32) -> (i32, i32, i32) {
    %c0_i32 = arith.constant 0 : i32
    %c0_i32_0 = arith.constant 0 : i32
    %c0_i32_1 = arith.constant 0 : i32
    return %c0_i32, %arg0, %c0_i32_0 : i32, i32, i32
  }
  func.func @transform_1(%arg0: i32) -> (i32, i32) {
    %c0_i32 = arith.constant 0 : i32
    %c0_i32_0 = arith.constant 0 : i32
    return %arg0, %c0_i32 : i32, i32
  }
  func.func @transform_2(%arg0: i32) -> (i32, i32) {
    %c0_i32 = arith.constant 0 : i32
    %c0_i32_0 = arith.constant 0 : i32
    return %arg0, %c0_i32 : i32, i32
  }
  func.func @transform_3(%arg0: i32) -> (i32, i32) {
    %c0_i32 = arith.constant 0 : i32
    %c0_i32_0 = arith.constant 0 : i32
    return %arg0, %c0_i32 : i32, i32
  }
  func.func @transform_4(%arg0: i32) -> (i32, i32) {
    %c0_i32 = arith.constant 0 : i32
    %c0_i32_0 = arith.constant 0 : i32
    %c0_i32_1 = arith.constant 0 : i32
    return %c0_i32, %c0_i32_0 : i32, i32
  }
  func.func @transform_5(%arg0: i32) -> (i32, i32) {
    %c0_i32 = arith.constant 0 : i32
    %c0_i32_0 = arith.constant 0 : i32
    %c0_i32_1 = arith.constant 0 : i32
    return %c0_i32, %c0_i32_0 : i32, i32
  }
  func.func @transform_6(%arg0: i32) -> (i32, i32) {
    %c0_i32 = arith.constant 0 : i32
    %c0_i32_0 = arith.constant 0 : i32
    %c0_i32_1 = arith.constant 0 : i32
    return %c0_i32, %c0_i32_0 : i32, i32
  }
  func.func @transform_7(%arg0: i32) -> (i32, i32) {
    %c0_i32 = arith.constant 0 : i32
    %c0_i32_0 = arith.constant 0 : i32
    %c0_i32_1 = arith.constant 0 : i32
    return %c0_i32, %c0_i32_0 : i32, i32
  }
  func.func @transform_8(%arg0: i32) -> (i32, i32) {
    %c0_i32 = arith.constant 0 : i32
    %c0_i32_0 = arith.constant 0 : i32
    return %arg0, %c0_i32 : i32, i32
  }
  func.func @transform_9(%arg0: i32) -> (i32, i32) {
    %c0_i32 = arith.constant 0 : i32
    %c0_i32_0 = arith.constant 0 : i32
    return %arg0, %c0_i32 : i32, i32
  }
}

module attributes {stable_mosaic.version = 14 : i64} {
  func.func @_tc3_body(%arg0: i32, %arg1: memref<2x2000x128xf32, #tpu.memory_space<vmem>>, %arg2: memref<2000x128xf32, #tpu.memory_space<vmem>>, %arg3: memref<2000x128xf32, #tpu.memory_space<vmem>>, %arg4: memref<2000x1xf32, #tpu.memory_space<vmem>>, %arg5: memref<1x128xf32, #tpu.memory_space<vmem>>, %arg6: memref<1x128xf32, #tpu.memory_space<vmem>>, %arg7: memref<1x128xf32, #tpu.memory_space<vmem>>, %arg8: memref<128x128xf32, #tpu.memory_space<vmem>>, %arg9: memref<1x128xf32, #tpu.memory_space<vmem>>, %arg10: memref<2000x128xf32, #tpu.memory_space<vmem>>) attributes {dimension_semantics = [#tpu.dimension_semantics<arbitrary>], iteration_bounds = array<i64: 5>, scalar_prefetch = 0 : i64, scratch_operands = 0 : i64, tpu.core_type = #tpu.core_type<tc>, window_params = [{transform_indices = @transform_0, window_bounds = array<i64: 2, 2000, 128>}, {transform_indices = @transform_1, window_bounds = array<i64: 2000, 128>}, {transform_indices = @transform_2, window_bounds = array<i64: 2000, 128>}, {transform_indices = @transform_3, window_bounds = array<i64: 2000, 1>}, {pipeline_mode = #tpu.pipeline_mode<synchronous>, transform_indices = @transform_4, window_bounds = array<i64: 1, 128>}, {pipeline_mode = #tpu.pipeline_mode<synchronous>, transform_indices = @transform_5, window_bounds = array<i64: 1, 128>}, {pipeline_mode = #tpu.pipeline_mode<synchronous>, transform_indices = @transform_6, window_bounds = array<i64: 1, 128>}, {pipeline_mode = #tpu.pipeline_mode<synchronous>, transform_indices = @transform_7, window_bounds = array<i64: 128, 128>}, {pipeline_mode = #tpu.pipeline_mode<synchronous>, transform_indices = @transform_8, window_bounds = array<i64: 1, 128>}, {transform_indices = @transform_9, window_bounds = array<i64: 2000, 128>}]} {
    %get3A = arith.constant 0 : index
    %get3A_0 = arith.constant 0 : index
    %get3A_1 = arith.constant 0 : index
    %get3A_2 = vector.load %arg1[%get3A, %get3A_0, %get3A_1] : memref<2x2000x128xf32, #tpu.memory_space<vmem>>, vector<2x2000x128xf32>
    %get3A_3 = arith.constant 0 : index
    %get3A_4 = arith.constant 0 : index
    %get3A_5 = vector.load %arg2[%get3A_3, %get3A_4] : memref<2000x128xf32, #tpu.memory_space<vmem>>, vector<2000x128xf32>
    %get3A_6 = arith.constant 0 : index
    %get3A_7 = arith.constant 0 : index
    %get3A_8 = vector.load %arg3[%get3A_6, %get3A_7] : memref<2000x128xf32, #tpu.memory_space<vmem>>, vector<2000x128xf32>
    %get3A_9 = arith.constant 0 : index
    %get3A_10 = arith.constant 0 : index
    %get3A_11 = vector.load %arg4[%get3A_9, %get3A_10] : memref<2000x1xf32, #tpu.memory_space<vmem>>, vector<2000x1xf32>
    %get3A_12 = arith.constant 0 : index
    %get3A_13 = arith.constant 0 : index
    %get3A_14 = vector.load %arg5[%get3A_12, %get3A_13] : memref<1x128xf32, #tpu.memory_space<vmem>>, vector<1x128xf32>
    %get3A_15 = arith.constant 0 : index
    %get3A_16 = arith.constant 0 : index
    %get3A_17 = vector.load %arg6[%get3A_15, %get3A_16] : memref<1x128xf32, #tpu.memory_space<vmem>>, vector<1x128xf32>
    %get3A_18 = arith.constant 0 : index
    %get3A_19 = arith.constant 0 : index
    %get3A_20 = vector.load %arg7[%get3A_18, %get3A_19] : memref<1x128xf32, #tpu.memory_space<vmem>>, vector<1x128xf32>
    %slice3A = vector.extract_strided_slice %get3A_2 {offsets = [0, 0, 0], sizes = [1, 2000, 128], strides = [1, 1, 1]} : vector<2x2000x128xf32> to vector<1x2000x128xf32>
    %squeeze3A = vector.shape_cast %slice3A : vector<1x2000x128xf32> to vector<2000x128xf32>
    %slice3A_21 = vector.extract_strided_slice %get3A_2 {offsets = [1, 0, 0], sizes = [1, 2000, 128], strides = [1, 1, 1]} : vector<2x2000x128xf32> to vector<1x2000x128xf32>
    %squeeze3A_22 = vector.shape_cast %slice3A_21 : vector<1x2000x128xf32> to vector<2000x128xf32>
    %add3A = arith.addf %squeeze3A, %squeeze3A_22 : vector<2000x128xf32>
    %add3A_23 = arith.addf %add3A, %get3A_5 : vector<2000x128xf32>
    %mul3A = vector.broadcast %get3A_11 : vector<2000x1xf32> to vector<2000x128xf32>
    %mul3A_24 = arith.mulf %mul3A, %add3A_23 : vector<2000x128xf32>
    %add3A_25 = vector.broadcast %get3A_14 : vector<1x128xf32> to vector<2000x128xf32>
    %add3A_26 = arith.addf %mul3A_24, %add3A_25 : vector<2000x128xf32>
    %reduce_sum3A = arith.constant dense<0.000000e+00> : vector<2000xf32>
    %reduce_sum3A_27 = vector.multi_reduction <add>, %add3A_26, %reduce_sum3A [1] : vector<2000x128xf32> to vector<2000xf32>
    %broadcast_in_dim3A = vector.shape_cast %reduce_sum3A_27 : vector<2000xf32> to vector<2000x1xf32>
    %div3A = arith.constant 1.280000e+02 : f32
    %div3A_28 = vector.broadcast %div3A : f32 to vector<2000x1xf32>
    %div3A_29 = arith.divf %broadcast_in_dim3A, %div3A_28 : vector<2000x1xf32>
    %sub3A = vector.broadcast %div3A_29 : vector<2000x1xf32> to vector<2000x128xf32>
    %sub3A_30 = arith.subf %add3A_26, %sub3A : vector<2000x128xf32>
    %integer_pow3A = arith.mulf %sub3A_30, %sub3A_30 : vector<2000x128xf32>
    %reduce_sum3A_31 = arith.constant dense<0.000000e+00> : vector<2000xf32>
    %reduce_sum3A_32 = vector.multi_reduction <add>, %integer_pow3A, %reduce_sum3A_31 [1] : vector<2000x128xf32> to vector<2000xf32>
    %broadcast_in_dim3A_33 = vector.shape_cast %reduce_sum3A_32 : vector<2000xf32> to vector<2000x1xf32>
    %div3A_34 = arith.constant 1.280000e+02 : f32
    %div3A_35 = vector.broadcast %div3A_34 : f32 to vector<2000x1xf32>
    %div3A_36 = arith.divf %broadcast_in_dim3A_33, %div3A_35 : vector<2000x1xf32>
    %sub3A_37 = vector.broadcast %div3A_29 : vector<2000x1xf32> to vector<2000x128xf32>
    %sub3A_38 = arith.subf %add3A_26, %sub3A_37 : vector<2000x128xf32>
    %add3A_39 = arith.constant 9.99999974E-6 : f32
    %add3A_40 = vector.broadcast %add3A_39 : f32 to vector<2000x1xf32>
    %add3A_41 = arith.addf %div3A_36, %add3A_40 : vector<2000x1xf32>
    %rsqrt3A = math.rsqrt %add3A_41 : vector<2000x1xf32>
    %mul3A_42 = vector.broadcast %rsqrt3A : vector<2000x1xf32> to vector<2000x128xf32>
    %mul3A_43 = arith.mulf %sub3A_38, %mul3A_42 : vector<2000x128xf32>
    %mul3A_44 = vector.broadcast %get3A_17 : vector<1x128xf32> to vector<2000x128xf32>
    %mul3A_45 = arith.mulf %mul3A_43, %mul3A_44 : vector<2000x128xf32>
    %add3A_46 = vector.broadcast %get3A_20 : vector<1x128xf32> to vector<2000x128xf32>
    %add3A_47 = arith.addf %mul3A_45, %add3A_46 : vector<2000x128xf32>
    %max3A = arith.constant 0.000000e+00 : f32
    %max3A_48 = vector.broadcast %max3A : f32 to vector<2000x128xf32>
    %max3A_49 = arith.maximumf %add3A_47, %max3A_48 : vector<2000x128xf32>
    %mul3A_50 = arith.constant 5.000000e-01 : f32
    %mul3A_51 = vector.broadcast %mul3A_50 : f32 to vector<2000x128xf32>
    %mul3A_52 = arith.mulf %mul3A_51, %max3A_49 : vector<2000x128xf32>
    %mul3A_53 = arith.constant 5.000000e-01 : f32
    %mul3A_54 = vector.broadcast %mul3A_53 : f32 to vector<2000x128xf32>
    %mul3A_55 = arith.mulf %mul3A_54, %add3A_26 : vector<2000x128xf32>
    %add3A_56 = arith.addf %mul3A_52, %mul3A_55 : vector<2000x128xf32>
    %mul3A_57 = arith.constant 5.000000e-01 : f32
    %mul3A_58 = vector.broadcast %mul3A_57 : f32 to vector<2000x128xf32>
    %mul3A_59 = arith.mulf %mul3A_58, %get3A_8 : vector<2000x128xf32>
    %add3A_60 = arith.addf %add3A_56, %mul3A_59 : vector<2000x128xf32>
    %get3A_61 = arith.constant 0 : index
    %get3A_62 = arith.constant 0 : index
    %get3A_63 = vector.load %arg8[%get3A_61, %get3A_62] : memref<128x128xf32, #tpu.memory_space<vmem>>, vector<128x128xf32>
    %dot_general3A = arith.constant dense<0.000000e+00> : vector<2000x128xf32>
    %dot_general3A_64 = tpu.matmul %add3A_60, %get3A_63, %dot_general3A {dimension_numbers = #tpu.dot_dimension_numbers<[1], [0], [0], [1], [0, 0, 1, 1], [], []>, transpose_lhs_hint = false} : vector<2000x128xf32>, vector<128x128xf32>, vector<2000x128xf32> -> vector<2000x128xf32>
    %get3A_65 = arith.constant 0 : index
    %get3A_66 = arith.constant 0 : index
    %get3A_67 = vector.load %arg9[%get3A_65, %get3A_66] : memref<1x128xf32, #tpu.memory_space<vmem>>, vector<1x128xf32>
    %add3A_68 = vector.broadcast %get3A_67 : vector<1x128xf32> to vector<2000x128xf32>
    %add3A_69 = arith.addf %dot_general3A_64, %add3A_68 : vector<2000x128xf32>
    %swap3A = arith.constant 0 : index
    %swap3A_70 = arith.constant 0 : index
    %swap3A_71 = vector.load %arg10[%swap3A, %swap3A_70] : memref<2000x128xf32, #tpu.memory_space<vmem>>, vector<2000x128xf32>
    tpu.vector_store %arg10[%swap3A, %swap3A_70], %add3A_69 {strides = array<i32>} : memref<2000x128xf32, #tpu.memory_space<vmem>>, vector<2000x128xf32>,
    return
  }
  func.func @transform_0(%arg0: i32) -> (i32, i32, i32) {
    %c0_i32 = arith.constant 0 : i32
    %c0_i32_0 = arith.constant 0 : i32
    %c0_i32_1 = arith.constant 0 : i32
    return %c0_i32, %arg0, %c0_i32_0 : i32, i32, i32
  }
  func.func @transform_1(%arg0: i32) -> (i32, i32) {
    %c0_i32 = arith.constant 0 : i32
    %c0_i32_0 = arith.constant 0 : i32
    return %arg0, %c0_i32 : i32, i32
  }
  func.func @transform_2(%arg0: i32) -> (i32, i32) {
    %c0_i32 = arith.constant 0 : i32
    %c0_i32_0 = arith.constant 0 : i32
    return %arg0, %c0_i32 : i32, i32
  }
  func.func @transform_3(%arg0: i32) -> (i32, i32) {
    %c0_i32 = arith.constant 0 : i32
    %c0_i32_0 = arith.constant 0 : i32
    return %arg0, %c0_i32 : i32, i32
  }
  func.func @transform_4(%arg0: i32) -> (i32, i32) {
    %c0_i32 = arith.constant 0 : i32
    %c0_i32_0 = arith.constant 0 : i32
    %c0_i32_1 = arith.constant 0 : i32
    return %c0_i32, %c0_i32_0 : i32, i32
  }
  func.func @transform_5(%arg0: i32) -> (i32, i32) {
    %c0_i32 = arith.constant 0 : i32
    %c0_i32_0 = arith.constant 0 : i32
    %c0_i32_1 = arith.constant 0 : i32
    return %c0_i32, %c0_i32_0 : i32, i32
  }
  func.func @transform_6(%arg0: i32) -> (i32, i32) {
    %c0_i32 = arith.constant 0 : i32
    %c0_i32_0 = arith.constant 0 : i32
    %c0_i32_1 = arith.constant 0 : i32
    return %c0_i32, %c0_i32_0 : i32, i32
  }
  func.func @transform_7(%arg0: i32) -> (i32, i32) {
    %c0_i32 = arith.constant 0 : i32
    %c0_i32_0 = arith.constant 0 : i32
    %c0_i32_1 = arith.constant 0 : i32
    return %c0_i32, %c0_i32_0 : i32, i32
  }
  func.func @transform_8(%arg0: i32) -> (i32, i32) {
    %c0_i32 = arith.constant 0 : i32
    %c0_i32_0 = arith.constant 0 : i32
    %c0_i32_1 = arith.constant 0 : i32
    return %c0_i32, %c0_i32_0 : i32, i32
  }
  func.func @transform_9(%arg0: i32) -> (i32, i32) {
    %c0_i32 = arith.constant 0 : i32
    %c0_i32_0 = arith.constant 0 : i32
    return %arg0, %c0_i32 : i32, i32
  }
}

</mosaic_0001>

<sc_bundles>
// kernel: kernel.11.cloned.1.call-start
scs
__scs_entry_jumppad:
0x0: {  	(pc) =	sbr.rel $0x88, $3  }
0x1: {  	(tag) =	ssettag $0x0;
	lr =	simm.s32 $0x1  }
0x2: {  	[smem:$0x3F93] =	sst lr;
	_ =	strace $0xD0000000  }
0x3: {  	_ = 	snop  }
0x4: {  	_ = 	snop  }
0x5: {  	_ = 	snop  }
0x6: {  	_ = 	snop  }
0x7: {  	_ = 	snop  }
__scs_overlays_trampoline_lowered:
0x8: {  	[smem:$0x3FA2] =	sst s0  }
0x9: {  	[smem:$0x3FA3] =	sst s1  }
0xa: {  	[smem:$0x3FA4] =	sst s2  }
0xb: {  	[smem:$0x3FA5] =	sst s3  }
0xc: {  	[smem:$0x3FA6] =	sst s4  }
0xd: {  	[smem:$0x3FA7] =	sst s5  }
0xe: {  	[smem:$0x3FA8] =	sst s6  }
0xf: {  	[smem:$0x3FA9] =	sst s7  }
0x10: {  	[smem:$0x3FAA] =	sst s8  }
0x11: {  	[smem:$0x3FAB] =	sst s9;
	s0 =	simm.s32 @!p0 $0x0  }
0x12: {  	s1 =	sld [smem:$0x3F91];
	s0 =	simm.s32 @p0 $0x1  }
0x13: {  	[smem:$0x3FAC] =	sst s0;
	s0 =	simm.s32 @!p1 $0x0  }
0x14: {  	s2 =	sld [smem:$0x3F90];
	s0 =	simm.s32 @p1 $0x1  }
0x15: {  	[smem:$0x3FAD] =	sst s0;
	s0 =	simm.s32 @!p2 $0x0  }
0x16: {  	s3 =	sld [smem:$0x3FDB];
	s0 =	simm.s32 @p2 $0x1  }
0x17: {  	s4 =	simm.s32 $0x1BF5;
	[smem:$0x3FAF] =	sst s0  }
0x18: {  	s0 =	sld [smem:$0x3F92];
	_ =	swait.ge [sflag:s4], $0x0  }
0x19: {  	s7 =	sld [smem:$0x3F93]  }
0x1a: {  	s8 =	sadd.s32 $0xFFFFE003, lr  }
0x1b: {  	s9 =	sadd.s32 $0xFFFFFEF7, lr;
	s5 =	simm.s32 $0xFFFFFFFF;
	p2 =	slt.u32 s8, $0xFFFFF086  }
0x1c: {  	p1 =	slt.u32 s9, $0xF7A;
	s5 =	simm.s32 @!p2 $0x0  }
0x1d: {  	s5 =	simm.s32 @p1 $0x1;
	p0 =	seq.s32 s7, s2  }
0x1e: {  	s7 =	smul.u32 @!p0 $0xF7A, s2;
	p2 =	seq.s32 @!p0 s5, $0x0  }
0x1f: {  	s9 =	smul.u32 $0xF7A, s1;
	s8 =	simm.s32 @!p0 $0x1BF5;
	p2 =	por !p2, p0  }
0x20: {  	[sflag:s8] =	ssyncset.s32 @!p0 $0xFFFFF086;
	s6 =	sadd.s32 @!p0 s3, s7;
	s7 =	simm.s32 @!p0 $0x108  }
0x21: {  	s3 =	sadd.s32 s3, s9;
	s6 =	sadd.s32 @!p0 $0x88, s6;
	s7 =	simm.s32 @p2 $0x1082  }
0x22: {  	[simem:s7], [sflag:s8] =	dma.local @!p0 [hbm:s6], $0xF7A  }
0x23: {  	s9 =	sor.u32 $0xD0000000, s2;
	s6 =	simm.s32 $0x108;
	_ =	swait.ge @!p0 [sflag:s8], $0x0  }
0x24: {  	s3 =	sadd.s32 $0x88, s3;
	s6 =	simm.s32 @!p1 $0x1082;
	[sflag:s4] =	ssyncset.s32 $0xFFFFF086  }
0x25: {  	[simem:s6], [sflag:s4] =	dma.local [hbm:s3], $0xF7A  }
0x26: {  	[smem:$0x3F93] =	sst s1;
	(tag) =	ssettag s2;
	_ =	strace s9  }
0x27: {  	s1 =	sld [smem:$0x3FA3]  }
0x28: {  	s2 =	sld [smem:$0x3FA4]  }
0x29: {  	s4 =	sld [smem:$0x3FA6]  }
0x2a: {  	p0 =	seq.s32 s5, $0x0;
	s5 =	sld [smem:$0x3FA7]  }
0x2b: {  	s6 =	sld [smem:$0x3FA8]  }
0x2c: {  	s7 =	sld [smem:$0x3FA9]  }
0x2d: {  	s3 =	simm.s32 $0x108;
	s8 =	sld [smem:$0x3FAA]  }
0x2e: {  	s3 =	simm.s32 @!p0 $0x1082;
	s9 =	sld [smem:$0x3FAB]  }
0x2f: {  	lr =	sadd.s32 s0, s3;
	s0 =	sld [smem:$0x3FA2]  }
0x30: {  	s3 =	sld [smem:$0x3FA5]  }
0x31: {  	[smem:$0x3FAE] =	sst s10  }
0x32: {  	s10 =	sld [smem:$0x3FAC];
	_ =	sdelay $0x3  }
0x33: {  	p0 =	seq.s32 s10, $0x1;
	s10 =	sld [smem:$0x3FAE];
	_ =	sdelay $0x3  }
0x34: {  	[smem:$0x3FAE] =	sst s10  }
0x35: {  	s10 =	sld [smem:$0x3FAD];
	_ =	sdelay $0x3  }
0x36: {  	p1 =	seq.s32 s10, $0x1;
	s10 =	sld [smem:$0x3FAE];
	_ =	sdelay $0x3  }
0x37: {  	[smem:$0x3FAE] =	sst s10  }
0x38: {  	s10 =	sld [smem:$0x3FAF]  }
0x39: {  	_ = 	snop;
	(pc) =	sbr.ind lr, $3  }
0x3a: {  	_ = 	snop  }
0x3b: {  	_ = 	snop  }
0x3c: {  	p2 =	seq.s32 s10, $0x1;
	s10 =	sld [smem:$0x3FAE]  }
0x3d: {  	_ =	shalt  }
0x3e: {  	_ =	shalt  }
0x3f: {  	_ =	shalt  }
0x40: {  	_ =	shalt  }
0x41: {  	_ =	shalt  }
0x42: {  	_ =	shalt  }
0x43: {  	_ =	shalt  }
0x44: {  	_ =	shalt  }
0x45: {  	_ =	shalt  }
0x46: {  	_ =	shalt  }
0x47: {  	_ =	shalt  }
0x48: {  	_ =	shalt  }
0x49: {  	_ =	shalt  }
0x4a: {  	_ =	shalt  }
0x4b: {  	_ =	shalt  }
0x4c: {  	_ =	shalt  }
0x4d: {  	_ =	shalt  }
0x4e: {  	_ =	shalt  }
0x4f: {  	_ =	shalt  }
0x50: {  	_ =	shalt  }
0x51: {  	_ =	shalt  }
0x52: {  	_ =	shalt  }
0x53: {  	_ =	shalt  }
0x54: {  	_ =	shalt  }
0x55: {  	_ =	shalt  }
0x56: {  	_ =	shalt  }
0x57: {  	_ =	shalt  }
0x58: {  	_ =	shalt  }
0x59: {  	_ =	shalt  }
0x5a: {  	_ =	shalt  }
0x5b: {  	_ =	shalt  }
0x5c: {  	_ =	shalt  }
0x5d: {  	_ =	shalt  }
0x5e: {  	_ =	shalt  }
0x5f: {  	_ =	shalt  }
0x60: {  	_ =	shalt  }
0x61: {  	_ =	shalt  }
0x62: {  	_ =	shalt  }
0x63: {  	_ =	shalt  }
0x64: {  	_ =	shalt  }
0x65: {  	_ =	shalt  }
0x66: {  	_ =	shalt  }
0x67: {  	_ =	shalt  }
0x68: {  	_ =	shalt  }
0x69: {  	_ =	shalt  }
0x6a: {  	_ =	shalt  }
0x6b: {  	_ =	shalt  }
0x6c: {  	_ =	shalt  }
0x6d: {  	_ =	shalt  }
0x6e: {  	_ =	shalt  }
0x6f: {  	_ =	shalt  }
0x70: {  	_ =	shalt  }
0x71: {  	_ =	shalt  }
0x72: {  	_ =	shalt  }
0x73: {  	_ =	shalt  }
0x74: {  	_ =	shalt  }
0x75: {  	_ =	shalt  }
0x76: {  	_ =	shalt  }
0x77: {  	_ =	shalt  }
0x78: {  	_ =	shalt  }
0x79: {  	_ =	shalt  }
0x7a: {  	_ =	shalt  }
0x7b: {  	_ =	shalt  }
0x7c: {  	_ =	shalt  }
0x7d: {  	_ =	shalt  }
0x7e: {  	_ =	shalt  }
0x7f: {  	_ =	shalt  }
0x80: {  	_ =	shalt  }
0x81: {  	_ =	shalt  }
0x82: {  	_ =	shalt  }
0x83: {  	_ =	shalt  }
0x84: {  	_ =	shalt  }
0x85: {  	_ =	shalt  }
0x86: {  	_ =	shalt  }
0x87: {  	_ =	shalt  }
.Lfunc_end0:
.L_simem_size_0:
called_computation.1_lowered:
.L_overlay_start_0:
0x88: {  	s2 =	sld [smem:$0x3FD9]  }
0x89: {  	s3 =	sld [smem:$0x3FFE];
	_ =	sdelay $0x1  }
0x8a: {  	s1 =	srdreg.scid  }
0x8b: {  	s0 =	sand.u32 $0x1, s1  }
0x8c: {  	s17 =	sshll.u32 s0, $0xA;
	s2 =	sadd.s32 s3, s2  }
0x8d: {  	s2 =	sadd.s32 s2, s17  }
0x8e: {  	[smem:$0x3FBA] =	sst s2  }
0x8f: {  	_ = 	snop  }
0x90: {  	s2 =	sld [smem:$0x3FD0];
	(tm) =	ssettm $0x1  }
0x91: {  	s18 =	sld [smem:$0x3FFB];
	_ =	sdelay $0x3  }
0x92: {  	_ =	strace s18  }
0x93: {  	s3 =	sld [smem:$0x3FFC];
	_ =	sdelay $0x3  }
0x94: {  	_ =	strace s3  }
0x95: {  	s3 =	sld [smem:$0x3FFD];
	_ =	sdelay $0x3  }
0x96: {  	_ =	strace s3  }
0x97: {  	_ =	strace $0x8FFFFFFF  }
0x98: {  	s19 =	sld [smem:$0x3FDB];
	_ =	sdelay $0x1  }
0x99: {  	s4 =	simm.s32 $_scs_section_size  }
0x9a: {  	s5 =	simm.s32 $_size__tile_overlayer_lowered;
	s6 =	simm.s32 $_tile_overlayer_lowered  }
0x9b: {  	s22 =	simm.s32 $0x1BFF;
	s21 =	sshll.u32 s6, $0x1;
	s3 =	sadd.s32 s4, s19  }
0x9c: {  	s7 =	simm.s32 $0x0;
	s20 =	sshll.u32 s5, $0x1;
	s5 =	sadd.s32 s21, s3  }
0x9d: {  	[timem:s7], [sflag:s22] =	dma.local [hbm:s5], s20  }
0x9e: {  	_ =	swait.ge [sflag:s22], s20  }
0x9f: {  	s4 =	ssub.s32 $0x0, s20;
	[sflag:s22] =	ssyncset.done $0x0  }
0xa0: {  	[sflag:s22] =	ssyncadd.s32 s4;
	_ =	sdelay $0x1  }
0xa1: {  	s23 =	simm.s32 $0x1B8B  }
0xa2: {  	_ =	swait.ge [sflag:s23], $0x1  }
0xa3: {  	[sflag:s23] =	ssyncset.done $0x0  }
0xa4: {  	s25 =	simm.s32 $0x1B8E;
	s24 =	sld [smem:$0x3FFE];
	[sflag:s23] =	ssyncadd.s32 $0xFFFFFFFF  }
0xa5: {  	s26 =	simm.s32 $execute0_lowered;
	[smem:$0x3FD2] =	sst s25  }
0xa6: {  	s5 =	sshll.u32 s26, $0x1;
	_ =	strace $0x80000049;
	[dreg:$0x1] =	wrdreg $0xFFFFFFFF  }
0xa7: {  	s28 =	simm.s32 $_size_execute0_lowered;
	s3 =	sadd.s32 s3, s5;
	[dreg:$0x0] =	wrdreg $0x0  }
0xa8: {  	s5 =	sshll.u32 s28, $0x1;
	[dreg:$0x2] =	wrdreg s3  }
0xa9: {  	[dreg:$0x3] =	wrdreg s5  }
0xaa: {  	[dreg:$0x4] =	wrdreg $0xC0  }
0xab: {  	_ =	task [dreg:s7], $0x5FFFF  }
0xac: {  	[dreg:$0x1] =	wrdreg $0xFFFFFFFF  }
0xad: {  	[dreg:$0x0] =	wrdreg $0x60  }
0xae: {  	[dreg:$0x2] =	wrdreg s2  }
0xaf: {  	[dreg:$0x3] =	wrdreg s24  }
0xb0: {  	[dreg:$0x4] =	wrdreg $0xA8000  }
0xb1: {  	[dreg:$0x5] =	wrdreg $0x9  }
0xb2: {  	_ =	task.clear_ibuf [dreg:s7], $0x6FFFF;
	_ =	strace $0x90000049  }
0xb3: {  	s29 =	simm.s32 $0x9;
	_ =	strace $0x8000004B  }
0xb4: {  	_ =	swait.ge [sflag:s29], $0x1  }
0xb5: {  	[sflag:s29] =	ssyncadd.s32 $0xFFFFFFFF  }
0xb6: {  	_ =	strace $0x9000004B  }
0xb7: {  	_ =	sfence  }
0xb8: {  	s30 =	sld [smem:$0x0];
	_ =	sdelay $0x2  }
0xb9: {  	s31 =	sshll.u32 s1, $0xD;
	s1 =	sshrl.u32 s1, $0x2  }
0xba: {  	s3 =	sand.u32 $0x4000, s31;
	s1 =	sadd.s32 s1, s30  }
0xbb: {  	s0 =	sor.u32 s3, s0;
	s1 =	sshll.u32 s1, $0x11  }
0xbc: {  	s0 =	sor.u32 s1, s0  }
0xbd: {  	s0 =	sadd.s32 $0x8F2B, s0  }
0xbe: {  	[sflag:s0] =	ssyncadd.remote.s32 $0x1  }
0xbf: {  	_ =	sfence.sel $0xFFFF  }
0xc0: {  	[dreg:$0x0] =	wrdreg $0xFFFFFFFF;
	(pc) =	sbr.abs _section_cstart, $3  }
0xc1: {  	[dreg:$0x1] =	wrdreg $0xFFFFFFFF  }
0xc2: {  	_ =	task.clear_ibuf [dreg:s7], $0x2FFFF;
	_ =	strace $0x9FFFFFFF  }
0xc3: {  	(tm) =	ssettm $0x7FFFFFFF  }
tec
execute0_lowered:
.L_overlay_start_1:
0x0: {  	(tag) =	ssettag $0x1  }
0x1: {  	s0 =	rddreg [dreg:$0x0]  }
0x2: {  	s1 =	rddreg [dreg:$0x1];
	s2 =	srdreg.scid  }
0x3: {  	s3 =	rddreg [dreg:$0x2];
	s9 =	stileid.u32;
	s4 =	simm.s32 $0x0  }
0x4: {  	s16 =	simm.s32 $0x2800;
	s17 =	simm.s32 $0x5;
	s18 =	simm.s32 $0x80  }
0x5: {  	s19 =	simm.s32 $0x400;
	s20 =	simm.s32 $0x1400;
	s21 =	simm.s32 $0x6800  }
0x6: {  	s22 =	simm.s32 $0x1;
	s23 =	simm.s32 $0x3;
	s28 =	simm.s32 $0x4  }
0x7: {  	s29 =	simm.s32 $0x1380;
	s30 =	simm.s32 $0x2700;
	s31 =	simm.s32 $0x2780  }
0x8: {  	s2 =	sand.u32 $0x1, s2;
	s6 =	smul.u32 $0x13C00, s9;
	[smem:$0x7FF] =	sst s4  }
0x9: {  	s12 =	sadd.s32 $0xE800, s1;
	s7 =	smul.u32 $0x4F000, s9;
	s13 =	sadd.s32 $0x18800, s1  }
0xa: {  	s8 =	sshrl.u32 s9, $0x2;
	s9 =	sshll.u32 s9, $0x8;
	s5 =	smul.u32 $0x13C000, s2  }
0xb: {  	_ =	strace $0x8000004A;
	s24 =	ssub.s32 $0x2, s2;
	s8 =	smul.u32 $0x14000, s8  }
0xc: {  	s2 =	sshll.u32 s2, $0x7;
	s9 =	sand.u32 $0x300, s9;
	s25 =	sshrl.u32 s24, $0x1  }
0xd: {  	s7 =	sshrl.u32 s7, $0x2;
	s2 =	sor.u32 s2, s9;
	s5 =	sadd.s32 s6, s5  }
0xe: {  	s6 =	ssub.s32 s24, s25;
	s2 =	sor.u32 s8, s2;
	s24 =	simm.s32 $0x100  }
0xf: {  	s25 =	simm.s32 $0x2;
	s5 =	sshrl.u32 s5, $0x3;
	s11 =	sshrl.u32 s2, $0x3  }
0x10: {  	s2 =	sadd.s32 $0xA000, s2;
	s15 =	smax.u32 s6, $0x1;
	s1 =	sadd.s32 s5, s1  }
0x11: {  	s5 =	sadd.s32 s7, s3;
	s10 =	sadd.s32 s12, s11;
	s2 =	sshrl.u32 s2, $0x3  }
0x12: {  	s11 =	sadd.s32 s13, s11;
	s7 =	sadd.s32 $0x4000, s5;
	s26 =	sadd.s32 $0x8000, s5  }
0x13: {  	s8 =	sadd.s32 $0xC000, s5;
	s9 =	sadd.s32 $0x10000, s5;
	s12 =	sadd.s32 s12, s2  }
0x14: {  	s13 =	sadd.s32 s13, s2;
	s14 =	sadd.s32 $0x49A00, s1;
	[dreg:$0x4] =	wrdreg s7  }
0x15: {  	v0 =	vimm.f32 $0.0e+00;
	s1 =	simm.s32 $0x0;
	[dreg:$0x5] =	wrdreg s26;
	s26 =	simm.s32 $0x1480  }
.LBB2_1:
0x16: {  	s2 =	simm.s32 $0x0;
	s6 =	simm.s32 $0x200  }
.LBB2_2:
0x17: {  	p0 =	sne.s32 s6, $0xFE00;
	[tilespmem:s2+$0x2870] =	vst v0  }
0x18: {  	[tilespmem:s2+$0x2800] =	vst v0  }
0x19: {  	[tilespmem:s2+$0x2810] =	vst v0  }
.Ltmp0:
0x1a: {  	[tilespmem:s2+$0x2820] =	vst v0;
	(pc) =	sbr.rel @p0 .LBB2_2-.Ltmp0, $4  }
0x1b: {  	[tilespmem:s2+$0x2830] =	vst v0  }
0x1c: {  	[tilespmem:s2+$0x2840] =	vst v0  }
0x1d: {  	[tilespmem:s2+$0x2850] =	vst v0  }
0x1e: {  	[tilespmem:s2+$0x2860] =	vst v0;
	s2 =	sshra.s32 s6, $0x2;
	s6 =	sadd.s32 $0x200, s6  }
0x1f: {  	[tilespmem:s2+$0x2870] =	vst v0  }
0x20: {  	[tilespmem:s2+$0x2800] =	vst v0  }
0x21: {  	[tilespmem:s2+$0x2810] =	vst v0  }
0x22: {  	[tilespmem:s2+$0x2820] =	vst v0  }
0x23: {  	[tilespmem:s2+$0x2830] =	vst v0  }
0x24: {  	[tilespmem:s2+$0x2840] =	vst v0  }
0x25: {  	[tilespmem:s2+$0x2850] =	vst v0  }
0x26: {  	[tilespmem:s2+$0x2860] =	vst v0  }
0x27: {  	[spmem:s5] =	stream.linear.scatter [tilespmem:s16], [sflag:$0x5], $0x4000, $0x38;
	[tilespmem:$0x1E400] =	vst v63  }
0x28: {  	_ =	swait.ge [sflag:s17], $0x4000  }
0x29: {  	[sflag:s17] =	ssyncset.done $0x0  }
0x2a: {  	s7 =	rddreg [dreg:$0x4];
	[sflag:s17] =	ssyncadd.s32 $0xFFFFC000  }
0x2b: {  	[spmem:s7] =	stream.linear.scatter [tilespmem:s16], [sflag:$0x5], $0x4000, $0x38;
	[tilespmem:$0x1E400] =	vst v63  }
0x2c: {  	_ =	swait.ge [sflag:s17], $0x4000  }
0x2d: {  	[sflag:s17] =	ssyncset.done $0x0  }
0x2e: {  	s6 =	rddreg [dreg:$0x5];
	[sflag:s17] =	ssyncadd.s32 $0xFFFFC000  }
0x2f: {  	[spmem:s6] =	stream.linear.scatter [tilespmem:s16], [sflag:$0x5], $0x4000, $0x38;
	[tilespmem:$0x1E400] =	vst v63  }
0x30: {  	_ =	swait.ge [sflag:s17], $0x4000  }
0x31: {  	[sflag:s17] =	ssyncset.done $0x0  }
0x32: {  	[sflag:s17] =	ssyncadd.s32 $0xFFFFC000  }
0x33: {  	[spmem:s8] =	stream.linear.scatter [tilespmem:s16], [sflag:$0x5], $0x4000, $0x38;
	[tilespmem:$0x1E400] =	vst v63  }
0x34: {  	_ =	swait.ge [sflag:s17], $0x4000  }
0x35: {  	[sflag:s17] =	ssyncset.done $0x0  }
0x36: {  	[sflag:s17] =	ssyncadd.s32 $0xFFFFC000  }
0x37: {  	[spmem:s9] =	stream.linear.scatter [tilespmem:s16], [sflag:$0x5], $0x3C00, $0x38;
	[tilespmem:$0x1E400] =	vst v63  }
0x38: {  	_ =	swait.ge [sflag:s17], $0x3C00  }
0x39: {  	[sflag:s17] =	ssyncset.done $0x0  }
0x3a: {  	[sflag:s17] =	ssyncadd.s32 $0xFFFFC400  }
0x3b: {  	[bflag:$0x0] =	sbarrier.arrive $0xFFFF  }
0x3c: {  	[tilespmem:s4], [sflag:$0x5] =	stream.strided.gather [hbm4b:s10+s18], $0x1400, s19, s18, $0x38;
	[tilespmem:$0x1E400] =	vst v63  }
0x3d: {  	_ =	swait.ge [sflag:s17], $0x1400  }
0x3e: {  	[sflag:s17] =	ssyncset.done $0x0  }
0x3f: {  	[sflag:s17] =	ssyncadd.s32 $0xFFFFEC00  }
0x40: {  	[tilespmem:s20], [sflag:$0x5] =	stream.strided.gather [hbm4b:s11+s18], $0x1400, s19, s18, $0x38;
	[tilespmem:$0x1E400] =	vst v63  }
0x41: {  	_ =	swait.ge [sflag:s17], $0x1400  }
0x42: {  	[sflag:s17] =	ssyncset.done $0x0  }
0x43: {  	[sflag:s17] =	ssyncadd.s32 $0xFFFFEC00  }
0x44: {  	[tilespmem:s16], [sflag:$0x1] =	stream.indirect.gather [hbm4b:s0+s18], $0x80, s4, s18, $0xb8;
	[tilespmem:$0x1E400] =	vst v63  }
0x45: {  	_ = 	snop  }
0x46: {  	[tilespmem:s21], [sflag:$0x2] =	stream.indirect.gather [hbm4b:s0+s18], $0x80, s18, s18, $0xb8;
	[tilespmem:$0x1E400] =	vst v63  }
0x47: {  	_ =	swait.ge [sflag:s22], $0x4000  }
0x48: {  	[sflag:s22] =	ssyncset.done $0x0  }
0x49: {  	[sflag:s22] =	ssyncadd.s32 $0xFFFFC000  }
0x4a: {  	[spmem:s3] =	stream.indirect.scatter.add.f32 [tilespmem:s16], [sflag:$0x3], $0x80, s20, s18, $0xb8;
	[tilespmem:$0x1E400] =	vst v63  }
0x4b: {  	_ =	swait.ge [sflag:s23], $0x4000  }
0x4c: {  	[sflag:s23] =	ssyncset.done $0x0  }
0x4d: {  	[sflag:s23] =	ssyncadd.s32 $0xFFFFC000  }
0x4e: {  	[tilespmem:s16], [sflag:$0x1] =	stream.indirect.gather [hbm4b:s0+s18], $0x80, s24, s18, $0xb8;
	[tilespmem:$0x1E400] =	vst v63  }
0x4f: {  	_ =	swait.ge [sflag:s25], $0x4000  }
0x50: {  	[sflag:s25] =	ssyncset.done $0x0  }
0x51: {  	[sflag:s25] =	ssyncadd.s32 $0xFFFFC000  }
0x52: {  	[spmem:s3] =	stream.indirect.scatter.add.f32 [tilespmem:s21], [sflag:$0x4], $0x80, s26, s18, $0xb8;
	[tilespmem:$0x1E400] =	vst v63  }
0x53: {  	_ =	swait.ge [sflag:s28], $0x4000  }
0x54: {  	[sflag:s28] =	ssyncset.done $0x0  }
0x55: {  	s7 =	simm.s32 $0x180;
	[sflag:s28] =	ssyncadd.s32 $0xFFFFC000  }
0x56: {  	[tilespmem:s21], [sflag:$0x2] =	stream.indirect.gather [hbm4b:s0+s18], $0x80, s7, s18, $0xb8;
	[tilespmem:$0x1E400] =	vst v63  }
0x57: {  	_ =	swait.ge [sflag:s22], $0x4000  }
0x58: {  	[sflag:s22] =	ssyncset.done $0x0  }
0x59: {  	s6 =	simm.s32 $0x1500;
	[sflag:s22] =	ssyncadd.s32 $0xFFFFC000  }
0x5a: {  	[spmem:s3] =	stream.indirect.scatter.add.f32 [tilespmem:s16], [sflag:$0x3], $0x80, s6, s18, $0xb8;
	[tilespmem:$0x1E400] =	vst v63  }
0x5b: {  	_ =	swait.ge [sflag:s23], $0x4000  }
0x5c: {  	[sflag:s23] =	ssyncset.done $0x0  }
0x5d: {  	s7 =	simm.s32 $0x200;
	[sflag:s23] =	ssyncadd.s32 $0xFFFFC000  }
0x5e: {  	[tilespmem:s16], [sflag:$0x1] =	stream.indirect.gather [hbm4b:s0+s18], $0x80, s7, s18, $0xb8;
	[tilespmem:$0x1E400] =	vst v63  }
0x5f: {  	_ =	swait.ge [sflag:s25], $0x4000  }
0x60: {  	[sflag:s25] =	ssyncset.done $0x0  }
0x61: {  	s2 =	simm.s32 $0xFFFFBC00;
	s6 =	simm.s32 $0x1580;
	[sflag:s25] =	ssyncadd.s32 $0xFFFFC000  }
.LBB2_4:
0x62: {  	[spmem:s3] =	stream.indirect.scatter.add.f32 [tilespmem:s21], [sflag:$0x4], $0x80, s6, s18, $0xb8;
	[tilespmem:$0x1E400] =	vst v63  }
0x63: {  	s6 =	smov.u32 s2  }
0x64: {  	p0 =	sne.s32 s2, $0xFFFFFC00;
	s2 =	sadd.s32 $0x400, s2;
	_ =	swait.ge [sflag:s28], $0x4000  }
0x65: {  	s6 =	sshra.s32 s6, $0x2;
	[sflag:s28] =	ssyncset.done $0x0  }
0x66: {  	s7 =	sadd.s32 $0x1380, s6;
	[sflag:s28] =	ssyncadd.s32 $0xFFFFC000  }
0x67: {  	[tilespmem:s21], [sflag:$0x2] =	stream.indirect.gather [hbm4b:s0+s18], $0x80, s7, s18, $0xb8;
	[tilespmem:$0x1E400] =	vst v63  }
0x68: {  	_ =	swait.ge [sflag:s22], $0x4000  }
0x69: {  	[sflag:s22] =	ssyncset.done $0x0  }
0x6a: {  	s7 =	sadd.s32 $0x2700, s6;
	[sflag:s22] =	ssyncadd.s32 $0xFFFFC000  }
0x6b: {  	[spmem:s3] =	stream.indirect.scatter.add.f32 [tilespmem:s16], [sflag:$0x3], $0x80, s7, s18, $0xb8;
	[tilespmem:$0x1E400] =	vst v63  }
0x6c: {  	_ =	swait.ge [sflag:s23], $0x4000  }
0x6d: {  	[sflag:s23] =	ssyncset.done $0x0  }
.Ltmp1:
0x6e: {  	s7 =	sadd.s32 $0x1400, s6;
	[sflag:s23] =	ssyncadd.s32 $0xFFFFC000;
	(pc) =	sbr.rel @p0 .LBB2_4-.Ltmp1, $4  }
0x6f: {  	[tilespmem:s16], [sflag:$0x1] =	stream.indirect.gather [hbm4b:s0+s18], $0x80, s7, s18, $0xb8;
	[tilespmem:$0x1E400] =	vst v63  }
0x70: {  	_ =	swait.ge [sflag:s25], $0x4000  }
0x71: {  	[sflag:s25] =	ssyncset.done $0x0  }
0x72: {  	s6 =	sadd.s32 $0x2780, s6;
	[sflag:s25] =	ssyncadd.s32 $0xFFFFC000  }
0x73: {  	[spmem:s3] =	stream.indirect.scatter.add.f32 [tilespmem:s21], [sflag:$0x4], $0x80, s6, s18, $0xb8;
	[tilespmem:$0x1E400] =	vst v63  }
0x74: {  	_ =	swait.ge [sflag:s28], $0x4000  }
0x75: {  	[sflag:s28] =	ssyncset.done $0x0  }
0x76: {  	[sflag:s28] =	ssyncadd.s32 $0xFFFFC000  }
0x77: {  	[tilespmem:s21], [sflag:$0x2] =	stream.indirect.gather [hbm4b:s0+s18], $0x80, s29, s18, $0xb8;
	[tilespmem:$0x1E400] =	vst v63  }
0x78: {  	_ =	swait.ge [sflag:s22], $0x4000  }
0x79: {  	[sflag:s22] =	ssyncset.done $0x0  }
0x7a: {  	[sflag:s22] =	ssyncadd.s32 $0xFFFFC000  }
0x7b: {  	[spmem:s3] =	stream.indirect.scatter.add.f32 [tilespmem:s16], [sflag:$0x3], $0x80, s30, s18, $0xb8;
	[tilespmem:$0x1E400] =	vst v63  }
0x7c: {  	_ =	swait.ge [sflag:s25], $0x4000  }
0x7d: {  	[sflag:s25] =	ssyncset.done $0x0  }
0x7e: {  	[sflag:s25] =	ssyncadd.s32 $0xFFFFC000  }
0x7f: {  	[spmem:s3] =	stream.indirect.scatter.add.f32 [tilespmem:s21], [sflag:$0x4], $0x80, s31, s18, $0xb8;
	[tilespmem:$0x1E400] =	vst v63  }
0x80: {  	_ =	swait.ge [sflag:s23], $0x4000  }
0x81: {  	[sflag:s23] =	ssyncset.done $0x0  }
0x82: {  	[sflag:s23] =	ssyncadd.s32 $0xFFFFC000  }
0x83: {  	_ =	swait.ge [sflag:s28], $0x4000  }
0x84: {  	[sflag:s28] =	ssyncset.done $0x0  }
0x85: {  	[sflag:s28] =	ssyncadd.s32 $0xFFFFC000  }
0x86: {  	[tilespmem:s4], [sflag:$0x5] =	stream.strided.gather [hbm4b:s12+s18], $0x1400, s19, s18, $0x38;
	[tilespmem:$0x1E400] =	vst v63  }
0x87: {  	_ =	swait.ge [sflag:s17], $0x1400  }
0x88: {  	[sflag:s17] =	ssyncset.done $0x0  }
0x89: {  	[sflag:s17] =	ssyncadd.s32 $0xFFFFEC00  }
0x8a: {  	[tilespmem:s20], [sflag:$0x5] =	stream.strided.gather [hbm4b:s13+s18], $0x1400, s19, s18, $0x38;
	[tilespmem:$0x1E400] =	vst v63  }
0x8b: {  	_ =	swait.ge [sflag:s17], $0x1400  }
0x8c: {  	[sflag:s17] =	ssyncset.done $0x0  }
0x8d: {  	[sflag:s17] =	ssyncadd.s32 $0xFFFFEC00  }
0x8e: {  	[tilespmem:s16], [sflag:$0x1] =	stream.indirect.gather [hbm4b:s0+s18], $0x80, s4, s18, $0xb8;
	[tilespmem:$0x1E400] =	vst v63  }
0x8f: {  	_ = 	snop  }
0x90: {  	[tilespmem:s21], [sflag:$0x2] =	stream.indirect.gather [hbm4b:s0+s18], $0x80, s18, s18, $0xb8;
	[tilespmem:$0x1E400] =	vst v63  }
0x91: {  	_ =	swait.ge [sflag:s22], $0x4000  }
0x92: {  	[sflag:s22] =	ssyncset.done $0x0  }
0x93: {  	[sflag:s22] =	ssyncadd.s32 $0xFFFFC000  }
0x94: {  	[spmem:s3] =	stream.indirect.scatter.add.f32 [tilespmem:s16], [sflag:$0x3], $0x80, s20, s18, $0xb8;
	[tilespmem:$0x1E400] =	vst v63  }
0x95: {  	_ =	swait.ge [sflag:s23], $0x4000  }
0x96: {  	[sflag:s23] =	ssyncset.done $0x0  }
0x97: {  	[sflag:s23] =	ssyncadd.s32 $0xFFFFC000  }
0x98: {  	[tilespmem:s16], [sflag:$0x1] =	stream.indirect.gather [hbm4b:s0+s18], $0x80, s24, s18, $0xb8;
	[tilespmem:$0x1E400] =	vst v63  }
0x99: {  	_ =	swait.ge [sflag:s25], $0x4000  }
0x9a: {  	[sflag:s25] =	ssyncset.done $0x0  }
0x9b: {  	[sflag:s25] =	ssyncadd.s32 $0xFFFFC000  }
0x9c: {  	[spmem:s3] =	stream.indirect.scatter.add.f32 [tilespmem:s21], [sflag:$0x4], $0x80, s26, s18, $0xb8;
	[tilespmem:$0x1E400] =	vst v63  }
0x9d: {  	_ =	swait.ge [sflag:s28], $0x4000  }
0x9e: {  	[sflag:s28] =	ssyncset.done $0x0  }
0x9f: {  	s2 =	simm.s32 $0x180;
	[sflag:s28] =	ssyncadd.s32 $0xFFFFC000  }
0xa0: {  	[tilespmem:s21], [sflag:$0x2] =	stream.indirect.gather [hbm4b:s0+s18], $0x80, s2, s18, $0xb8;
	[tilespmem:$0x1E400] =	vst v63  }
0xa1: {  	_ =	swait.ge [sflag:s22], $0x4000  }
0xa2: {  	[sflag:s22] =	ssyncset.done $0x0  }
0xa3: {  	s6 =	simm.s32 $0x1500;
	[sflag:s22] =	ssyncadd.s32 $0xFFFFC000  }
0xa4: {  	[spmem:s3] =	stream.indirect.scatter.add.f32 [tilespmem:s16], [sflag:$0x3], $0x80, s6, s18, $0xb8;
	[tilespmem:$0x1E400] =	vst v63  }
0xa5: {  	_ =	swait.ge [sflag:s23], $0x4000  }
0xa6: {  	[sflag:s23] =	ssyncset.done $0x0  }
0xa7: {  	s7 =	simm.s32 $0x200;
	[sflag:s23] =	ssyncadd.s32 $0xFFFFC000  }
0xa8: {  	[tilespmem:s16], [sflag:$0x1] =	stream.indirect.gather [hbm4b:s0+s18], $0x80, s7, s18, $0xb8;
	[tilespmem:$0x1E400] =	vst v63  }
0xa9: {  	_ =	swait.ge [sflag:s25], $0x4000  }
0xaa: {  	[sflag:s25] =	ssyncset.done $0x0  }
0xab: {  	s2 =	simm.s32 $0xFFFFBC00;
	s6 =	simm.s32 $0x1580;
	[sflag:s25] =	ssyncadd.s32 $0xFFFFC000  }
.LBB2_6:
0xac: {  	[spmem:s3] =	stream.indirect.scatter.add.f32 [tilespmem:s21], [sflag:$0x4], $0x80, s6, s18, $0xb8;
	[tilespmem:$0x1E400] =	vst v63  }
0xad: {  	s6 =	smov.u32 s2  }
0xae: {  	p0 =	sne.s32 s2, $0xFFFFFC00;
	s2 =	sadd.s32 $0x400, s2;
	_ =	swait.ge [sflag:s28], $0x4000  }
0xaf: {  	s6 =	sshra.s32 s6, $0x2;
	[sflag:s28] =	ssyncset.done $0x0  }
0xb0: {  	s7 =	sadd.s32 $0x1380, s6;
	[sflag:s28] =	ssyncadd.s32 $0xFFFFC000  }
0xb1: {  	[tilespmem:s21], [sflag:$0x2] =	stream.indirect.gather [hbm4b:s0+s18], $0x80, s7, s18, $0xb8;
	[tilespmem:$0x1E400] =	vst v63  }
0xb2: {  	_ =	swait.ge [sflag:s22], $0x4000  }
0xb3: {  	[sflag:s22] =	ssyncset.done $0x0  }
0xb4: {  	s7 =	sadd.s32 $0x2700, s6;
	[sflag:s22] =	ssyncadd.s32 $0xFFFFC000  }
0xb5: {  	[spmem:s3] =	stream.indirect.scatter.add.f32 [tilespmem:s16], [sflag:$0x3], $0x80, s7, s18, $0xb8;
	[tilespmem:$0x1E400] =	vst v63  }
0xb6: {  	_ =	swait.ge [sflag:s23], $0x4000  }
0xb7: {  	[sflag:s23] =	ssyncset.done $0x0  }
.Ltmp2:
0xb8: {  	s7 =	sadd.s32 $0x1400, s6;
	[sflag:s23] =	ssyncadd.s32 $0xFFFFC000;
	(pc) =	sbr.rel @p0 .LBB2_6-.Ltmp2, $4  }
0xb9: {  	[tilespmem:s16], [sflag:$0x1] =	stream.indirect.gather [hbm4b:s0+s18], $0x80, s7, s18, $0xb8;
	[tilespmem:$0x1E400] =	vst v63  }
0xba: {  	_ =	swait.ge [sflag:s25], $0x4000  }
0xbb: {  	[sflag:s25] =	ssyncset.done $0x0  }
0xbc: {  	s6 =	sadd.s32 $0x2780, s6;
	[sflag:s25] =	ssyncadd.s32 $0xFFFFC000  }
0xbd: {  	[spmem:s3] =	stream.indirect.scatter.add.f32 [tilespmem:s21], [sflag:$0x4], $0x80, s6, s18, $0xb8;
	[tilespmem:$0x1E400] =	vst v63  }
0xbe: {  	_ =	swait.ge [sflag:s28], $0x4000  }
0xbf: {  	[sflag:s28] =	ssyncset.done $0x0  }
0xc0: {  	[sflag:s28] =	ssyncadd.s32 $0xFFFFC000  }
0xc1: {  	[tilespmem:s21], [sflag:$0x2] =	stream.indirect.gather [hbm4b:s0+s18], $0x80, s29, s18, $0xb8;
	[tilespmem:$0x1E400] =	vst v63  }
0xc2: {  	_ =	swait.ge [sflag:s22], $0x4000  }
0xc3: {  	[sflag:s22] =	ssyncset.done $0x0  }
0xc4: {  	[sflag:s22] =	ssyncadd.s32 $0xFFFFC000  }
0xc5: {  	[spmem:s3] =	stream.indirect.scatter.add.f32 [tilespmem:s16], [sflag:$0x3], $0x80, s30, s18, $0xb8;
	[tilespmem:$0x1E400] =	vst v63  }
0xc6: {  	_ =	swait.ge [sflag:s25], $0x4000  }
0xc7: {  	[sflag:s25] =	ssyncset.done $0x0  }
0xc8: {  	[sflag:s25] =	ssyncadd.s32 $0xFFFFC000  }
0xc9: {  	[spmem:s3] =	stream.indirect.scatter.add.f32 [tilespmem:s21], [sflag:$0x4], $0x80, s31, s18, $0xb8;
	[tilespmem:$0x1E400] =	vst v63  }
0xca: {  	_ =	swait.ge [sflag:s23], $0x4000  }
0xcb: {  	[sflag:s23] =	ssyncset.done $0x0  }
0xcc: {  	[sflag:s23] =	ssyncadd.s32 $0xFFFFC000  }
0xcd: {  	s2 =	stileid.u32;
	_ =	swait.ge [sflag:s28], $0x4000  }
0xce: {  	s7 =	sshrl.u32 s5, $0x3;
	s1 =	sadd.s32 $0x1, s1;
	[sflag:s28] =	ssyncset.done $0x0  }
0xcf: {  	s2 =	sshll.u32 s2, $0x6;
	p0 =	sne.s32 s1, s15;
	[sflag:s28] =	ssyncadd.s32 $0xFFFFC000  }
.Ltmp3:
0xd0: {  	s2 =	sor.u32 $0x1C05, s2;
	[bflag:$0x0] =	sbarrier.arrive $0xFFFF;
	(pc) =	sbr.rel @p0 .LBB2_1-.Ltmp3, $4  }
0xd1: {  	[hbm:s14], [sflag:s2] =	dma.local [spmem:s7], $0x2780  }
0xd2: {  	_ =	swait.ge [sflag:s17], $0x2780  }
0xd3: {  	[sflag:s17] =	ssyncset.done $0x0  }
0xd4: {  	[sflag:s17] =	ssyncadd.s32 $0xFFFFD880  }
0xd5: {  	_ =	sfence.sel $0x180000  }
0xd6: {  	[bflag:$0x0] =	sbarrier.arrive $0xFFFF  }
0xd7: {  	_ =	strace $0x9000004A  }
0xd8: {  	s0 =	stileid.u32;
	[bflag:$0x2] =	sbarrier.arrive $0xFFFF  }
0xd9: {  	p0 =	sne.s32 s0, $0x0;
	s0 =	rddreg [dreg:$0x3]  }
0xda: {  	s0 =	sadd.s32 @!p0 $0x100000, s0  }
0xdb: {  	[sflag:s0] =	ssyncadd.tile.s32 @!p0 $0x1;
	_ =	shalt  }
.Lfunc_end2:
_tile_overlayer_lowered:
.L_overlay_start_2:
0xdc: {  	(tag) =	ssettag $0x2  }
0xdd: {  	s0 =	rddreg [dreg:$0x0];
	s2 =	stileid.u32  }
0xde: {  	s1 =	rddreg [dreg:$0x1];
	p0 =	sne.s32 s2, $0x0  }
0xdf: {  	s3 =	rddreg [dreg:$0x2];
	[bflag:$0x3] =	sbarrier.arrive $0xFFFF;
	s2 =	simm.s32 @!p0 $0x1C05  }
0xe0: {  	[timem:s3], [sflag:s2] =	dma.local @!p0 [hbm:s0], s1  }
0xe1: {  	s0 =	simm.s32 @!p0 $0x5  }
0xe2: {  	_ =	swait.ge @!p0 [sflag:s0], s1  }
0xe3: {  	s1 =	ssub.s32 @!p0 $0x0, s1;
	[sflag:s0] =	ssyncset.done @!p0 $0x0  }
0xe4: {  	[sflag:s0] =	ssyncadd.s32 @!p0 s1  }
0xe5: {  	[bflag:$0x3] =	sbarrier.arrive $0xFFFF  }
0xe6: {  	_ =	shalt  }

// kernel: kernel.14.cloned.1.call-start
scs
__scs_entry_jumppad:
0x0: {  	(pc) =	sbr.rel $0x88, $3  }
0x1: {  	(tag) =	ssettag $0x0;
	lr =	simm.s32 $0x1  }
0x2: {  	[smem:$0x3F93] =	sst lr;
	_ =	strace $0xD0000000  }
0x3: {  	_ = 	snop  }
0x4: {  	_ = 	snop  }
0x5: {  	_ = 	snop  }
0x6: {  	_ = 	snop  }
0x7: {  	_ = 	snop  }
__scs_overlays_trampoline_lowered:
0x8: {  	[smem:$0x3FA2] =	sst s0  }
0x9: {  	[smem:$0x3FA3] =	sst s1  }
0xa: {  	[smem:$0x3FA4] =	sst s2  }
0xb: {  	[smem:$0x3FA5] =	sst s3  }
0xc: {  	[smem:$0x3FA6] =	sst s4  }
0xd: {  	[smem:$0x3FA7] =	sst s5  }
0xe: {  	[smem:$0x3FA8] =	sst s6  }
0xf: {  	[smem:$0x3FA9] =	sst s7  }
0x10: {  	[smem:$0x3FAA] =	sst s8  }
0x11: {  	[smem:$0x3FAB] =	sst s9;
	s0 =	simm.s32 @!p0 $0x0  }
0x12: {  	s1 =	sld [smem:$0x3F91];
	s0 =	simm.s32 @p0 $0x1  }
0x13: {  	[smem:$0x3FAC] =	sst s0;
	s0 =	simm.s32 @!p1 $0x0  }
0x14: {  	s2 =	sld [smem:$0x3F90];
	s0 =	simm.s32 @p1 $0x1  }
0x15: {  	[smem:$0x3FAD] =	sst s0;
	s0 =	simm.s32 @!p2 $0x0  }
0x16: {  	s3 =	sld [smem:$0x3FDB];
	s0 =	simm.s32 @p2 $0x1  }
0x17: {  	s4 =	simm.s32 $0x1BF5;
	[smem:$0x3FAF] =	sst s0  }
0x18: {  	s0 =	sld [smem:$0x3F92];
	_ =	swait.ge [sflag:s4], $0x0  }
0x19: {  	s7 =	sld [smem:$0x3F93]  }
0x1a: {  	s8 =	sadd.s32 $0xFFFFE003, lr  }
0x1b: {  	s9 =	sadd.s32 $0xFFFFFEF7, lr;
	s5 =	simm.s32 $0xFFFFFFFF;
	p2 =	slt.u32 s8, $0xFFFFF086  }
0x1c: {  	p1 =	slt.u32 s9, $0xF7A;
	s5 =	simm.s32 @!p2 $0x0  }
0x1d: {  	s5 =	simm.s32 @p1 $0x1;
	p0 =	seq.s32 s7, s2  }
0x1e: {  	s7 =	smul.u32 @!p0 $0xF7A, s2;
	p2 =	seq.s32 @!p0 s5, $0x0  }
0x1f: {  	s9 =	smul.u32 $0xF7A, s1;
	s8 =	simm.s32 @!p0 $0x1BF5;
	p2 =	por !p2, p0  }
0x20: {  	[sflag:s8] =	ssyncset.s32 @!p0 $0xFFFFF086;
	s6 =	sadd.s32 @!p0 s3, s7;
	s7 =	simm.s32 @!p0 $0x108  }
0x21: {  	s3 =	sadd.s32 s3, s9;
	s6 =	sadd.s32 @!p0 $0x88, s6;
	s7 =	simm.s32 @p2 $0x1082  }
0x22: {  	[simem:s7], [sflag:s8] =	dma.local @!p0 [hbm:s6], $0xF7A  }
0x23: {  	s9 =	sor.u32 $0xD0000000, s2;
	s6 =	simm.s32 $0x108;
	_ =	swait.ge @!p0 [sflag:s8], $0x0  }
0x24: {  	s3 =	sadd.s32 $0x88, s3;
	s6 =	simm.s32 @!p1 $0x1082;
	[sflag:s4] =	ssyncset.s32 $0xFFFFF086  }
0x25: {  	[simem:s6], [sflag:s4] =	dma.local [hbm:s3], $0xF7A  }
0x26: {  	[smem:$0x3F93] =	sst s1;
	(tag) =	ssettag s2;
	_ =	strace s9  }
0x27: {  	s1 =	sld [smem:$0x3FA3]  }
0x28: {  	s2 =	sld [smem:$0x3FA4]  }
0x29: {  	s4 =	sld [smem:$0x3FA6]  }
0x2a: {  	p0 =	seq.s32 s5, $0x0;
	s5 =	sld [smem:$0x3FA7]  }
0x2b: {  	s6 =	sld [smem:$0x3FA8]  }
0x2c: {  	s7 =	sld [smem:$0x3FA9]  }
0x2d: {  	s3 =	simm.s32 $0x108;
	s8 =	sld [smem:$0x3FAA]  }
0x2e: {  	s3 =	simm.s32 @!p0 $0x1082;
	s9 =	sld [smem:$0x3FAB]  }
0x2f: {  	lr =	sadd.s32 s0, s3;
	s0 =	sld [smem:$0x3FA2]  }
0x30: {  	s3 =	sld [smem:$0x3FA5]  }
0x31: {  	[smem:$0x3FAE] =	sst s10  }
0x32: {  	s10 =	sld [smem:$0x3FAC];
	_ =	sdelay $0x3  }
0x33: {  	p0 =	seq.s32 s10, $0x1;
	s10 =	sld [smem:$0x3FAE];
	_ =	sdelay $0x3  }
0x34: {  	[smem:$0x3FAE] =	sst s10  }
0x35: {  	s10 =	sld [smem:$0x3FAD];
	_ =	sdelay $0x3  }
0x36: {  	p1 =	seq.s32 s10, $0x1;
	s10 =	sld [smem:$0x3FAE];
	_ =	sdelay $0x3  }
0x37: {  	[smem:$0x3FAE] =	sst s10  }
0x38: {  	s10 =	sld [smem:$0x3FAF]  }
0x39: {  	_ = 	snop;
	(pc) =	sbr.ind lr, $3  }
0x3a: {  	_ = 	snop  }
0x3b: {  	_ = 	snop  }
0x3c: {  	p2 =	seq.s32 s10, $0x1;
	s10 =	sld [smem:$0x3FAE]  }
0x3d: {  	_ =	shalt  }
0x3e: {  	_ =	shalt  }
0x3f: {  	_ =	shalt  }
0x40: {  	_ =	shalt  }
0x41: {  	_ =	shalt  }
0x42: {  	_ =	shalt  }
0x43: {  	_ =	shalt  }
0x44: {  	_ =	shalt  }
0x45: {  	_ =	shalt  }
0x46: {  	_ =	shalt  }
0x47: {  	_ =	shalt  }
0x48: {  	_ =	shalt  }
0x49: {  	_ =	shalt  }
0x4a: {  	_ =	shalt  }
0x4b: {  	_ =	shalt  }
0x4c: {  	_ =	shalt  }
0x4d: {  	_ =	shalt  }
0x4e: {  	_ =	shalt  }
0x4f: {  	_ =	shalt  }
0x50: {  	_ =	shalt  }
0x51: {  	_ =	shalt  }
0x52: {  	_ =	shalt  }
0x53: {  	_ =	shalt  }
0x54: {  	_ =	shalt  }
0x55: {  	_ =	shalt  }
0x56: {  	_ =	shalt  }
0x57: {  	_ =	shalt  }
0x58: {  	_ =	shalt  }
0x59: {  	_ =	shalt  }
0x5a: {  	_ =	shalt  }
0x5b: {  	_ =	shalt  }
0x5c: {  	_ =	shalt  }
0x5d: {  	_ =	shalt  }
0x5e: {  	_ =	shalt  }
0x5f: {  	_ =	shalt  }
0x60: {  	_ =	shalt  }
0x61: {  	_ =	shalt  }
0x62: {  	_ =	shalt  }
0x63: {  	_ =	shalt  }
0x64: {  	_ =	shalt  }
0x65: {  	_ =	shalt  }
0x66: {  	_ =	shalt  }
0x67: {  	_ =	shalt  }
0x68: {  	_ =	shalt  }
0x69: {  	_ =	shalt  }
0x6a: {  	_ =	shalt  }
0x6b: {  	_ =	shalt  }
0x6c: {  	_ =	shalt  }
0x6d: {  	_ =	shalt  }
0x6e: {  	_ =	shalt  }
0x6f: {  	_ =	shalt  }
0x70: {  	_ =	shalt  }
0x71: {  	_ =	shalt  }
0x72: {  	_ =	shalt  }
0x73: {  	_ =	shalt  }
0x74: {  	_ =	shalt  }
0x75: {  	_ =	shalt  }
0x76: {  	_ =	shalt  }
0x77: {  	_ =	shalt  }
0x78: {  	_ =	shalt  }
0x79: {  	_ =	shalt  }
0x7a: {  	_ =	shalt  }
0x7b: {  	_ =	shalt  }
0x7c: {  	_ =	shalt  }
0x7d: {  	_ =	shalt  }
0x7e: {  	_ =	shalt  }
0x7f: {  	_ =	shalt  }
0x80: {  	_ =	shalt  }
0x81: {  	_ =	shalt  }
0x82: {  	_ =	shalt  }
0x83: {  	_ =	shalt  }
0x84: {  	_ =	shalt  }
0x85: {  	_ =	shalt  }
0x86: {  	_ =	shalt  }
0x87: {  	_ =	shalt  }
.Lfunc_end0:
.L_simem_size_0:
called_computation.2_lowered:
.L_overlay_start_0:
0x88: {  	s2 =	sld [smem:$0x3FD9]  }
0x89: {  	s3 =	sld [smem:$0x3FFE];
	_ =	sdelay $0x1  }
0x8a: {  	s1 =	srdreg.scid  }
0x8b: {  	s0 =	sand.u32 $0x1, s1  }
0x8c: {  	s17 =	sshll.u32 s0, $0xA;
	s2 =	sadd.s32 s3, s2  }
0x8d: {  	s2 =	sadd.s32 s2, s17  }
0x8e: {  	[smem:$0x3FBA] =	sst s2  }
0x8f: {  	_ = 	snop  }
0x90: {  	s2 =	sld [smem:$0x3FD0];
	(tm) =	ssettm $0x1  }
0x91: {  	s18 =	sld [smem:$0x3FFB];
	_ =	sdelay $0x3  }
0x92: {  	_ =	strace s18  }
0x93: {  	s3 =	sld [smem:$0x3FFC];
	_ =	sdelay $0x3  }
0x94: {  	_ =	strace s3  }
0x95: {  	s3 =	sld [smem:$0x3FFD];
	_ =	sdelay $0x3  }
0x96: {  	_ =	strace s3  }
0x97: {  	_ =	strace $0x8FFFFFFF  }
0x98: {  	s19 =	sld [smem:$0x3FDB];
	_ =	sdelay $0x1  }
0x99: {  	s4 =	simm.s32 $_scs_section_size  }
0x9a: {  	s5 =	simm.s32 $_size__tile_overlayer_lowered;
	s6 =	simm.s32 $_tile_overlayer_lowered  }
0x9b: {  	s22 =	simm.s32 $0x1BFF;
	s21 =	sshll.u32 s6, $0x1;
	s3 =	sadd.s32 s4, s19  }
0x9c: {  	s7 =	simm.s32 $0x0;
	s20 =	sshll.u32 s5, $0x1;
	s5 =	sadd.s32 s21, s3  }
0x9d: {  	[timem:s7], [sflag:s22] =	dma.local [hbm:s5], s20  }
0x9e: {  	_ =	swait.ge [sflag:s22], s20  }
0x9f: {  	s4 =	ssub.s32 $0x0, s20;
	[sflag:s22] =	ssyncset.done $0x0  }
0xa0: {  	[sflag:s22] =	ssyncadd.s32 s4;
	_ =	sdelay $0x1  }
0xa1: {  	s23 =	simm.s32 $0x1B8B  }
0xa2: {  	_ =	swait.ge [sflag:s23], $0x1  }
0xa3: {  	[sflag:s23] =	ssyncset.done $0x0  }
0xa4: {  	s25 =	simm.s32 $0x1B8E;
	s24 =	sld [smem:$0x3FFE];
	[sflag:s23] =	ssyncadd.s32 $0xFFFFFFFF  }
0xa5: {  	s26 =	simm.s32 $execute0_lowered;
	[smem:$0x3FD2] =	sst s25  }
0xa6: {  	s5 =	sshll.u32 s26, $0x1;
	_ =	strace $0x8000004C;
	[dreg:$0x1] =	wrdreg $0xFFFFFFFF  }
0xa7: {  	s28 =	simm.s32 $_size_execute0_lowered;
	s3 =	sadd.s32 s3, s5;
	[dreg:$0x0] =	wrdreg $0x0  }
0xa8: {  	s5 =	sshll.u32 s28, $0x1;
	[dreg:$0x2] =	wrdreg s3  }
0xa9: {  	[dreg:$0x3] =	wrdreg s5  }
0xaa: {  	[dreg:$0x4] =	wrdreg $0xC0  }
0xab: {  	_ =	task [dreg:s7], $0x5FFFF  }
0xac: {  	[dreg:$0x1] =	wrdreg $0xFFFFFFFF  }
0xad: {  	[dreg:$0x0] =	wrdreg $0x60  }
0xae: {  	[dreg:$0x2] =	wrdreg s2  }
0xaf: {  	[dreg:$0x3] =	wrdreg s24  }
0xb0: {  	[dreg:$0x4] =	wrdreg $0xA8000  }
0xb1: {  	[dreg:$0x5] =	wrdreg $0x9  }
0xb2: {  	_ =	task.clear_ibuf [dreg:s7], $0x6FFFF;
	_ =	strace $0x9000004C  }
0xb3: {  	s29 =	simm.s32 $0x9;
	_ =	strace $0x8000004E  }
0xb4: {  	_ =	swait.ge [sflag:s29], $0x1  }
0xb5: {  	[sflag:s29] =	ssyncadd.s32 $0xFFFFFFFF  }
0xb6: {  	_ =	strace $0x9000004E  }
0xb7: {  	_ =	sfence  }
0xb8: {  	s30 =	sld [smem:$0x0];
	_ =	sdelay $0x2  }
0xb9: {  	s31 =	sshll.u32 s1, $0xD;
	s1 =	sshrl.u32 s1, $0x2  }
0xba: {  	s3 =	sand.u32 $0x4000, s31;
	s1 =	sadd.s32 s1, s30  }
0xbb: {  	s0 =	sor.u32 s3, s0;
	s1 =	sshll.u32 s1, $0x11  }
0xbc: {  	s0 =	sor.u32 s1, s0  }
0xbd: {  	s0 =	sadd.s32 $0x8F2B, s0  }
0xbe: {  	[sflag:s0] =	ssyncadd.remote.s32 $0x1  }
0xbf: {  	_ =	sfence.sel $0xFFFF  }
0xc0: {  	[dreg:$0x0] =	wrdreg $0xFFFFFFFF;
	(pc) =	sbr.abs _section_cstart, $3  }
0xc1: {  	[dreg:$0x1] =	wrdreg $0xFFFFFFFF  }
0xc2: {  	_ =	task.clear_ibuf [dreg:s7], $0x2FFFF;
	_ =	strace $0x9FFFFFFF  }
0xc3: {  	(tm) =	ssettm $0x7FFFFFFF  }
tec
execute0_lowered:
.L_overlay_start_1:
0x0: {  	(tag) =	ssettag $0x1  }
0x1: {  	s0 =	rddreg [dreg:$0x0]  }
0x2: {  	s1 =	rddreg [dreg:$0x1];
	s2 =	srdreg.scid  }
0x3: {  	s3 =	rddreg [dreg:$0x2];
	s9 =	stileid.u32;
	s4 =	simm.s32 $0x0  }
0x4: {  	s16 =	simm.s32 $0x2800;
	s17 =	simm.s32 $0x5;
	s18 =	simm.s32 $0x80  }
0x5: {  	s19 =	simm.s32 $0x400;
	s20 =	simm.s32 $0x1400;
	s21 =	simm.s32 $0x6800  }
0x6: {  	s22 =	simm.s32 $0x1;
	s23 =	simm.s32 $0x3;
	s28 =	simm.s32 $0x4  }
0x7: {  	s29 =	simm.s32 $0x1380;
	s30 =	simm.s32 $0x2700;
	s31 =	simm.s32 $0x2780  }
0x8: {  	s2 =	sand.u32 $0x1, s2;
	s6 =	smul.u32 $0x13C00, s9;
	[smem:$0x7FF] =	sst s4  }
0x9: {  	s12 =	sadd.s32 $0xE800, s1;
	s7 =	smul.u32 $0x4F000, s9;
	s13 =	sadd.s32 $0x18800, s1  }
0xa: {  	s8 =	sshrl.u32 s9, $0x2;
	s9 =	sshll.u32 s9, $0x8;
	s5 =	smul.u32 $0x13C000, s2  }
0xb: {  	_ =	strace $0x8000004D;
	s24 =	ssub.s32 $0x2, s2;
	s8 =	smul.u32 $0x14000, s8  }
0xc: {  	s2 =	sshll.u32 s2, $0x7;
	s9 =	sand.u32 $0x300, s9;
	s25 =	sshrl.u32 s24, $0x1  }
0xd: {  	s7 =	sshrl.u32 s7, $0x2;
	s2 =	sor.u32 s2, s9;
	s5 =	sadd.s32 s6, s5  }
0xe: {  	s6 =	ssub.s32 s24, s25;
	s2 =	sor.u32 s8, s2;
	s24 =	simm.s32 $0x100  }
0xf: {  	s25 =	simm.s32 $0x2;
	s5 =	sshrl.u32 s5, $0x3;
	s11 =	sshrl.u32 s2, $0x3  }
0x10: {  	s2 =	sadd.s32 $0xA000, s2;
	s15 =	smax.u32 s6, $0x1;
	s1 =	sadd.s32 s5, s1  }
0x11: {  	s5 =	sadd.s32 s7, s3;
	s10 =	sadd.s32 s12, s11;
	s2 =	sshrl.u32 s2, $0x3  }
0x12: {  	s11 =	sadd.s32 s13, s11;
	s7 =	sadd.s32 $0x4000, s5;
	s26 =	sadd.s32 $0x8000, s5  }
0x13: {  	s8 =	sadd.s32 $0xC000, s5;
	s9 =	sadd.s32 $0x10000, s5;
	s12 =	sadd.s32 s12, s2  }
0x14: {  	s13 =	sadd.s32 s13, s2;
	s14 =	sadd.s32 $0x49A00, s1;
	[dreg:$0x4] =	wrdreg s7  }
0x15: {  	v0 =	vimm.f32 $0.0e+00;
	s1 =	simm.s32 $0x0;
	[dreg:$0x5] =	wrdreg s26;
	s26 =	simm.s32 $0x1480  }
.LBB2_1:
0x16: {  	s2 =	simm.s32 $0x0;
	s6 =	simm.s32 $0x200  }
.LBB2_2:
0x17: {  	p0 =	sne.s32 s6, $0xFE00;
	[tilespmem:s2+$0x2870] =	vst v0  }
0x18: {  	[tilespmem:s2+$0x2800] =	vst v0  }
0x19: {  	[tilespmem:s2+$0x2810] =	vst v0  }
.Ltmp0:
0x1a: {  	[tilespmem:s2+$0x2820] =	vst v0;
	(pc) =	sbr.rel @p0 .LBB2_2-.Ltmp0, $4  }
0x1b: {  	[tilespmem:s2+$0x2830] =	vst v0  }
0x1c: {  	[tilespmem:s2+$0x2840] =	vst v0  }
0x1d: {  	[tilespmem:s2+$0x2850] =	vst v0  }
0x1e: {  	[tilespmem:s2+$0x2860] =	vst v0;
	s2 =	sshra.s32 s6, $0x2;
	s6 =	sadd.s32 $0x200, s6  }
0x1f: {  	[tilespmem:s2+$0x2870] =	vst v0  }
0x20: {  	[tilespmem:s2+$0x2800] =	vst v0  }
0x21: {  	[tilespmem:s2+$0x2810] =	vst v0  }
0x22: {  	[tilespmem:s2+$0x2820] =	vst v0  }
0x23: {  	[tilespmem:s2+$0x2830] =	vst v0  }
0x24: {  	[tilespmem:s2+$0x2840] =	vst v0  }
0x25: {  	[tilespmem:s2+$0x2850] =	vst v0  }
0x26: {  	[tilespmem:s2+$0x2860] =	vst v0  }
0x27: {  	[spmem:s5] =	stream.linear.scatter [tilespmem:s16], [sflag:$0x5], $0x4000, $0x38;
	[tilespmem:$0x1E400] =	vst v63  }
0x28: {  	_ =	swait.ge [sflag:s17], $0x4000  }
0x29: {  	[sflag:s17] =	ssyncset.done $0x0  }
0x2a: {  	s7 =	rddreg [dreg:$0x4];
	[sflag:s17] =	ssyncadd.s32 $0xFFFFC000  }
0x2b: {  	[spmem:s7] =	stream.linear.scatter [tilespmem:s16], [sflag:$0x5], $0x4000, $0x38;
	[tilespmem:$0x1E400] =	vst v63  }
0x2c: {  	_ =	swait.ge [sflag:s17], $0x4000  }
0x2d: {  	[sflag:s17] =	ssyncset.done $0x0  }
0x2e: {  	s6 =	rddreg [dreg:$0x5];
	[sflag:s17] =	ssyncadd.s32 $0xFFFFC000  }
0x2f: {  	[spmem:s6] =	stream.linear.scatter [tilespmem:s16], [sflag:$0x5], $0x4000, $0x38;
	[tilespmem:$0x1E400] =	vst v63  }
0x30: {  	_ =	swait.ge [sflag:s17], $0x4000  }
0x31: {  	[sflag:s17] =	ssyncset.done $0x0  }
0x32: {  	[sflag:s17] =	ssyncadd.s32 $0xFFFFC000  }
0x33: {  	[spmem:s8] =	stream.linear.scatter [tilespmem:s16], [sflag:$0x5], $0x4000, $0x38;
	[tilespmem:$0x1E400] =	vst v63  }
0x34: {  	_ =	swait.ge [sflag:s17], $0x4000  }
0x35: {  	[sflag:s17] =	ssyncset.done $0x0  }
0x36: {  	[sflag:s17] =	ssyncadd.s32 $0xFFFFC000  }
0x37: {  	[spmem:s9] =	stream.linear.scatter [tilespmem:s16], [sflag:$0x5], $0x3C00, $0x38;
	[tilespmem:$0x1E400] =	vst v63  }
0x38: {  	_ =	swait.ge [sflag:s17], $0x3C00  }
0x39: {  	[sflag:s17] =	ssyncset.done $0x0  }
0x3a: {  	[sflag:s17] =	ssyncadd.s32 $0xFFFFC400  }
0x3b: {  	[bflag:$0x0] =	sbarrier.arrive $0xFFFF  }
0x3c: {  	[tilespmem:s4], [sflag:$0x5] =	stream.strided.gather [hbm4b:s10+s18], $0x1400, s19, s18, $0x38;
	[tilespmem:$0x1E400] =	vst v63  }
0x3d: {  	_ =	swait.ge [sflag:s17], $0x1400  }
0x3e: {  	[sflag:s17] =	ssyncset.done $0x0  }
0x3f: {  	[sflag:s17] =	ssyncadd.s32 $0xFFFFEC00  }
0x40: {  	[tilespmem:s20], [sflag:$0x5] =	stream.strided.gather [hbm4b:s11+s18], $0x1400, s19, s18, $0x38;
	[tilespmem:$0x1E400] =	vst v63  }
0x41: {  	_ =	swait.ge [sflag:s17], $0x1400  }
0x42: {  	[sflag:s17] =	ssyncset.done $0x0  }
0x43: {  	[sflag:s17] =	ssyncadd.s32 $0xFFFFEC00  }
0x44: {  	[tilespmem:s16], [sflag:$0x1] =	stream.indirect.gather [hbm4b:s0+s18], $0x80, s4, s18, $0xb8;
	[tilespmem:$0x1E400] =	vst v63  }
0x45: {  	_ = 	snop  }
0x46: {  	[tilespmem:s21], [sflag:$0x2] =	stream.indirect.gather [hbm4b:s0+s18], $0x80, s18, s18, $0xb8;
	[tilespmem:$0x1E400] =	vst v63  }
0x47: {  	_ =	swait.ge [sflag:s22], $0x4000  }
0x48: {  	[sflag:s22] =	ssyncset.done $0x0  }
0x49: {  	[sflag:s22] =	ssyncadd.s32 $0xFFFFC000  }
0x4a: {  	[spmem:s3] =	stream.indirect.scatter.add.f32 [tilespmem:s16], [sflag:$0x3], $0x80, s20, s18, $0xb8;
	[tilespmem:$0x1E400] =	vst v63  }
0x4b: {  	_ =	swait.ge [sflag:s23], $0x4000  }
0x4c: {  	[sflag:s23] =	ssyncset.done $0x0  }
0x4d: {  	[sflag:s23] =	ssyncadd.s32 $0xFFFFC000  }
0x4e: {  	[tilespmem:s16], [sflag:$0x1] =	stream.indirect.gather [hbm4b:s0+s18], $0x80, s24, s18, $0xb8;
	[tilespmem:$0x1E400] =	vst v63  }
0x4f: {  	_ =	swait.ge [sflag:s25], $0x4000  }
0x50: {  	[sflag:s25] =	ssyncset.done $0x0  }
0x51: {  	[sflag:s25] =	ssyncadd.s32 $0xFFFFC000  }
0x52: {  	[spmem:s3] =	stream.indirect.scatter.add.f32 [tilespmem:s21], [sflag:$0x4], $0x80, s26, s18, $0xb8;
	[tilespmem:$0x1E400] =	vst v63  }
0x53: {  	_ =	swait.ge [sflag:s28], $0x4000  }
0x54: {  	[sflag:s28] =	ssyncset.done $0x0  }
0x55: {  	s7 =	simm.s32 $0x180;
	[sflag:s28] =	ssyncadd.s32 $0xFFFFC000  }
0x56: {  	[tilespmem:s21], [sflag:$0x2] =	stream.indirect.gather [hbm4b:s0+s18], $0x80, s7, s18, $0xb8;
	[tilespmem:$0x1E400] =	vst v63  }
0x57: {  	_ =	swait.ge [sflag:s22], $0x4000  }
0x58: {  	[sflag:s22] =	ssyncset.done $0x0  }
0x59: {  	s6 =	simm.s32 $0x1500;
	[sflag:s22] =	ssyncadd.s32 $0xFFFFC000  }
0x5a: {  	[spmem:s3] =	stream.indirect.scatter.add.f32 [tilespmem:s16], [sflag:$0x3], $0x80, s6, s18, $0xb8;
	[tilespmem:$0x1E400] =	vst v63  }
0x5b: {  	_ =	swait.ge [sflag:s23], $0x4000  }
0x5c: {  	[sflag:s23] =	ssyncset.done $0x0  }
0x5d: {  	s7 =	simm.s32 $0x200;
	[sflag:s23] =	ssyncadd.s32 $0xFFFFC000  }
0x5e: {  	[tilespmem:s16], [sflag:$0x1] =	stream.indirect.gather [hbm4b:s0+s18], $0x80, s7, s18, $0xb8;
	[tilespmem:$0x1E400] =	vst v63  }
0x5f: {  	_ =	swait.ge [sflag:s25], $0x4000  }
0x60: {  	[sflag:s25] =	ssyncset.done $0x0  }
0x61: {  	s2 =	simm.s32 $0xFFFFBC00;
	s6 =	simm.s32 $0x1580;
	[sflag:s25] =	ssyncadd.s32 $0xFFFFC000  }
.LBB2_4:
0x62: {  	[spmem:s3] =	stream.indirect.scatter.add.f32 [tilespmem:s21], [sflag:$0x4], $0x80, s6, s18, $0xb8;
	[tilespmem:$0x1E400] =	vst v63  }
0x63: {  	s6 =	smov.u32 s2  }
0x64: {  	p0 =	sne.s32 s2, $0xFFFFFC00;
	s2 =	sadd.s32 $0x400, s2;
	_ =	swait.ge [sflag:s28], $0x4000  }
0x65: {  	s6 =	sshra.s32 s6, $0x2;
	[sflag:s28] =	ssyncset.done $0x0  }
0x66: {  	s7 =	sadd.s32 $0x1380, s6;
	[sflag:s28] =	ssyncadd.s32 $0xFFFFC000  }
0x67: {  	[tilespmem:s21], [sflag:$0x2] =	stream.indirect.gather [hbm4b:s0+s18], $0x80, s7, s18, $0xb8;
	[tilespmem:$0x1E400] =	vst v63  }
0x68: {  	_ =	swait.ge [sflag:s22], $0x4000  }
0x69: {  	[sflag:s22] =	ssyncset.done $0x0  }
0x6a: {  	s7 =	sadd.s32 $0x2700, s6;
	[sflag:s22] =	ssyncadd.s32 $0xFFFFC000  }
0x6b: {  	[spmem:s3] =	stream.indirect.scatter.add.f32 [tilespmem:s16], [sflag:$0x3], $0x80, s7, s18, $0xb8;
	[tilespmem:$0x1E400] =	vst v63  }
0x6c: {  	_ =	swait.ge [sflag:s23], $0x4000  }
0x6d: {  	[sflag:s23] =	ssyncset.done $0x0  }
.Ltmp1:
0x6e: {  	s7 =	sadd.s32 $0x1400, s6;
	[sflag:s23] =	ssyncadd.s32 $0xFFFFC000;
	(pc) =	sbr.rel @p0 .LBB2_4-.Ltmp1, $4  }
0x6f: {  	[tilespmem:s16], [sflag:$0x1] =	stream.indirect.gather [hbm4b:s0+s18], $0x80, s7, s18, $0xb8;
	[tilespmem:$0x1E400] =	vst v63  }
0x70: {  	_ =	swait.ge [sflag:s25], $0x4000  }
0x71: {  	[sflag:s25] =	ssyncset.done $0x0  }
0x72: {  	s6 =	sadd.s32 $0x2780, s6;
	[sflag:s25] =	ssyncadd.s32 $0xFFFFC000  }
0x73: {  	[spmem:s3] =	stream.indirect.scatter.add.f32 [tilespmem:s21], [sflag:$0x4], $0x80, s6, s18, $0xb8;
	[tilespmem:$0x1E400] =	vst v63  }
0x74: {  	_ =	swait.ge [sflag:s28], $0x4000  }
0x75: {  	[sflag:s28] =	ssyncset.done $0x0  }
0x76: {  	[sflag:s28] =	ssyncadd.s32 $0xFFFFC000  }
0x77: {  	[tilespmem:s21], [sflag:$0x2] =	stream.indirect.gather [hbm4b:s0+s18], $0x80, s29, s18, $0xb8;
	[tilespmem:$0x1E400] =	vst v63  }
0x78: {  	_ =	swait.ge [sflag:s22], $0x4000  }
0x79: {  	[sflag:s22] =	ssyncset.done $0x0  }
0x7a: {  	[sflag:s22] =	ssyncadd.s32 $0xFFFFC000  }
0x7b: {  	[spmem:s3] =	stream.indirect.scatter.add.f32 [tilespmem:s16], [sflag:$0x3], $0x80, s30, s18, $0xb8;
	[tilespmem:$0x1E400] =	vst v63  }
0x7c: {  	_ =	swait.ge [sflag:s25], $0x4000  }
0x7d: {  	[sflag:s25] =	ssyncset.done $0x0  }
0x7e: {  	[sflag:s25] =	ssyncadd.s32 $0xFFFFC000  }
0x7f: {  	[spmem:s3] =	stream.indirect.scatter.add.f32 [tilespmem:s21], [sflag:$0x4], $0x80, s31, s18, $0xb8;
	[tilespmem:$0x1E400] =	vst v63  }
0x80: {  	_ =	swait.ge [sflag:s23], $0x4000  }
0x81: {  	[sflag:s23] =	ssyncset.done $0x0  }
0x82: {  	[sflag:s23] =	ssyncadd.s32 $0xFFFFC000  }
0x83: {  	_ =	swait.ge [sflag:s28], $0x4000  }
0x84: {  	[sflag:s28] =	ssyncset.done $0x0  }
0x85: {  	[sflag:s28] =	ssyncadd.s32 $0xFFFFC000  }
0x86: {  	[tilespmem:s4], [sflag:$0x5] =	stream.strided.gather [hbm4b:s12+s18], $0x1400, s19, s18, $0x38;
	[tilespmem:$0x1E400] =	vst v63  }
0x87: {  	_ =	swait.ge [sflag:s17], $0x1400  }
0x88: {  	[sflag:s17] =	ssyncset.done $0x0  }
0x89: {  	[sflag:s17] =	ssyncadd.s32 $0xFFFFEC00  }
0x8a: {  	[tilespmem:s20], [sflag:$0x5] =	stream.strided.gather [hbm4b:s13+s18], $0x1400, s19, s18, $0x38;
	[tilespmem:$0x1E400] =	vst v63  }
0x8b: {  	_ =	swait.ge [sflag:s17], $0x1400  }
0x8c: {  	[sflag:s17] =	ssyncset.done $0x0  }
0x8d: {  	[sflag:s17] =	ssyncadd.s32 $0xFFFFEC00  }
0x8e: {  	[tilespmem:s16], [sflag:$0x1] =	stream.indirect.gather [hbm4b:s0+s18], $0x80, s4, s18, $0xb8;
	[tilespmem:$0x1E400] =	vst v63  }
0x8f: {  	_ = 	snop  }
0x90: {  	[tilespmem:s21], [sflag:$0x2] =	stream.indirect.gather [hbm4b:s0+s18], $0x80, s18, s18, $0xb8;
	[tilespmem:$0x1E400] =	vst v63  }
0x91: {  	_ =	swait.ge [sflag:s22], $0x4000  }
0x92: {  	[sflag:s22] =	ssyncset.done $0x0  }
0x93: {  	[sflag:s22] =	ssyncadd.s32 $0xFFFFC000  }
0x94: {  	[spmem:s3] =	stream.indirect.scatter.add.f32 [tilespmem:s16], [sflag:$0x3], $0x80, s20, s18, $0xb8;
	[tilespmem:$0x1E400] =	vst v63  }
0x95: {  	_ =	swait.ge [sflag:s23], $0x4000  }
0x96: {  	[sflag:s23] =	ssyncset.done $0x0  }
0x97: {  	[sflag:s23] =	ssyncadd.s32 $0xFFFFC000  }
0x98: {  	[tilespmem:s16], [sflag:$0x1] =	stream.indirect.gather [hbm4b:s0+s18], $0x80, s24, s18, $0xb8;
	[tilespmem:$0x1E400] =	vst v63  }
0x99: {  	_ =	swait.ge [sflag:s25], $0x4000  }
0x9a: {  	[sflag:s25] =	ssyncset.done $0x0  }
0x9b: {  	[sflag:s25] =	ssyncadd.s32 $0xFFFFC000  }
0x9c: {  	[spmem:s3] =	stream.indirect.scatter.add.f32 [tilespmem:s21], [sflag:$0x4], $0x80, s26, s18, $0xb8;
	[tilespmem:$0x1E400] =	vst v63  }
0x9d: {  	_ =	swait.ge [sflag:s28], $0x4000  }
0x9e: {  	[sflag:s28] =	ssyncset.done $0x0  }
0x9f: {  	s2 =	simm.s32 $0x180;
	[sflag:s28] =	ssyncadd.s32 $0xFFFFC000  }
0xa0: {  	[tilespmem:s21], [sflag:$0x2] =	stream.indirect.gather [hbm4b:s0+s18], $0x80, s2, s18, $0xb8;
	[tilespmem:$0x1E400] =	vst v63  }
0xa1: {  	_ =	swait.ge [sflag:s22], $0x4000  }
0xa2: {  	[sflag:s22] =	ssyncset.done $0x0  }
0xa3: {  	s6 =	simm.s32 $0x1500;
	[sflag:s22] =	ssyncadd.s32 $0xFFFFC000  }
0xa4: {  	[spmem:s3] =	stream.indirect.scatter.add.f32 [tilespmem:s16], [sflag:$0x3], $0x80, s6, s18, $0xb8;
	[tilespmem:$0x1E400] =	vst v63  }
0xa5: {  	_ =	swait.ge [sflag:s23], $0x4000  }
0xa6: {  	[sflag:s23] =	ssyncset.done $0x0  }
0xa7: {  	s7 =	simm.s32 $0x200;
	[sflag:s23] =	ssyncadd.s32 $0xFFFFC000  }
0xa8: {  	[tilespmem:s16], [sflag:$0x1] =	stream.indirect.gather [hbm4b:s0+s18], $0x80, s7, s18, $0xb8;
	[tilespmem:$0x1E400] =	vst v63  }
0xa9: {  	_ =	swait.ge [sflag:s25], $0x4000  }
0xaa: {  	[sflag:s25] =	ssyncset.done $0x0  }
0xab: {  	s2 =	simm.s32 $0xFFFFBC00;
	s6 =	simm.s32 $0x1580;
	[sflag:s25] =	ssyncadd.s32 $0xFFFFC000  }
.LBB2_6:
0xac: {  	[spmem:s3] =	stream.indirect.scatter.add.f32 [tilespmem:s21], [sflag:$0x4], $0x80, s6, s18, $0xb8;
	[tilespmem:$0x1E400] =	vst v63  }
0xad: {  	s6 =	smov.u32 s2  }
0xae: {  	p0 =	sne.s32 s2, $0xFFFFFC00;
	s2 =	sadd.s32 $0x400, s2;
	_ =	swait.ge [sflag:s28], $0x4000  }
0xaf: {  	s6 =	sshra.s32 s6, $0x2;
	[sflag:s28] =	ssyncset.done $0x0  }
0xb0: {  	s7 =	sadd.s32 $0x1380, s6;
	[sflag:s28] =	ssyncadd.s32 $0xFFFFC000  }
0xb1: {  	[tilespmem:s21], [sflag:$0x2] =	stream.indirect.gather [hbm4b:s0+s18], $0x80, s7, s18, $0xb8;
	[tilespmem:$0x1E400] =	vst v63  }
0xb2: {  	_ =	swait.ge [sflag:s22], $0x4000  }
0xb3: {  	[sflag:s22] =	ssyncset.done $0x0  }
0xb4: {  	s7 =	sadd.s32 $0x2700, s6;
	[sflag:s22] =	ssyncadd.s32 $0xFFFFC000  }
0xb5: {  	[spmem:s3] =	stream.indirect.scatter.add.f32 [tilespmem:s16], [sflag:$0x3], $0x80, s7, s18, $0xb8;
	[tilespmem:$0x1E400] =	vst v63  }
0xb6: {  	_ =	swait.ge [sflag:s23], $0x4000  }
0xb7: {  	[sflag:s23] =	ssyncset.done $0x0  }
.Ltmp2:
0xb8: {  	s7 =	sadd.s32 $0x1400, s6;
	[sflag:s23] =	ssyncadd.s32 $0xFFFFC000;
	(pc) =	sbr.rel @p0 .LBB2_6-.Ltmp2, $4  }
0xb9: {  	[tilespmem:s16], [sflag:$0x1] =	stream.indirect.gather [hbm4b:s0+s18], $0x80, s7, s18, $0xb8;
	[tilespmem:$0x1E400] =	vst v63  }
0xba: {  	_ =	swait.ge [sflag:s25], $0x4000  }
0xbb: {  	[sflag:s25] =	ssyncset.done $0x0  }
0xbc: {  	s6 =	sadd.s32 $0x2780, s6;
	[sflag:s25] =	ssyncadd.s32 $0xFFFFC000  }
0xbd: {  	[spmem:s3] =	stream.indirect.scatter.add.f32 [tilespmem:s21], [sflag:$0x4], $0x80, s6, s18, $0xb8;
	[tilespmem:$0x1E400] =	vst v63  }
0xbe: {  	_ =	swait.ge [sflag:s28], $0x4000  }
0xbf: {  	[sflag:s28] =	ssyncset.done $0x0  }
0xc0: {  	[sflag:s28] =	ssyncadd.s32 $0xFFFFC000  }
0xc1: {  	[tilespmem:s21], [sflag:$0x2] =	stream.indirect.gather [hbm4b:s0+s18], $0x80, s29, s18, $0xb8;
	[tilespmem:$0x1E400] =	vst v63  }
0xc2: {  	_ =	swait.ge [sflag:s22], $0x4000  }
0xc3: {  	[sflag:s22] =	ssyncset.done $0x0  }
0xc4: {  	[sflag:s22] =	ssyncadd.s32 $0xFFFFC000  }
0xc5: {  	[spmem:s3] =	stream.indirect.scatter.add.f32 [tilespmem:s16], [sflag:$0x3], $0x80, s30, s18, $0xb8;
	[tilespmem:$0x1E400] =	vst v63  }
0xc6: {  	_ =	swait.ge [sflag:s25], $0x4000  }
0xc7: {  	[sflag:s25] =	ssyncset.done $0x0  }
0xc8: {  	[sflag:s25] =	ssyncadd.s32 $0xFFFFC000  }
0xc9: {  	[spmem:s3] =	stream.indirect.scatter.add.f32 [tilespmem:s21], [sflag:$0x4], $0x80, s31, s18, $0xb8;
	[tilespmem:$0x1E400] =	vst v63  }
0xca: {  	_ =	swait.ge [sflag:s23], $0x4000  }
0xcb: {  	[sflag:s23] =	ssyncset.done $0x0  }
0xcc: {  	[sflag:s23] =	ssyncadd.s32 $0xFFFFC000  }
0xcd: {  	s2 =	stileid.u32;
	_ =	swait.ge [sflag:s28], $0x4000  }
0xce: {  	s7 =	sshrl.u32 s5, $0x3;
	s1 =	sadd.s32 $0x1, s1;
	[sflag:s28] =	ssyncset.done $0x0  }
0xcf: {  	s2 =	sshll.u32 s2, $0x6;
	p0 =	sne.s32 s1, s15;
	[sflag:s28] =	ssyncadd.s32 $0xFFFFC000  }
.Ltmp3:
0xd0: {  	s2 =	sor.u32 $0x1C05, s2;
	[bflag:$0x0] =	sbarrier.arrive $0xFFFF;
	(pc) =	sbr.rel @p0 .LBB2_1-.Ltmp3, $4  }
0xd1: {  	[hbm:s14], [sflag:s2] =	dma.local [spmem:s7], $0x2780  }
0xd2: {  	_ =	swait.ge [sflag:s17], $0x2780  }
0xd3: {  	[sflag:s17] =	ssyncset.done $0x0  }
0xd4: {  	[sflag:s17] =	ssyncadd.s32 $0xFFFFD880  }
0xd5: {  	_ =	sfence.sel $0x180000  }
0xd6: {  	[bflag:$0x0] =	sbarrier.arrive $0xFFFF  }
0xd7: {  	_ =	strace $0x9000004D  }
0xd8: {  	s0 =	stileid.u32;
	[bflag:$0x2] =	sbarrier.arrive $0xFFFF  }
0xd9: {  	p0 =	sne.s32 s0, $0x0;
	s0 =	rddreg [dreg:$0x3]  }
0xda: {  	s0 =	sadd.s32 @!p0 $0x100000, s0  }
0xdb: {  	[sflag:s0] =	ssyncadd.tile.s32 @!p0 $0x1;
	_ =	shalt  }
.Lfunc_end2:
_tile_overlayer_lowered:
.L_overlay_start_2:
0xdc: {  	(tag) =	ssettag $0x2  }
0xdd: {  	s0 =	rddreg [dreg:$0x0];
	s2 =	stileid.u32  }
0xde: {  	s1 =	rddreg [dreg:$0x1];
	p0 =	sne.s32 s2, $0x0  }
0xdf: {  	s3 =	rddreg [dreg:$0x2];
	[bflag:$0x3] =	sbarrier.arrive $0xFFFF;
	s2 =	simm.s32 @!p0 $0x1C05  }
0xe0: {  	[timem:s3], [sflag:s2] =	dma.local @!p0 [hbm:s0], s1  }
0xe1: {  	s0 =	simm.s32 @!p0 $0x5  }
0xe2: {  	_ =	swait.ge @!p0 [sflag:s0], s1  }
0xe3: {  	s1 =	ssub.s32 @!p0 $0x0, s1;
	[sflag:s0] =	ssyncset.done @!p0 $0x0  }
0xe4: {  	[sflag:s0] =	ssyncadd.s32 @!p0 s1  }
0xe5: {  	[bflag:$0x3] =	sbarrier.arrive $0xFFFF  }
0xe6: {  	_ =	shalt  }

// kernel: kernel.8.cloned.1.call-start
scs
__scs_entry_jumppad:
0x0: {  	(pc) =	sbr.rel $0x88, $3  }
0x1: {  	(tag) =	ssettag $0x0;
	lr =	simm.s32 $0x1  }
0x2: {  	[smem:$0x3F93] =	sst lr;
	_ =	strace $0xD0000000  }
0x3: {  	_ = 	snop  }
0x4: {  	_ = 	snop  }
0x5: {  	_ = 	snop  }
0x6: {  	_ = 	snop  }
0x7: {  	_ = 	snop  }
__scs_overlays_trampoline_lowered:
0x8: {  	[smem:$0x3FA2] =	sst s0  }
0x9: {  	[smem:$0x3FA3] =	sst s1  }
0xa: {  	[smem:$0x3FA4] =	sst s2  }
0xb: {  	[smem:$0x3FA5] =	sst s3  }
0xc: {  	[smem:$0x3FA6] =	sst s4  }
0xd: {  	[smem:$0x3FA7] =	sst s5  }
0xe: {  	[smem:$0x3FA8] =	sst s6  }
0xf: {  	[smem:$0x3FA9] =	sst s7  }
0x10: {  	[smem:$0x3FAA] =	sst s8  }
0x11: {  	[smem:$0x3FAB] =	sst s9;
	s0 =	simm.s32 @!p0 $0x0  }
0x12: {  	s1 =	sld [smem:$0x3F91];
	s0 =	simm.s32 @p0 $0x1  }
0x13: {  	[smem:$0x3FAC] =	sst s0;
	s0 =	simm.s32 @!p1 $0x0  }
0x14: {  	s2 =	sld [smem:$0x3F90];
	s0 =	simm.s32 @p1 $0x1  }
0x15: {  	[smem:$0x3FAD] =	sst s0;
	s0 =	simm.s32 @!p2 $0x0  }
0x16: {  	s3 =	sld [smem:$0x3FDB];
	s0 =	simm.s32 @p2 $0x1  }
0x17: {  	s4 =	simm.s32 $0x1BF5;
	[smem:$0x3FAF] =	sst s0  }
0x18: {  	s0 =	sld [smem:$0x3F92];
	_ =	swait.ge [sflag:s4], $0x0  }
0x19: {  	s7 =	sld [smem:$0x3F93]  }
0x1a: {  	s8 =	sadd.s32 $0xFFFFE003, lr  }
0x1b: {  	s9 =	sadd.s32 $0xFFFFFEF7, lr;
	s5 =	simm.s32 $0xFFFFFFFF;
	p2 =	slt.u32 s8, $0xFFFFF086  }
0x1c: {  	p1 =	slt.u32 s9, $0xF7A;
	s5 =	simm.s32 @!p2 $0x0  }
0x1d: {  	s5 =	simm.s32 @p1 $0x1;
	p0 =	seq.s32 s7, s2  }
0x1e: {  	s7 =	smul.u32 @!p0 $0xF7A, s2;
	p2 =	seq.s32 @!p0 s5, $0x0  }
0x1f: {  	s9 =	smul.u32 $0xF7A, s1;
	s8 =	simm.s32 @!p0 $0x1BF5;
	p2 =	por !p2, p0  }
0x20: {  	[sflag:s8] =	ssyncset.s32 @!p0 $0xFFFFF086;
	s6 =	sadd.s32 @!p0 s3, s7;
	s7 =	simm.s32 @!p0 $0x108  }
0x21: {  	s3 =	sadd.s32 s3, s9;
	s6 =	sadd.s32 @!p0 $0x88, s6;
	s7 =	simm.s32 @p2 $0x1082  }
0x22: {  	[simem:s7], [sflag:s8] =	dma.local @!p0 [hbm:s6], $0xF7A  }
0x23: {  	s9 =	sor.u32 $0xD0000000, s2;
	s6 =	simm.s32 $0x108;
	_ =	swait.ge @!p0 [sflag:s8], $0x0  }
0x24: {  	s3 =	sadd.s32 $0x88, s3;
	s6 =	simm.s32 @!p1 $0x1082;
	[sflag:s4] =	ssyncset.s32 $0xFFFFF086  }
0x25: {  	[simem:s6], [sflag:s4] =	dma.local [hbm:s3], $0xF7A  }
0x26: {  	[smem:$0x3F93] =	sst s1;
	(tag) =	ssettag s2;
	_ =	strace s9  }
0x27: {  	s1 =	sld [smem:$0x3FA3]  }
0x28: {  	s2 =	sld [smem:$0x3FA4]  }
0x29: {  	s4 =	sld [smem:$0x3FA6]  }
0x2a: {  	p0 =	seq.s32 s5, $0x0;
	s5 =	sld [smem:$0x3FA7]  }
0x2b: {  	s6 =	sld [smem:$0x3FA8]  }
0x2c: {  	s7 =	sld [smem:$0x3FA9]  }
0x2d: {  	s3 =	simm.s32 $0x108;
	s8 =	sld [smem:$0x3FAA]  }
0x2e: {  	s3 =	simm.s32 @!p0 $0x1082;
	s9 =	sld [smem:$0x3FAB]  }
0x2f: {  	lr =	sadd.s32 s0, s3;
	s0 =	sld [smem:$0x3FA2]  }
0x30: {  	s3 =	sld [smem:$0x3FA5]  }
0x31: {  	[smem:$0x3FAE] =	sst s10  }
0x32: {  	s10 =	sld [smem:$0x3FAC];
	_ =	sdelay $0x3  }
0x33: {  	p0 =	seq.s32 s10, $0x1;
	s10 =	sld [smem:$0x3FAE];
	_ =	sdelay $0x3  }
0x34: {  	[smem:$0x3FAE] =	sst s10  }
0x35: {  	s10 =	sld [smem:$0x3FAD];
	_ =	sdelay $0x3  }
0x36: {  	p1 =	seq.s32 s10, $0x1;
	s10 =	sld [smem:$0x3FAE];
	_ =	sdelay $0x3  }
0x37: {  	[smem:$0x3FAE] =	sst s10  }
0x38: {  	s10 =	sld [smem:$0x3FAF]  }
0x39: {  	_ = 	snop;
	(pc) =	sbr.ind lr, $3  }
0x3a: {  	_ = 	snop  }
0x3b: {  	_ = 	snop  }
0x3c: {  	p2 =	seq.s32 s10, $0x1;
	s10 =	sld [smem:$0x3FAE]  }
0x3d: {  	_ =	shalt  }
0x3e: {  	_ =	shalt  }
0x3f: {  	_ =	shalt  }
0x40: {  	_ =	shalt  }
0x41: {  	_ =	shalt  }
0x42: {  	_ =	shalt  }
0x43: {  	_ =	shalt  }
0x44: {  	_ =	shalt  }
0x45: {  	_ =	shalt  }
0x46: {  	_ =	shalt  }
0x47: {  	_ =	shalt  }
0x48: {  	_ =	shalt  }
0x49: {  	_ =	shalt  }
0x4a: {  	_ =	shalt  }
0x4b: {  	_ =	shalt  }
0x4c: {  	_ =	shalt  }
0x4d: {  	_ =	shalt  }
0x4e: {  	_ =	shalt  }
0x4f: {  	_ =	shalt  }
0x50: {  	_ =	shalt  }
0x51: {  	_ =	shalt  }
0x52: {  	_ =	shalt  }
0x53: {  	_ =	shalt  }
0x54: {  	_ =	shalt  }
0x55: {  	_ =	shalt  }
0x56: {  	_ =	shalt  }
0x57: {  	_ =	shalt  }
0x58: {  	_ =	shalt  }
0x59: {  	_ =	shalt  }
0x5a: {  	_ =	shalt  }
0x5b: {  	_ =	shalt  }
0x5c: {  	_ =	shalt  }
0x5d: {  	_ =	shalt  }
0x5e: {  	_ =	shalt  }
0x5f: {  	_ =	shalt  }
0x60: {  	_ =	shalt  }
0x61: {  	_ =	shalt  }
0x62: {  	_ =	shalt  }
0x63: {  	_ =	shalt  }
0x64: {  	_ =	shalt  }
0x65: {  	_ =	shalt  }
0x66: {  	_ =	shalt  }
0x67: {  	_ =	shalt  }
0x68: {  	_ =	shalt  }
0x69: {  	_ =	shalt  }
0x6a: {  	_ =	shalt  }
0x6b: {  	_ =	shalt  }
0x6c: {  	_ =	shalt  }
0x6d: {  	_ =	shalt  }
0x6e: {  	_ =	shalt  }
0x6f: {  	_ =	shalt  }
0x70: {  	_ =	shalt  }
0x71: {  	_ =	shalt  }
0x72: {  	_ =	shalt  }
0x73: {  	_ =	shalt  }
0x74: {  	_ =	shalt  }
0x75: {  	_ =	shalt  }
0x76: {  	_ =	shalt  }
0x77: {  	_ =	shalt  }
0x78: {  	_ =	shalt  }
0x79: {  	_ =	shalt  }
0x7a: {  	_ =	shalt  }
0x7b: {  	_ =	shalt  }
0x7c: {  	_ =	shalt  }
0x7d: {  	_ =	shalt  }
0x7e: {  	_ =	shalt  }
0x7f: {  	_ =	shalt  }
0x80: {  	_ =	shalt  }
0x81: {  	_ =	shalt  }
0x82: {  	_ =	shalt  }
0x83: {  	_ =	shalt  }
0x84: {  	_ =	shalt  }
0x85: {  	_ =	shalt  }
0x86: {  	_ =	shalt  }
0x87: {  	_ =	shalt  }
.Lfunc_end0:
.L_simem_size_0:
called_computation_lowered:
.L_overlay_start_0:
0x88: {  	s2 =	sld [smem:$0x3FD9]  }
0x89: {  	s3 =	sld [smem:$0x3FFE];
	_ =	sdelay $0x1  }
0x8a: {  	s1 =	srdreg.scid  }
0x8b: {  	s0 =	sand.u32 $0x1, s1  }
0x8c: {  	s17 =	sshll.u32 s0, $0xA;
	s2 =	sadd.s32 s3, s2  }
0x8d: {  	s2 =	sadd.s32 s2, s17  }
0x8e: {  	[smem:$0x3FBA] =	sst s2  }
0x8f: {  	_ = 	snop  }
0x90: {  	s2 =	sld [smem:$0x3FD0];
	(tm) =	ssettm $0x1  }
0x91: {  	s18 =	sld [smem:$0x3FFB];
	_ =	sdelay $0x3  }
0x92: {  	_ =	strace s18  }
0x93: {  	s3 =	sld [smem:$0x3FFC];
	_ =	sdelay $0x3  }
0x94: {  	_ =	strace s3  }
0x95: {  	s3 =	sld [smem:$0x3FFD];
	_ =	sdelay $0x3  }
0x96: {  	_ =	strace s3  }
0x97: {  	_ =	strace $0x8FFFFFFF  }
0x98: {  	s19 =	sld [smem:$0x3FDB];
	_ =	sdelay $0x1  }
0x99: {  	s4 =	simm.s32 $_scs_section_size  }
0x9a: {  	s5 =	simm.s32 $_size__tile_overlayer_lowered;
	s6 =	simm.s32 $_tile_overlayer_lowered  }
0x9b: {  	s22 =	simm.s32 $0x1BFF;
	s21 =	sshll.u32 s6, $0x1;
	s3 =	sadd.s32 s4, s19  }
0x9c: {  	s7 =	simm.s32 $0x0;
	s20 =	sshll.u32 s5, $0x1;
	s5 =	sadd.s32 s21, s3  }
0x9d: {  	[timem:s7], [sflag:s22] =	dma.local [hbm:s5], s20  }
0x9e: {  	_ =	swait.ge [sflag:s22], s20  }
0x9f: {  	s4 =	ssub.s32 $0x0, s20;
	[sflag:s22] =	ssyncset.done $0x0  }
0xa0: {  	[sflag:s22] =	ssyncadd.s32 s4;
	_ =	sdelay $0x1  }
0xa1: {  	s23 =	simm.s32 $0x1B8B  }
0xa2: {  	_ =	swait.ge [sflag:s23], $0x1  }
0xa3: {  	[sflag:s23] =	ssyncset.done $0x0  }
0xa4: {  	s25 =	simm.s32 $0x1B8E;
	s24 =	sld [smem:$0x3FFE];
	[sflag:s23] =	ssyncadd.s32 $0xFFFFFFFF  }
0xa5: {  	s26 =	simm.s32 $execute0_lowered;
	[smem:$0x3FD2] =	sst s25  }
0xa6: {  	s5 =	sshll.u32 s26, $0x1;
	_ =	strace $0x80000046;
	[dreg:$0x1] =	wrdreg $0xFFFFFFFF  }
0xa7: {  	s28 =	simm.s32 $_size_execute0_lowered;
	s3 =	sadd.s32 s3, s5;
	[dreg:$0x0] =	wrdreg $0x0  }
0xa8: {  	s5 =	sshll.u32 s28, $0x1;
	[dreg:$0x2] =	wrdreg s3  }
0xa9: {  	[dreg:$0x3] =	wrdreg s5  }
0xaa: {  	[dreg:$0x4] =	wrdreg $0xC0  }
0xab: {  	_ =	task [dreg:s7], $0x5FFFF  }
0xac: {  	[dreg:$0x1] =	wrdreg $0xFFFFFFFF  }
0xad: {  	[dreg:$0x0] =	wrdreg $0x60  }
0xae: {  	[dreg:$0x2] =	wrdreg s2  }
0xaf: {  	[dreg:$0x3] =	wrdreg s24  }
0xb0: {  	[dreg:$0x4] =	wrdreg $0x9  }
0xb1: {  	_ =	task.clear_ibuf [dreg:s7], $0x5FFFF;
	_ =	strace $0x90000046  }
0xb2: {  	s29 =	simm.s32 $0x9;
	_ =	strace $0x80000048  }
0xb3: {  	_ =	swait.ge [sflag:s29], $0x1  }
0xb4: {  	[sflag:s29] =	ssyncadd.s32 $0xFFFFFFFF  }
0xb5: {  	_ =	strace $0x90000048  }
0xb6: {  	_ =	sfence  }
0xb7: {  	s30 =	sld [smem:$0x0];
	_ =	sdelay $0x2  }
0xb8: {  	s31 =	sshll.u32 s1, $0xD;
	s1 =	sshrl.u32 s1, $0x2  }
0xb9: {  	s3 =	sand.u32 $0x4000, s31;
	s1 =	sadd.s32 s1, s30  }
0xba: {  	s0 =	sor.u32 s3, s0;
	s1 =	sshll.u32 s1, $0x11  }
0xbb: {  	s0 =	sor.u32 s1, s0  }
0xbc: {  	s0 =	sadd.s32 $0x8F2B, s0  }
0xbd: {  	[sflag:s0] =	ssyncadd.remote.s32 $0x1  }
0xbe: {  	_ =	sfence.sel $0xFFFF  }
0xbf: {  	[dreg:$0x0] =	wrdreg $0xFFFFFFFF;
	(pc) =	sbr.abs _section_cstart, $3  }
0xc0: {  	[dreg:$0x1] =	wrdreg $0xFFFFFFFF  }
0xc1: {  	_ =	task.clear_ibuf [dreg:s7], $0x2FFFF;
	_ =	strace $0x9FFFFFFF  }
0xc2: {  	(tm) =	ssettm $0x7FFFFFFF  }
0xc3: {  	_ =	shalt  }
tec
execute0_lowered:
.L_overlay_start_1:
0x0: {  	(tag) =	ssettag $0x1  }
0x1: {  	s3 =	rddreg [dreg:$0x0];
	s1 =	srdreg.scid  }
0x2: {  	s0 =	stileid.u32;
	s6 =	rddreg [dreg:$0x1];
	s8 =	simm.s32 $0x1  }
0x3: {  	s9 =	simm.s32 $0x2780;
	s10 =	simm.s32 $0x0;
	s4 =	sand.u32 $0x1, s1  }
0x4: {  	s29 =	sshrl.u32 s0, $0x2;
	s2 =	sshll.u32 s0, $0x8;
	s1 =	rddreg [dreg:$0x2]  }
0x5: {  	s5 =	smul.u32 $0x13C00, s29;
	s30 =	sshll.u32 s4, $0x7;
	s2 =	sand.u32 $0x300, s2  }
0x6: {  	s4 =	ssub.s32 $0x2, s4;
	s7 =	sor.u32 s30, s2;
	s2 =	simm.s32 $0x0  }
0x7: {  	s31 =	sshrl.u32 s4, $0x1;
	s5 =	sor.u32 s5, s7;
	[smem:$0x7FF] =	sst s2  }
0x8: {  	s7 =	ssub.s32 s4, s31;
	s5 =	sshrl.u32 s5, $0x3;
	_ =	strace $0x80000047  }
0x9: {  	s6 =	sadd.s32 s5, s6;
	s3 =	sadd.s32 s3, s5;
	s5 =	smax.u32 s7, $0x1  }
0xa: {  	v0 =	vimm.f32 $0.0e+00;
	v1 =	vimm.f32 $1.000000000e+00;
	s7 =	simm.s32 $0x400;
	s4 =	sadd.s32 $0x4A00, s6;
	s6 =	simm.s32 $0x80  }
.LBB2_1:
0xb: {  	[tilespmem:s2], [sflag:$0x1] =	stream.strided.gather [hbm4b:s3+s6], $0x2780, s7, s6, $0x38;
	[tilespmem:$0x4F00] =	vst v63  }
0xc: {  	_ =	swait.ge [sflag:s8], $0x2780  }
0xd: {  	[sflag:s8] =	ssyncset.done $0x0  }
0xe: {  	s11 =	simm.s32 $0x0;
	[sflag:s8] =	ssyncadd.s32 $0xFFFFD880  }
.LBB2_2:
0xf: {  	p0 =	sne.s32 s11, $0x9C00  }
.Ltmp0:
0x10: {  	_ = 	snop;
	(pc) =	sbr.rel @p0 .LBB2_2-.Ltmp0, $3  }
0x11: {  	_ =	sdelay $0x1  }
0x12: {  	s12 =	sshra.s32 s11, $0x2  }
0x13: {  	s11 =	sadd.s32 $0x40, s11;
	[tilespmem:s12+$0x2780] =	vst v0  }
0x14: {  	s12 =	simm.s32 $0x0;
	s11 =	simm.s32 $0x40  }
.LBB2_4:
0x15: {  	p0 =	sne.s32 s11, $0x9C00;
	v2 =	vld [tilespmem:s12+$0x0];
	_ =	sdelay $0x3  }
.Ltmp1:
0x16: {  	(pc) =	sbr.rel @p0 .LBB2_4-.Ltmp1, $2  }
0x17: {  	_ =	sdelay $0x2  }
0x18: {  	s12 =	sshra.s32 s11, $0x2;
	s11 =	sadd.s32 $0x40, s11;
	[tilespmem:v2+s9+$0x0] =	vst.idx.add.f32.msk $0xffff, v1  }
0x19: {  	v2 =	vld [tilespmem:s12+$0x0];
	_ =	sdelay $0x5  }
0x1a: {  	s10 =	sadd.s32 $0x1, s10  }
0x1b: {  	p0 =	sne.s32 s10, s5  }
.Ltmp2:
0x1c: {  	[tilespmem:v2+s9+$0x0] =	vst.idx.add.f32.msk $0xffff, v1;
	(pc) =	sbr.rel @p0 .LBB2_1-.Ltmp2, $4  }
0x1d: {  	[hbm4b:s4+s6] =	stream.strided.scatter [tilespmem:s9], [sflag:$0x1], $0x2780, s7, s6, $0x38;
	[tilespmem:$0x4F00] =	vst v63  }
0x1e: {  	_ =	swait.ge [sflag:s8], $0x2780  }
0x1f: {  	[sflag:s8] =	ssyncset.done $0x0  }
0x20: {  	[sflag:s8] =	ssyncadd.s32 $0xFFFFD880  }
0x21: {  	_ =	sfence.sel $0x180000  }
0x22: {  	[bflag:$0x0] =	sbarrier.arrive $0xFFFF  }
0x23: {  	p0 =	sne.s32 s0, $0x0;
	_ =	strace $0x90000047  }
0x24: {  	s0 =	sadd.s32 @!p0 $0x100000, s1;
	[bflag:$0x2] =	sbarrier.arrive $0xFFFF  }
0x25: {  	[sflag:s0] =	ssyncadd.tile.s32 @!p0 $0x1;
	_ =	shalt  }
.Lfunc_end2:
_tile_overlayer_lowered:
.L_overlay_start_2:
0x26: {  	(tag) =	ssettag $0x2  }
0x27: {  	s0 =	rddreg [dreg:$0x0];
	s2 =	stileid.u32  }
0x28: {  	s1 =	rddreg [dreg:$0x1];
	p0 =	sne.s32 s2, $0x0  }
0x29: {  	s3 =	rddreg [dreg:$0x2];
	[bflag:$0x3] =	sbarrier.arrive $0xFFFF;
	s2 =	simm.s32 @!p0 $0x1C01  }
0x2a: {  	[timem:s3], [sflag:s2] =	dma.local @!p0 [hbm:s0], s1  }
0x2b: {  	s0 =	simm.s32 @!p0 $0x1  }
0x2c: {  	_ =	swait.ge @!p0 [sflag:s0], s1  }
0x2d: {  	s1 =	ssub.s32 @!p0 $0x0, s1;
	[sflag:s0] =	ssyncset.done @!p0 $0x0  }
0x2e: {  	[sflag:s0] =	ssyncadd.s32 @!p0 s1  }
0x2f: {  	[bflag:$0x3] =	sbarrier.arrive $0xFFFF  }
0x30: {  	_ =	shalt  }

</sc_bundles>
